<compile_context>
chip_gen: v7x
topology: tpu7x:2x2x1
jax: 0.10.2.dev20260603
libtpu: 0.0.44.dev20260713+nightly
codegen_flags: <defaults>
</compile_context>

<pallas_src>
import functools
import math

import jax
import jax.numpy as jnp
from jax import lax
from jax.experimental import pallas as pl
from jax.experimental.pallas import tpu as pltpu
from jax.experimental.pallas import tpu_sc as plsc

N = 10000
E = 160000
F_IN = 128
HID = 32
G = 64
LOG2 = math.log(2.0)

NW = 32
CHUNK = 128
C_PER_W = 40
E_PAD = NW * CHUNK * C_PER_W
N_SP = 10240
ROWS_PER_TILE = N_SP // 16

_f32 = jnp.float32



@functools.lru_cache(maxsize=None)
def _sc_gather_kernel(W):
    mesh = plsc.VectorSubcoreMesh(core_axis_name="c", subcore_axis_name="s")

    @functools.partial(
        pl.kernel, mesh=mesh,
        out_type=jax.ShapeDtypeStruct((E_PAD, W), _f32),
        compiler_params=pltpu.CompilerParams(use_tc_tiling_on_sc=False),
        scratch_types=[
            pltpu.VMEM((C_PER_W, CHUNK), jnp.int32),
            pltpu.VMEM((CHUNK, W), _f32),
            pltpu.SemaphoreType.DMA,
        ],
    )
    def k(table_hbm, idx_hbm, out_hbm, idxs_v, rows_v, sem):
        c = lax.axis_index("c")
        s = lax.axis_index("s")
        wid = s * 2 + c
        pltpu.sync_copy(idx_hbm.at[pl.ds(wid * C_PER_W, C_PER_W)], idxs_v)

        def body(j, carry):
            pltpu.async_copy(table_hbm.at[idxs_v.at[j]], rows_v, sem).wait()
            pltpu.sync_copy(rows_v, out_hbm.at[pl.ds((wid * C_PER_W + j) * CHUNK, CHUNK)])
            return carry

        lax.fori_loop(0, C_PER_W, body, 0)

    return k


def _sc_gather(table, idx2):
    return _sc_gather_kernel(table.shape[1])(table, idx2)


@functools.lru_cache(maxsize=None)
def _sc_scatter_kernel(W):
    mesh = plsc.VectorSubcoreMesh(core_axis_name="c", subcore_axis_name="s")

    @functools.partial(
        pl.kernel, mesh=mesh,
        out_type=jax.ShapeDtypeStruct((2, N_SP, W), _f32),
        compiler_params=pltpu.CompilerParams(use_tc_tiling_on_sc=False),
        scratch_types=[
            pltpu.VMEM((C_PER_W, CHUNK), jnp.int32),
            pltpu.VMEM((CHUNK, W), _f32),
            pltpu.VMEM_SHARED((N_SP, W), _f32),
        ],
    )
    def k(rows_hbm, idx_hbm, z_hbm, out_hbm, idxs_v, rows_v, acc_sh):
        c = lax.axis_index("c")
        s = lax.axis_index("s")
        wid = s * 2 + c
        pltpu.sync_copy(z_hbm, acc_sh.at[pl.ds(s * ROWS_PER_TILE, ROWS_PER_TILE)])
        pltpu.sync_copy(idx_hbm.at[pl.ds(wid * C_PER_W, C_PER_W)], idxs_v)
        plsc.subcore_barrier()

        def body(j, carry):
            pltpu.sync_copy(
                rows_hbm.at[pl.ds((wid * C_PER_W + j) * CHUNK, CHUNK)], rows_v)
            pltpu.sync_copy(rows_v, acc_sh.at[idxs_v.at[j]], add=True)
            return carry

        lax.fori_loop(0, C_PER_W, body, 0)
        plsc.subcore_barrier()
        pltpu.sync_copy(
            acc_sh.at[pl.ds(s * ROWS_PER_TILE, ROWS_PER_TILE)],
            out_hbm.at[c, pl.ds(s * ROWS_PER_TILE, ROWS_PER_TILE)])

    return k


def _sc_scatter_add(rows, idx2, W):
    zrows = jnp.zeros((ROWS_PER_TILE, W), _f32)
    return _sc_scatter_kernel(W)(rows, idx2, zrows)


def _sc_degree(idx2):
    mesh = plsc.VectorSubcoreMesh(core_axis_name="c", subcore_axis_name="s")
    Wd = 16
    zrows = jnp.zeros((ROWS_PER_TILE, Wd), _f32)
    ones = jnp.ones((CHUNK, Wd), _f32)

    @functools.partial(
        pl.kernel, mesh=mesh,
        out_type=jax.ShapeDtypeStruct((2, N_SP, Wd), _f32),
        compiler_params=pltpu.CompilerParams(use_tc_tiling_on_sc=False),
        scratch_types=[
            pltpu.VMEM((C_PER_W, CHUNK), jnp.int32),
            pltpu.VMEM((CHUNK, Wd), _f32),
            pltpu.VMEM_SHARED((N_SP, Wd), _f32),
        ],
    )
    def k(idx_hbm, z_hbm, ones_hbm, out_hbm, idxs_v, ones_v, acc_sh):
        c = lax.axis_index("c")
        s = lax.axis_index("s")
        wid = s * 2 + c
        pltpu.sync_copy(z_hbm, acc_sh.at[pl.ds(s * ROWS_PER_TILE, ROWS_PER_TILE)])
        pltpu.sync_copy(idx_hbm.at[pl.ds(wid * C_PER_W, C_PER_W)], idxs_v)
        pltpu.sync_copy(ones_hbm, ones_v)
        plsc.subcore_barrier()

        def body(j, carry):
            pltpu.sync_copy(ones_v, acc_sh.at[idxs_v.at[j]], add=True)
            return carry

        lax.fori_loop(0, C_PER_W, body, 0)
        plsc.subcore_barrier()
        pltpu.sync_copy(
            acc_sh.at[pl.ds(s * ROWS_PER_TILE, ROWS_PER_TILE)],
            out_hbm.at[c, pl.ds(s * ROWS_PER_TILE, ROWS_PER_TILE)])

    return k(idx2, zrows, ones)



BN = 1000
BE = 640


def _relu(x):
    return jnp.maximum(x, 0.0)


def _lin0_body(nf, ws, bs, wu, bu, o):
    x = nf[...]
    a = _relu(jnp.dot(x, ws[...], preferred_element_type=_f32) + bs[...])
    b = _relu(jnp.dot(x, wu[...], preferred_element_type=_f32) + bu[...])
    o[...] = jnp.concatenate([a, b], axis=1)


def _tc_lin0(nfeat, ps, pu):
    return pl.pallas_call(
        _lin0_body,
        grid=(N // BN,),
        in_specs=[
            pl.BlockSpec((BN, F_IN), lambda i: (i, 0)),
            pl.BlockSpec((F_IN, HID), lambda i: (0, 0)),
            pl.BlockSpec((1, HID), lambda i: (0, 0)),
            pl.BlockSpec((F_IN, HID), lambda i: (0, 0)),
            pl.BlockSpec((1, HID), lambda i: (0, 0)),
        ],
        out_specs=pl.BlockSpec((BN, 2 * HID), lambda i: (i, 0)),
        out_shape=jax.ShapeDtypeStruct((N, 2 * HID), _f32),
    )(nfeat, ps['lin0_w'], ps['lin0_b'].reshape(1, -1),
      pu['lin0_w'], pu['lin0_b'].reshape(1, -1))


def _edgenet_body(ef, w1s, b1s, w2s, b2s, w1u, b1u, w2u, b2u, os_, ou_):
    x = ef[...]
    hs = _relu(jnp.dot(x, w1s[...], preferred_element_type=_f32) + b1s[...])
    os_[...] = jnp.dot(hs, w2s[...], preferred_element_type=_f32) + b2s[...]
    hu = _relu(jnp.dot(x, w1u[...], preferred_element_type=_f32) + b1u[...])
    ou_[...] = jnp.dot(hu, w2u[...], preferred_element_type=_f32) + b2u[...]


def _tc_edgenet(efeat_pad, ps, pu):
    HH = HID * HID
    return pl.pallas_call(
        _edgenet_body,
        grid=(E_PAD // BE,),
        in_specs=[
            pl.BlockSpec((BE, 5), lambda i: (i, 0)),
            pl.BlockSpec((5, 128), lambda i: (0, 0)),
            pl.BlockSpec((1, 128), lambda i: (0, 0)),
            pl.BlockSpec((128, HH), lambda i: (0, 0)),
            pl.BlockSpec((1, HH), lambda i: (0, 0)),
            pl.BlockSpec((5, 128), lambda i: (0, 0)),
            pl.BlockSpec((1, 128), lambda i: (0, 0)),
            pl.BlockSpec((128, HH), lambda i: (0, 0)),
            pl.BlockSpec((1, HH), lambda i: (0, 0)),
        ],
        out_specs=[
            pl.BlockSpec((BE, HH), lambda i: (i, 0)),
            pl.BlockSpec((BE, HH), lambda i: (i, 0)),
        ],
        out_shape=[
            jax.ShapeDtypeStruct((E_PAD, HH), _f32),
            jax.ShapeDtypeStruct((E_PAD, HH), _f32),
        ],
    )(efeat_pad, ps['nn_w1'], ps['nn_b1'].reshape(1, -1),
      ps['nn_w2'], ps['nn_b2'].reshape(1, -1),
      pu['nn_w1'], pu['nn_b1'].reshape(1, -1),
      pu['nn_w2'], pu['nn_b2'].reshape(1, -1))


def _fold_sum(y):
    w = HID * HID
    while w > HID:
        w //= 2
        y = y[:, :w] + y[:, w:]
    return y


def _matvec_body(osrc, ef, rexp, w1s, b1s, w2s, b2s, w1u, b1u, w2u, b2u, o):
    x = osrc[...]
    e = ef[...]
    r = rexp[...]
    hs = _relu(jnp.dot(e, w1s[...], preferred_element_type=_f32) + b1s[...])
    ews = jnp.dot(hs, w2s[...], preferred_element_type=_f32) + b2s[...]
    hu = _relu(jnp.dot(e, w1u[...], preferred_element_type=_f32) + b1u[...])
    ewu = jnp.dot(hu, w2u[...], preferred_element_type=_f32) + b2u[...]
    xs = jnp.dot(x[:, :HID], r, precision=jax.lax.Precision.HIGHEST,
                 preferred_element_type=_f32)
    xu = jnp.dot(x[:, HID:], r, precision=jax.lax.Precision.HIGHEST,
                 preferred_element_type=_f32)
    accs = _fold_sum(xs * ews)
    accu = _fold_sum(xu * ewu)
    o[...] = jnp.concatenate([accs, accu], axis=1)


def _tc_matvec(out_src, efeat_pad, rexp, ps, pu):
    HH = HID * HID
    return pl.pallas_call(
        _matvec_body,
        grid=(E_PAD // BE,),
        in_specs=[
            pl.BlockSpec((BE, 2 * HID), lambda i: (i, 0)),
            pl.BlockSpec((BE, 5), lambda i: (i, 0)),
            pl.BlockSpec((HID, HH), lambda i: (0, 0)),
            pl.BlockSpec((5, 128), lambda i: (0, 0)),
            pl.BlockSpec((1, 128), lambda i: (0, 0)),
            pl.BlockSpec((128, HH), lambda i: (0, 0)),
            pl.BlockSpec((1, HH), lambda i: (0, 0)),
            pl.BlockSpec((5, 128), lambda i: (0, 0)),
            pl.BlockSpec((1, 128), lambda i: (0, 0)),
            pl.BlockSpec((128, HH), lambda i: (0, 0)),
            pl.BlockSpec((1, HH), lambda i: (0, 0)),
        ],
        out_specs=pl.BlockSpec((BE, 2 * HID), lambda i: (i, 0)),
        out_shape=jax.ShapeDtypeStruct((E_PAD, 2 * HID), _f32),
    )(out_src, efeat_pad, rexp,
      ps['nn_w1'], ps['nn_b1'].reshape(1, -1),
      ps['nn_w2'], ps['nn_b2'].reshape(1, -1),
      pu['nn_w1'], pu['nn_b1'].reshape(1, -1),
      pu['nn_w2'], pu['nn_b2'].reshape(1, -1))


def _gru_half(m, h, wi, bi, wh, bh):
    gi = jnp.dot(m, wi, preferred_element_type=_f32) + bi
    gh = jnp.dot(h, wh, preferred_element_type=_f32) + bh
    r = jax.nn.sigmoid(gi[:, :HID] + gh[:, :HID])
    z = jax.nn.sigmoid(gi[:, HID:2 * HID] + gh[:, HID:2 * HID])
    n = jnp.tanh(gi[:, 2 * HID:] + r * gh[:, 2 * HID:])
    return (1.0 - z) * n + z * h


def _gru_body(mp, dp, hc, cbs, cbu, wis, bis, whs, bhs, wiu, biu, whu, bhu, o):
    deg = dp[0][:, 0:1] + dp[1][:, 0:1]
    rdeg = 1.0 / jnp.maximum(deg, 1.0)
    msum = (mp[0] + mp[1]) * rdeg
    m_s = _relu(msum[:, :HID] + cbs[...])
    m_u = _relu(msum[:, HID:] + cbu[...])
    h_s = hc[...][:, :HID]
    h_u = hc[...][:, HID:]
    ns = _gru_half(m_s, h_s, wis[...], bis[...], whs[...], bhs[...])
    nu = _gru_half(m_u, h_u, wiu[...], biu[...], whu[...], bhu[...])
    o[...] = jnp.concatenate([ns, nu], axis=1)


def _tc_gru(mp, degp, hc, ps, pu):
    return pl.pallas_call(
        _gru_body,
        grid=(N // BN,),
        in_specs=[
            pl.BlockSpec((2, BN, 2 * HID), lambda i: (0, i, 0)),
            pl.BlockSpec((2, BN, 16), lambda i: (0, i, 0)),
            pl.BlockSpec((BN, 2 * HID), lambda i: (i, 0)),
            pl.BlockSpec((1, HID), lambda i: (0, 0)),
            pl.BlockSpec((1, HID), lambda i: (0, 0)),
            pl.BlockSpec((HID, 3 * HID), lambda i: (0, 0)),
            pl.BlockSpec((1, 3 * HID), lambda i: (0, 0)),
            pl.BlockSpec((HID, 3 * HID), lambda i: (0, 0)),
            pl.BlockSpec((1, 3 * HID), lambda i: (0, 0)),
            pl.BlockSpec((HID, 3 * HID), lambda i: (0, 0)),
            pl.BlockSpec((1, 3 * HID), lambda i: (0, 0)),
            pl.BlockSpec((HID, 3 * HID), lambda i: (0, 0)),
            pl.BlockSpec((1, 3 * HID), lambda i: (0, 0)),
        ],
        out_specs=pl.BlockSpec((BN, 2 * HID), lambda i: (i, 0)),
        out_shape=jax.ShapeDtypeStruct((N, 2 * HID), _f32),
    )(mp, degp, hc,
      ps['conv_b'].reshape(1, -1), pu['conv_b'].reshape(1, -1),
      ps['gru_wi'], ps['gru_bi'].reshape(1, -1),
      ps['gru_wh'], ps['gru_bh'].reshape(1, -1),
      pu['gru_wi'], pu['gru_bi'].reshape(1, -1),
      pu['gru_wh'], pu['gru_bh'].reshape(1, -1))


def _softplus(x):
    return jnp.maximum(x, 0.0) + jnp.log(1.0 + jnp.exp(-jnp.abs(x)))


def _pos_exp(x):
    return LOG2 - _softplus(-x)


def _neg_exp(x):
    return _softplus(-x) + x - LOG2


def _ffnn_in(x, w1, b1, w2, b2, w3, b3, jw, jb):
    h = _relu(jnp.dot(x, w1, preferred_element_type=_f32) + b1)
    h = _relu(jnp.dot(h, w2, preferred_element_type=_f32) + b2)
    h = _relu(jnp.dot(h, w3, preferred_element_type=_f32) + b3)
    return h + jnp.dot(x, jw, preferred_element_type=_f32) + jb


def _set2set(out, oh, wi, bi, wh, bh):
    q_star = jnp.zeros((G, 2 * HID), _f32)
    hh = jnp.zeros((G, HID), _f32)
    cc = jnp.zeros((G, HID), _f32)
    for _ in range(3):
        gates = (jnp.dot(q_star, wi, preferred_element_type=_f32) + bi
                 + jnp.dot(hh, wh, preferred_element_type=_f32) + bh)
        i_, f_, g_, o_ = (gates[:, :HID], gates[:, HID:2 * HID],
                          gates[:, 2 * HID:3 * HID], gates[:, 3 * HID:])
        cc = jax.nn.sigmoid(f_) * cc + jax.nn.sigmoid(i_) * jnp.tanh(g_)
        hh = jax.nn.sigmoid(o_) * jnp.tanh(cc)
        qn = jnp.dot(oh, hh, preferred_element_type=_f32)
        e = jnp.sum(out * qn, axis=1, keepdims=True)
        em = jnp.max(jnp.where(oh > 0.0, e, -1e30), axis=0, keepdims=True)
        ee = jnp.exp(e - jnp.dot(oh, em.T, preferred_element_type=_f32))
        denom = lax.dot_general(oh, ee, (((0,), (0,)), ((), ())),
                                preferred_element_type=_f32)
        inv = 1.0 / jnp.maximum(denom, 1e-30)
        a = ee * jnp.dot(oh, inv, preferred_element_type=_f32)
        r = lax.dot_general(oh, a * out, (((0,), (0,)), ((), ())),
                            preferred_element_type=_f32)
        q_star = jnp.concatenate([hh, r], axis=1)
    return q_star


def _final_body(hc, gid, s2s_s, s2s_u, fc, f_ugd, f_uld, f_sd, f_ud,
                pred_o, ul_o, cl_o):
    out_s = hc[...][:, :HID]
    out_u = hc[...][:, HID:]
    g = gid[...]
    oh = (lax.broadcasted_iota(jnp.int32, (N, G), 1) == g).astype(_f32)

    sup_emb = _set2set(out_s, oh, *[r[...] for r in s2s_s])
    unsup_emb = _set2set(out_u, oh, *[r[...] for r in s2s_u])

    fc1_w, fc1_b, fc2_w, fc2_b = [r[...] for r in fc]
    pred = (jnp.dot(_relu(jnp.dot(sup_emb, fc1_w,
                                  preferred_element_type=_f32) + fc1_b),
                    fc2_w, preferred_element_type=_f32) + fc2_b)
    pred_o[...] = pred

    g_enc = _ffnn_in(unsup_emb, *[r[...] for r in f_ugd])
    l_enc = _ffnn_in(out_u, *[r[...] for r in f_uld])
    sup_g = _ffnn_in(sup_emb, *[r[...] for r in f_sd])
    unsup_g = _ffnn_in(unsup_emb, *[r[...] for r in f_ud])

    res = lax.dot_general(l_enc, g_enc, (((1,), (1,)), ((), ())),
                          preferred_element_type=_f32)
    e_pos = jnp.sum(_pos_exp(res * oh)) / N
    e_neg = jnp.sum(_neg_exp(res * (1.0 - oh))) / (N * (G - 1))
    ul_o[...] = jnp.broadcast_to(e_neg - e_pos, (1, 1))

    res2 = lax.dot_general(sup_g, unsup_g, (((1,), (1,)), ((), ())),
                           preferred_element_type=_f32)
    eye = (lax.broadcasted_iota(jnp.int32, (G, G), 0)
           == lax.broadcasted_iota(jnp.int32, (G, G), 1)).astype(_f32)
    e_pos2 = jnp.sum(_pos_exp(res2 * eye)) / G
    e_neg2 = jnp.sum(_neg_exp(res2 * (1.0 - eye))) / (G * (G - 1))
    cl_o[...] = jnp.broadcast_to(e_neg2 - e_pos2, (1, 1))


def _tc_final(hc, gid2d, params):
    ps, pu = params['sup'], params['unsup']
    s2s_s = [ps['s2s_wi'], ps['s2s_bi'].reshape(1, -1),
             ps['s2s_wh'], ps['s2s_bh'].reshape(1, -1)]
    s2s_u = [pu['s2s_wi'], pu['s2s_bi'].reshape(1, -1),
             pu['s2s_wh'], pu['s2s_bh'].reshape(1, -1)]
    fc = [params['fc1_w'], params['fc1_b'].reshape(1, -1),
          params['fc2_w'], params['fc2_b'].reshape(1, -1)]

    def ffnn_list(p):
        return [p['w1'], p['b1'].reshape(1, -1), p['w2'], p['b2'].reshape(1, -1),
                p['w3'], p['b3'].reshape(1, -1), p['jw'], p['jb'].reshape(1, -1)]

    full = lambda x: pl.BlockSpec(x.shape, lambda: tuple(0 for _ in x.shape))
    args = [hc, gid2d] + s2s_s + s2s_u + fc + \
        ffnn_list(params['ugd']) + ffnn_list(params['uld']) + \
        ffnn_list(params['sd']) + ffnn_list(params['ud'])

    def body(*refs):
        hc_r, gid_r = refs[0], refs[1]
        s2ss = refs[2:6]
        s2su = refs[6:10]
        fcr = refs[10:14]
        ugd = refs[14:22]
        uld = refs[22:30]
        sd = refs[30:38]
        ud = refs[38:46]
        pred_o, ul_o, cl_o = refs[46], refs[47], refs[48]
        _final_body(hc_r, gid_r, s2ss, s2su, fcr, ugd, uld, sd, ud,
                    pred_o, ul_o, cl_o)

    return pl.pallas_call(
        body,
        in_specs=[full(a) for a in args],
        out_specs=[
            pl.BlockSpec((G, 1), lambda: (0, 0)),
            pl.BlockSpec((1, 1), lambda: (0, 0)),
            pl.BlockSpec((1, 1), lambda: (0, 0)),
        ],
        out_shape=[
            jax.ShapeDtypeStruct((G, 1), _f32),
            jax.ShapeDtypeStruct((1, 1), _f32),
            jax.ShapeDtypeStruct((1, 1), _f32),
        ],
    )(*args)



def kernel(nfeat, efeat, edge_index, graph_id, params):
    ps, pu = params['sup'], params['unsup']
    src = edge_index[0].astype(jnp.int32)
    dst = edge_index[1].astype(jnp.int32)
    pad = E_PAD - E
    src2 = jnp.concatenate([src, jnp.zeros((pad,), jnp.int32)]).reshape(-1, CHUNK)
    dst2 = jnp.concatenate([dst, jnp.full((pad,), N, jnp.int32)]).reshape(-1, CHUNK)
    efeat_pad = jnp.concatenate([efeat, jnp.zeros((pad, 5), _f32)], axis=0)
    gid2d = graph_id.astype(jnp.int32).reshape(N, 1)
    rexp = jnp.repeat(jnp.eye(HID, dtype=_f32), HID, axis=1)

    degp = _sc_degree(dst2)
    hc = _tc_lin0(nfeat, ps, pu)

    for _ in range(3):
        out_src = _sc_gather(hc, src2)
        msg = _tc_matvec(out_src, efeat_pad, rexp, ps, pu)
        mp = _sc_scatter_add(msg, dst2, 2 * HID)
        hc = _tc_gru(mp[:, :N, :], degp[:, :N, :], hc, ps, pu)

    pred, ul, cl = _tc_final(hc, gid2d, params)
    return pred.reshape(-1), ul.reshape(()), cl.reshape(())

# --- scband reference (transcript-rebuilt; emitter-appended) ---
"""Pipeline reference for scband-info-graph-s-29497835389381 (READ-ONLY COPY).

The authoritative reference and input builder live on the scoring server;
editing this copy changes nothing except your own understanding.
"""

import jax, jax.numpy as jnp
import numpy as np
import math

N = 10000
E = 160000
F_IN = 128
HID = 32
G = 64
LOG2 = math.log(2.0)


def _make_ffnn(nk, in_dim, hid):
    return {
        'w1': jax.random.normal(nk(), (in_dim, hid), jnp.float32) * 0.05,
        'b1': jnp.zeros((hid,), jnp.float32),
        'w2': jax.random.normal(nk(), (hid, hid), jnp.float32) * 0.05,
        'b2': jnp.zeros((hid,), jnp.float32),
        'w3': jax.random.normal(nk(), (hid, hid), jnp.float32) * 0.05,
        'b3': jnp.zeros((hid,), jnp.float32),
        'jw': jax.random.normal(nk(), (in_dim, hid), jnp.float32) * 0.05,
        'jb': jnp.zeros((hid,), jnp.float32),
    }


def _make_encoder(nk, in_dim, hid):
    return {
        'lin0_w': jax.random.normal(nk(), (in_dim, hid), jnp.float32) * 0.05,
        'lin0_b': jnp.zeros((hid,), jnp.float32),
        'nn_w1': jax.random.normal(nk(), (5, 128), jnp.float32) * 0.05,
        'nn_b1': jnp.zeros((128,), jnp.float32),
        'nn_w2': jax.random.normal(nk(), (128, hid * hid), jnp.float32) * 0.02,
        'nn_b2': jnp.zeros((hid * hid,), jnp.float32),
        'conv_b': jnp.zeros((hid,), jnp.float32),
        'gru_wi': jax.random.normal(nk(), (hid, 3 * hid), jnp.float32) * 0.05,
        'gru_wh': jax.random.normal(nk(), (hid, 3 * hid), jnp.float32) * 0.05,
        'gru_bi': jnp.zeros((3 * hid,), jnp.float32),
        'gru_bh': jnp.zeros((3 * hid,), jnp.float32),
        's2s_wi': jax.random.normal(nk(), (2 * hid, 4 * hid), jnp.float32) * 0.05,
        's2s_wh': jax.random.normal(nk(), (hid, 4 * hid), jnp.float32) * 0.05,
        's2s_bi': jnp.zeros((4 * hid,), jnp.float32),
        's2s_bh': jnp.zeros((4 * hid,), jnp.float32),
    }


def setup_inputs(seed: int = 0):
    key = jax.random.key(seed)
    cnt = [0]
    def nk():
        cnt[0] += 1
        return jax.random.fold_in(key, cnt[0])
    nfeat = jax.random.normal(nk(), (N, F_IN), jnp.float32)
    efeat = jax.random.normal(nk(), (E, 5), jnp.float32)
    edge_index = jax.random.randint(nk(), (2, E), 0, N)
    graph_id = jnp.sort(jax.random.randint(nk(), (N,), 0, G))
    params = {
        'sup': _make_encoder(nk, F_IN, HID),
        'unsup': _make_encoder(nk, F_IN, HID),
        'fc1_w': jax.random.normal(nk(), (2 * HID, HID), jnp.float32) * 0.05,
        'fc1_b': jnp.zeros((HID,), jnp.float32),
        'fc2_w': jax.random.normal(nk(), (HID, 1), jnp.float32) * 0.05,
        'fc2_b': jnp.zeros((1,), jnp.float32),
        'uld': _make_ffnn(nk, HID, HID),
        'ugd': _make_ffnn(nk, 2 * HID, HID),
        'sd': _make_ffnn(nk, 2 * HID, HID),
        'ud': _make_ffnn(nk, 2 * HID, HID),
    }
    return {'nfeat': nfeat, 'efeat': efeat, 'edge_index': edge_index, 'graph_id': graph_id, 'params': params}


def _ffnn(x, p):
    h = jax.nn.relu(x @ p['w1'] + p['b1'])
    h = jax.nn.relu(h @ p['w2'] + p['b2'])
    h = jax.nn.relu(h @ p['w3'] + p['b3'])
    return h + (x @ p['jw'] + p['jb'])


def _gru(x, h, p):
    gi = x @ p['gru_wi'] + p['gru_bi']
    gh = h @ p['gru_wh'] + p['gru_bh']
    ir, iz, inn = jnp.split(gi, 3, axis=-1)
    hr, hz, hn = jnp.split(gh, 3, axis=-1)
    r = jax.nn.sigmoid(ir + hr)
    z = jax.nn.sigmoid(iz + hz)
    n = jnp.tanh(inn + r * hn)
    return (1.0 - z) * n + z * h


def _lstm(x, h, c, p):
    gates = x @ p['s2s_wi'] + p['s2s_bi'] + h @ p['s2s_wh'] + p['s2s_bh']
    i, f, g, o = jnp.split(gates, 4, axis=-1)
    c2 = jax.nn.sigmoid(f) * c + jax.nn.sigmoid(i) * jnp.tanh(g)
    h2 = jax.nn.sigmoid(o) * jnp.tanh(c2)
    return h2, c2


def _encoder(nfeat, efeat, edge_index, graph_id, p):
    n = nfeat.shape[0]
    src = edge_index[0]
    dst = edge_index[1]
    out = jax.nn.relu(nfeat @ p['lin0_w'] + p['lin0_b'])
    h = out
    # NNConv edge network: 5 -> 128 -> hid*hid per-edge weight matrices
    ew = jax.nn.relu(efeat @ p['nn_w1'] + p['nn_b1']) @ p['nn_w2'] + p['nn_b2']
    we = ew.reshape(-1, HID, HID)
    deg = jax.ops.segment_sum(jnp.ones((src.shape[0],), jnp.float32), dst, num_segments=n)
    deg = jnp.maximum(deg, 1.0)
    for _ in range(3):
        msg = jnp.einsum('eh,ehk->ek', out[src], we)
        agg = jax.ops.segment_sum(msg, dst, num_segments=n) / deg[:, None] + p['conv_b']
        m = jax.nn.relu(agg)
        h = _gru(m, h, p)
        out = h
    # Set2Set readout (n_iters=3)
    q_star = jnp.zeros((G, 2 * HID), jnp.float32)
    hh = jnp.zeros((G, HID), jnp.float32)
    cc = jnp.zeros((G, HID), jnp.float32)
    for _ in range(3):
        hh, cc = _lstm(q_star, hh, cc, p)
        q = hh
        e = jnp.sum(out * q[graph_id], axis=-1)
        emax = jax.ops.segment_max(e, graph_id, num_segments=G)
        ee = jnp.exp(e - emax[graph_id])
        denom = jax.ops.segment_sum(ee, graph_id, num_segments=G)
        a = ee / denom[graph_id]
        r = jax.ops.segment_sum(a[:, None] * out, graph_id, num_segments=G)
        q_star = jnp.concatenate([q, r], axis=-1)
    return q_star, out


def _pos_exp(x):
    return LOG2 - jax.nn.softplus(-x)


def _neg_exp(x):
    return jax.nn.softplus(-x) + x - LOG2


def _local_global_loss(l_enc, g_enc, graph_id):
    num_nodes = l_enc.shape[0]
    num_graphs = g_enc.shape[0]
    pos_mask = jax.nn.one_hot(graph_id, num_graphs, dtype=jnp.float32)
    neg_mask = 1.0 - pos_mask
    res = l_enc @ g_enc.T
    e_pos = jnp.sum(_pos_exp(res * pos_mask)) / num_nodes
    e_neg = jnp.sum(_neg_exp(res * neg_mask)) / (num_nodes * (num_graphs - 1))
    return e_neg - e_pos


def _global_global_loss(g1, g2):
    num_graphs = g1.shape[0]
    pos_mask = jnp.eye(num_graphs, dtype=jnp.float32)
    neg_mask = 1.0 - pos_mask
    res = g1 @ g2.T
    e_pos = jnp.sum(_pos_exp(res * pos_mask)) / num_graphs
    e_neg = jnp.sum(_neg_exp(res * neg_mask)) / (num_graphs * (num_graphs - 1))
    return e_neg - e_pos


def reference(nfeat, efeat, edge_index, graph_id, params):
    sup_emb, sup_local = _encoder(nfeat, efeat, edge_index, graph_id, params['sup'])
    pred = jax.nn.relu(sup_emb @ params['fc1_w'] + params['fc1_b']) @ params['fc2_w'] + params['fc2_b']
    pred = pred.reshape(-1)
    unsup_emb, unsup_local = _encoder(nfeat, efeat, edge_index, graph_id, params['unsup'])
    g_enc = _ffnn(unsup_emb, params['ugd'])
    l_enc = _ffnn(unsup_local, params['uld'])
    sup_g = _ffnn(sup_emb, params['sd'])
    unsup_g = _ffnn(unsup_emb, params['ud'])
    unsup_loss = _local_global_loss(l_enc, g_enc, graph_id)
    con_loss = _global_global_loss(sup_g, unsup_g)
    return pred, unsup_loss, con_loss

if __name__ == "__main__":
    import jax
    _d = setup_inputs()
    print(jax.jit(kernel)(*tuple(_d.values())))

</pallas_src>

<mosaic_0001>
#map = affine_map<(d0, d1) -> (0, 0)>
#map1 = affine_map<(d0, d1) -> (0, 0, 0)>
module attributes {stable_mosaic.version = 14 : i64} {
  func.func @k(%arg0: i32, %arg1: i32, %arg2: memref<163840x64xf32, #tpu.memory_space<hbm>>, %arg3: memref<1280x128xi32, #tpu.memory_space<hbm>>, %arg4: memref<640x64xf32, #tpu.memory_space<hbm>>, %arg5: memref<2x10240x64xf32, #tpu.memory_space<hbm>>, %arg6: memref<40x128xi32, #tpu.memory_space<vmem>>, %arg7: memref<128x64xf32, #tpu.memory_space<vmem>>, %arg8: memref<10240x64xf32, #tpu.memory_space<vmem_shared>>) attributes {dimension_semantics = [#tpu.dimension_semantics<core_parallel>, #tpu.dimension_semantics<subcore_parallel>], iteration_bounds = array<i64: 2, 16>, scalar_prefetch = 0 : i64, scratch_operands = 3 : i64, tpu.core_type = #tpu.core_type<sc_vector_subcore>, window_params = [{transform_indices = #map}, {transform_indices = #map}, {transform_indices = #map}, {transform_indices = #map1}]} {
    %mul3A = arith.constant 2 : i32
    %mul3A_0 = arith.muli %arg1, %mul3A : i32
    %add3A = arith.addi %mul3A_0, %arg0 : i32
    %mul3A_1 = arith.constant 640 : i32
    %mul3A_2 = arith.muli %arg1, %mul3A_1 : i32
    "tpu.region"() ({
      %run_scoped3A = tpu.sem_alloc : memref<!tpu.dma_semaphore, #tpu.memory_space<semaphore_mem>>
      %dma_start3A = arith.constant 0 : i32
      %dma_start3A_15 = tpu.memref_slice %arg8[%mul3A_2, %dma_start3A] : memref<10240x64xf32, #tpu.memory_space<vmem_shared>> -> memref<640x64xf32, #tpu.memory_space<vmem_shared>>
      tpu.enqueue_dma source(%arg4 : memref<640x64xf32, #tpu.memory_space<hbm>>) target(%dma_start3A_15 : memref<640x64xf32, #tpu.memory_space<vmem_shared>>) target_semaphore(%run_scoped3A : memref<!tpu.dma_semaphore, #tpu.memory_space<semaphore_mem>>)
      %dma_wait3A = arith.constant 0 : i32
      %dma_wait3A_16 = tpu.memref_slice %arg8[%mul3A_2, %dma_wait3A] : memref<10240x64xf32, #tpu.memory_space<vmem_shared>> -> memref<640x64xf32, #tpu.memory_space<vmem_shared>>
      tpu.wait_dma2 semaphore(%run_scoped3A : memref<!tpu.dma_semaphore, #tpu.memory_space<semaphore_mem>>) src(%arg4 : memref<640x64xf32, #tpu.memory_space<hbm>>) dst(%dma_wait3A_16 : memref<640x64xf32, #tpu.memory_space<vmem_shared>>)
      tpu.yield
    }) : () -> ()
    %mul3A_3 = arith.constant 40 : i32
    %mul3A_4 = arith.muli %add3A, %mul3A_3 : i32
    "tpu.region"() ({
      %run_scoped3A = tpu.sem_alloc : memref<!tpu.dma_semaphore, #tpu.memory_space<semaphore_mem>>
      %dma_start3A = arith.constant 0 : i32
      %dma_start3A_15 = tpu.memref_slice %arg3[%mul3A_4, %dma_start3A] : memref<1280x128xi32, #tpu.memory_space<hbm>> -> memref<40x128xi32, #tpu.memory_space<hbm>>
      %dma_start3A_16 = arith.constant 0 : i32
      %dma_start3A_17 = tpu.memref_slice %arg3[%mul3A_4, %dma_start3A_16] : memref<1280x128xi32, #tpu.memory_space<hbm>> -> memref<40x128xi32, #tpu.memory_space<hbm>>
      tpu.enqueue_dma source(%dma_start3A_17 : memref<40x128xi32, #tpu.memory_space<hbm>>) target(%arg6 : memref<40x128xi32, #tpu.memory_space<vmem>>) target_semaphore(%run_scoped3A : memref<!tpu.dma_semaphore, #tpu.memory_space<semaphore_mem>>)
      %dma_wait3A = arith.constant 0 : i32
      %dma_wait3A_18 = tpu.memref_slice %arg3[%mul3A_4, %dma_wait3A] : memref<1280x128xi32, #tpu.memory_space<hbm>> -> memref<40x128xi32, #tpu.memory_space<hbm>>
      %dma_wait3A_19 = arith.constant 0 : i32
      %dma_wait3A_20 = tpu.memref_slice %arg3[%mul3A_4, %dma_wait3A_19] : memref<1280x128xi32, #tpu.memory_space<hbm>> -> memref<40x128xi32, #tpu.memory_space<hbm>>
      tpu.wait_dma2 semaphore(%run_scoped3A : memref<!tpu.dma_semaphore, #tpu.memory_space<semaphore_mem>>) src(%dma_wait3A_20 : memref<40x128xi32, #tpu.memory_space<hbm>>) dst(%arg6 : memref<40x128xi32, #tpu.memory_space<vmem>>)
      tpu.yield
    }) : () -> ()
    %barrier3A = arith.constant 0 : index
    tpu.barrier barrier_id(%barrier3A)
    %scan3A = arith.constant 0 : i32
    %scan3A_5 = arith.constant 0 : i32
    %scan3A_6 = arith.constant 40 : i32
    %scan3A_7 = arith.addi %scan3A_5, %scan3A_6 : i32
    %scan3A_8 = arith.constant 1 : i32
    scf.for %scan3A_15 = %scan3A_5 to %scan3A_7 step %scan3A_8  : i32 {
      %mul3A_16 = arith.constant 40 : i32
      %mul3A_17 = arith.muli %add3A, %mul3A_16 : i32
      %add3A_18 = arith.addi %mul3A_17, %scan3A_15 : i32
      %mul3A_19 = arith.constant 128 : i32
      %mul3A_20 = arith.muli %add3A_18, %mul3A_19 : i32
      "tpu.region"() ({
        %run_scoped3A = tpu.sem_alloc : memref<!tpu.dma_semaphore, #tpu.memory_space<semaphore_mem>>
        %dma_start3A = arith.constant 0 : i32
        %dma_start3A_21 = tpu.memref_slice %arg2[%mul3A_20, %dma_start3A] : memref<163840x64xf32, #tpu.memory_space<hbm>> -> memref<128x64xf32, #tpu.memory_space<hbm>>
        %dma_start3A_22 = arith.constant 0 : i32
        %dma_start3A_23 = tpu.memref_slice %arg2[%mul3A_20, %dma_start3A_22] : memref<163840x64xf32, #tpu.memory_space<hbm>> -> memref<128x64xf32, #tpu.memory_space<hbm>>
        tpu.enqueue_dma source(%dma_start3A_23 : memref<128x64xf32, #tpu.memory_space<hbm>>) target(%arg7 : memref<128x64xf32, #tpu.memory_space<vmem>>) target_semaphore(%run_scoped3A : memref<!tpu.dma_semaphore, #tpu.memory_space<semaphore_mem>>)
        %dma_wait3A = arith.constant 0 : i32
        %dma_wait3A_24 = tpu.memref_slice %arg2[%mul3A_20, %dma_wait3A] : memref<163840x64xf32, #tpu.memory_space<hbm>> -> memref<128x64xf32, #tpu.memory_space<hbm>>
        %dma_wait3A_25 = arith.constant 0 : i32
        %dma_wait3A_26 = tpu.memref_slice %arg2[%mul3A_20, %dma_wait3A_25] : memref<163840x64xf32, #tpu.memory_space<hbm>> -> memref<128x64xf32, #tpu.memory_space<hbm>>
        tpu.wait_dma2 semaphore(%run_scoped3A : memref<!tpu.dma_semaphore, #tpu.memory_space<semaphore_mem>>) src(%dma_wait3A_26 : memref<128x64xf32, #tpu.memory_space<hbm>>) dst(%arg7 : memref<128x64xf32, #tpu.memory_space<vmem>>)
        tpu.yield
      }) : () -> ()
      "tpu.region"() ({
        %run_scoped3A = tpu.sem_alloc : memref<!tpu.dma_semaphore, #tpu.memory_space<semaphore_mem>>
        %dma_start3A = arith.constant 0 : i32
        %dma_start3A_21 = tpu.memref_slice %arg6[%scan3A_15, %dma_start3A] : memref<40x128xi32, #tpu.memory_space<vmem>> -> memref<1x128xi32, #tpu.memory_space<vmem>>
        %dma_start3A_22 = tpu.memref_squeeze %dma_start3A_21 : memref<1x128xi32, #tpu.memory_space<vmem>> -> memref<128xi32, #tpu.memory_space<vmem>>
        %dma_start3A_23 = arith.constant 0 : i32
        %dma_start3A_24 = arith.constant 0 : i32
        %dma_start3A_25 = tpu.memref_slice %arg8[%dma_start3A_23, %dma_start3A_24] : memref<10240x64xf32, #tpu.memory_space<vmem_shared>> -> memref<10240x64xf32, #tpu.memory_space<vmem_shared>>
        tpu.enqueue_indirect_dma source(%arg7 : memref<128x64xf32, #tpu.memory_space<vmem>>) target(%dma_start3A_25 : memref<10240x64xf32, #tpu.memory_space<vmem_shared>>) offsets(%dma_start3A_22 : memref<128xi32, #tpu.memory_space<vmem>>) semaphore(%run_scoped3A : memref<!tpu.dma_semaphore, #tpu.memory_space<semaphore_mem>>) {add = true}
        %dma_wait3A = arith.constant 0 : i32
        %dma_wait3A_26 = tpu.memref_slice %arg6[%scan3A_15, %dma_wait3A] : memref<40x128xi32, #tpu.memory_space<vmem>> -> memref<1x128xi32, #tpu.memory_space<vmem>>
        %dma_wait3A_27 = tpu.memref_squeeze %dma_wait3A_26 : memref<1x128xi32, #tpu.memory_space<vmem>> -> memref<128xi32, #tpu.memory_space<vmem>>
        %dma_wait3A_28 = arith.constant 0 : i32
        %dma_wait3A_29 = arith.constant 0 : i32
        %dma_wait3A_30 = tpu.memref_slice %arg8[%dma_wait3A_28, %dma_wait3A_29] : memref<10240x64xf32, #tpu.memory_space<vmem_shared>> -> memref<10240x64xf32, #tpu.memory_space<vmem_shared>>
        tpu.wait_indirect_dma semaphore(%run_scoped3A : memref<!tpu.dma_semaphore, #tpu.memory_space<semaphore_mem>>) src(%arg7 : memref<128x64xf32, #tpu.memory_space<vmem>>) dst(%dma_wait3A_30 : memref<10240x64xf32, #tpu.memory_space<vmem_shared>>)
        tpu.yield
      }) : () -> ()
    }
    %scan3A_9 = arith.constant 40 : i32
    %barrier3A_10 = arith.constant 0 : index
    tpu.barrier barrier_id(%barrier3A_10)
    %mul3A_11 = arith.constant 640 : i32
    %mul3A_12 = arith.muli %arg1, %mul3A_11 : i32
    %mul3A_13 = arith.constant 640 : i32
    %mul3A_14 = arith.muli %arg1, %mul3A_13 : i32
    "tpu.region"() ({
      %run_scoped3A = tpu.sem_alloc : memref<!tpu.dma_semaphore, #tpu.memory_space<semaphore_mem>>
      %dma_start3A = arith.constant 0 : i32
      %dma_start3A_15 = tpu.memref_slice %arg5[%arg0, %mul3A_14, %dma_start3A] : memref<2x10240x64xf32, #tpu.memory_space<hbm>> -> memref<1x640x64xf32, #tpu.memory_space<hbm>>
      %dma_start3A_16 = tpu.memref_squeeze %dma_start3A_15 : memref<1x640x64xf32, #tpu.memory_space<hbm>> -> memref<640x64xf32, #tpu.memory_space<hbm>>
      %dma_start3A_17 = arith.constant 0 : i32
      %dma_start3A_18 = tpu.memref_slice %arg8[%mul3A_12, %dma_start3A_17] : memref<10240x64xf32, #tpu.memory_space<vmem_shared>> -> memref<640x64xf32, #tpu.memory_space<vmem_shared>>
      tpu.enqueue_dma source(%dma_start3A_18 : memref<640x64xf32, #tpu.memory_space<vmem_shared>>) target(%dma_start3A_16 : memref<640x64xf32, #tpu.memory_space<hbm>>) target_semaphore(%run_scoped3A : memref<!tpu.dma_semaphore, #tpu.memory_space<semaphore_mem>>)
      %dma_wait3A = arith.constant 0 : i32
      %dma_wait3A_19 = tpu.memref_slice %arg5[%arg0, %mul3A_14, %dma_wait3A] : memref<2x10240x64xf32, #tpu.memory_space<hbm>> -> memref<1x640x64xf32, #tpu.memory_space<hbm>>
      %dma_wait3A_20 = tpu.memref_squeeze %dma_wait3A_19 : memref<1x640x64xf32, #tpu.memory_space<hbm>> -> memref<640x64xf32, #tpu.memory_space<hbm>>
      %dma_wait3A_21 = arith.constant 0 : i32
      %dma_wait3A_22 = tpu.memref_slice %arg8[%mul3A_12, %dma_wait3A_21] : memref<10240x64xf32, #tpu.memory_space<vmem_shared>> -> memref<640x64xf32, #tpu.memory_space<vmem_shared>>
      tpu.wait_dma2 semaphore(%run_scoped3A : memref<!tpu.dma_semaphore, #tpu.memory_space<semaphore_mem>>) src(%dma_wait3A_22 : memref<640x64xf32, #tpu.memory_space<vmem_shared>>) dst(%dma_wait3A_20 : memref<640x64xf32, #tpu.memory_space<hbm>>)
      tpu.yield
    }) : () -> ()
    return
  }
}

#map = affine_map<(d0, d1) -> (0, 0)>
module attributes {stable_mosaic.version = 14 : i64} {
  func.func @k(%arg0: i32, %arg1: i32, %arg2: memref<10000x64xf32, #tpu.memory_space<hbm>>, %arg3: memref<1280x128xi32, #tpu.memory_space<hbm>>, %arg4: memref<163840x64xf32, #tpu.memory_space<hbm>>, %arg5: memref<40x128xi32, #tpu.memory_space<vmem>>, %arg6: memref<128x64xf32, #tpu.memory_space<vmem>>, %arg7: memref<!tpu.dma_semaphore, #tpu.memory_space<semaphore_mem>>) attributes {dimension_semantics = [#tpu.dimension_semantics<core_parallel>, #tpu.dimension_semantics<subcore_parallel>], iteration_bounds = array<i64: 2, 16>, scalar_prefetch = 0 : i64, scratch_operands = 3 : i64, tpu.core_type = #tpu.core_type<sc_vector_subcore>, window_params = [{transform_indices = #map}, {transform_indices = #map}, {transform_indices = #map}]} {
    %mul3A = arith.constant 2 : i32
    %mul3A_0 = arith.muli %arg1, %mul3A : i32
    %add3A = arith.addi %mul3A_0, %arg0 : i32
    %mul3A_1 = arith.constant 40 : i32
    %mul3A_2 = arith.muli %add3A, %mul3A_1 : i32
    "tpu.region"() ({
      %run_scoped3A = tpu.sem_alloc : memref<!tpu.dma_semaphore, #tpu.memory_space<semaphore_mem>>
      %dma_start3A = arith.constant 0 : i32
      %dma_start3A_8 = tpu.memref_slice %arg3[%mul3A_2, %dma_start3A] : memref<1280x128xi32, #tpu.memory_space<hbm>> -> memref<40x128xi32, #tpu.memory_space<hbm>>
      %dma_start3A_9 = arith.constant 0 : i32
      %dma_start3A_10 = tpu.memref_slice %arg3[%mul3A_2, %dma_start3A_9] : memref<1280x128xi32, #tpu.memory_space<hbm>> -> memref<40x128xi32, #tpu.memory_space<hbm>>
      tpu.enqueue_dma source(%dma_start3A_10 : memref<40x128xi32, #tpu.memory_space<hbm>>) target(%arg5 : memref<40x128xi32, #tpu.memory_space<vmem>>) target_semaphore(%run_scoped3A : memref<!tpu.dma_semaphore, #tpu.memory_space<semaphore_mem>>)
      %dma_wait3A = arith.constant 0 : i32
      %dma_wait3A_11 = tpu.memref_slice %arg3[%mul3A_2, %dma_wait3A] : memref<1280x128xi32, #tpu.memory_space<hbm>> -> memref<40x128xi32, #tpu.memory_space<hbm>>
      %dma_wait3A_12 = arith.constant 0 : i32
      %dma_wait3A_13 = tpu.memref_slice %arg3[%mul3A_2, %dma_wait3A_12] : memref<1280x128xi32, #tpu.memory_space<hbm>> -> memref<40x128xi32, #tpu.memory_space<hbm>>
      tpu.wait_dma2 semaphore(%run_scoped3A : memref<!tpu.dma_semaphore, #tpu.memory_space<semaphore_mem>>) src(%dma_wait3A_13 : memref<40x128xi32, #tpu.memory_space<hbm>>) dst(%arg5 : memref<40x128xi32, #tpu.memory_space<vmem>>)
      tpu.yield
    }) : () -> ()
    %scan3A = arith.constant 0 : i32
    %scan3A_3 = arith.constant 0 : i32
    %scan3A_4 = arith.constant 40 : i32
    %scan3A_5 = arith.addi %scan3A_3, %scan3A_4 : i32
    %scan3A_6 = arith.constant 1 : i32
    scf.for %scan3A_8 = %scan3A_3 to %scan3A_5 step %scan3A_6  : i32 {
      %dma_start3A = arith.constant 0 : i32
      %dma_start3A_9 = tpu.memref_slice %arg5[%scan3A_8, %dma_start3A] : memref<40x128xi32, #tpu.memory_space<vmem>> -> memref<1x128xi32, #tpu.memory_space<vmem>>
      %dma_start3A_10 = tpu.memref_squeeze %dma_start3A_9 : memref<1x128xi32, #tpu.memory_space<vmem>> -> memref<128xi32, #tpu.memory_space<vmem>>
      %dma_start3A_11 = arith.constant 0 : i32
      %dma_start3A_12 = arith.constant 0 : i32
      %dma_start3A_13 = tpu.memref_slice %arg2[%dma_start3A_11, %dma_start3A_12] : memref<10000x64xf32, #tpu.memory_space<hbm>> -> memref<10000x64xf32, #tpu.memory_space<hbm>>
      tpu.enqueue_indirect_dma source(%dma_start3A_13 : memref<10000x64xf32, #tpu.memory_space<hbm>>) target(%arg6 : memref<128x64xf32, #tpu.memory_space<vmem>>) offsets(%dma_start3A_10 : memref<128xi32, #tpu.memory_space<vmem>>) semaphore(%arg7 : memref<!tpu.dma_semaphore, #tpu.memory_space<semaphore_mem>>)
      %dma_wait3A = arith.constant 0 : i32
      %dma_wait3A_14 = tpu.memref_slice %arg5[%scan3A_8, %dma_wait3A] : memref<40x128xi32, #tpu.memory_space<vmem>> -> memref<1x128xi32, #tpu.memory_space<vmem>>
      %dma_wait3A_15 = tpu.memref_squeeze %dma_wait3A_14 : memref<1x128xi32, #tpu.memory_space<vmem>> -> memref<128xi32, #tpu.memory_space<vmem>>
      %dma_wait3A_16 = arith.constant 0 : i32
      %dma_wait3A_17 = arith.constant 0 : i32
      %dma_wait3A_18 = tpu.memref_slice %arg2[%dma_wait3A_16, %dma_wait3A_17] : memref<10000x64xf32, #tpu.memory_space<hbm>> -> memref<10000x64xf32, #tpu.memory_space<hbm>>
      tpu.wait_indirect_dma semaphore(%arg7 : memref<!tpu.dma_semaphore, #tpu.memory_space<semaphore_mem>>) src(%dma_wait3A_18 : memref<10000x64xf32, #tpu.memory_space<hbm>>) dst(%arg6 : memref<128x64xf32, #tpu.memory_space<vmem>>)
      %mul3A_19 = arith.constant 40 : i32
      %mul3A_20 = arith.muli %add3A, %mul3A_19 : i32
      %add3A_21 = arith.addi %mul3A_20, %scan3A_8 : i32
      %mul3A_22 = arith.constant 128 : i32
      %mul3A_23 = arith.muli %add3A_21, %mul3A_22 : i32
      "tpu.region"() ({
        %run_scoped3A = tpu.sem_alloc : memref<!tpu.dma_semaphore, #tpu.memory_space<semaphore_mem>>
        %dma_start3A_24 = arith.constant 0 : i32
        %dma_start3A_25 = tpu.memref_slice %arg4[%mul3A_23, %dma_start3A_24] : memref<163840x64xf32, #tpu.memory_space<hbm>> -> memref<128x64xf32, #tpu.memory_space<hbm>>
        %dma_start3A_26 = arith.constant 0 : i32
        %dma_start3A_27 = tpu.memref_slice %arg4[%mul3A_23, %dma_start3A_26] : memref<163840x64xf32, #tpu.memory_space<hbm>> -> memref<128x64xf32, #tpu.memory_space<hbm>>
        tpu.enqueue_dma source(%arg6 : memref<128x64xf32, #tpu.memory_space<vmem>>) target(%dma_start3A_27 : memref<128x64xf32, #tpu.memory_space<hbm>>) target_semaphore(%run_scoped3A : memref<!tpu.dma_semaphore, #tpu.memory_space<semaphore_mem>>)
        %dma_wait3A_28 = arith.constant 0 : i32
        %dma_wait3A_29 = tpu.memref_slice %arg4[%mul3A_23, %dma_wait3A_28] : memref<163840x64xf32, #tpu.memory_space<hbm>> -> memref<128x64xf32, #tpu.memory_space<hbm>>
        %dma_wait3A_30 = arith.constant 0 : i32
        %dma_wait3A_31 = tpu.memref_slice %arg4[%mul3A_23, %dma_wait3A_30] : memref<163840x64xf32, #tpu.memory_space<hbm>> -> memref<128x64xf32, #tpu.memory_space<hbm>>
        tpu.wait_dma2 semaphore(%run_scoped3A : memref<!tpu.dma_semaphore, #tpu.memory_space<semaphore_mem>>) src(%arg6 : memref<128x64xf32, #tpu.memory_space<vmem>>) dst(%dma_wait3A_31 : memref<128x64xf32, #tpu.memory_space<hbm>>)
        tpu.yield
      }) : () -> ()
    }
    %scan3A_7 = arith.constant 40 : i32
    return
  }
}

#map = affine_map<(d0, d1) -> (0, 0)>
#map1 = affine_map<(d0, d1) -> (0, 0, 0)>
module attributes {stable_mosaic.version = 14 : i64} {
  func.func @k(%arg0: i32, %arg1: i32, %arg2: memref<1280x128xi32, #tpu.memory_space<hbm>>, %arg3: memref<640x16xf32, #tpu.memory_space<hbm>>, %arg4: memref<128x16xf32, #tpu.memory_space<hbm>>, %arg5: memref<2x10240x16xf32, #tpu.memory_space<hbm>>, %arg6: memref<40x128xi32, #tpu.memory_space<vmem>>, %arg7: memref<128x16xf32, #tpu.memory_space<vmem>>, %arg8: memref<10240x16xf32, #tpu.memory_space<vmem_shared>>) attributes {dimension_semantics = [#tpu.dimension_semantics<core_parallel>, #tpu.dimension_semantics<subcore_parallel>], iteration_bounds = array<i64: 2, 16>, scalar_prefetch = 0 : i64, scratch_operands = 3 : i64, tpu.core_type = #tpu.core_type<sc_vector_subcore>, window_params = [{transform_indices = #map}, {transform_indices = #map}, {transform_indices = #map}, {transform_indices = #map1}]} {
    %mul3A = arith.constant 2 : i32
    %mul3A_0 = arith.muli %arg1, %mul3A : i32
    %add3A = arith.addi %mul3A_0, %arg0 : i32
    %mul3A_1 = arith.constant 640 : i32
    %mul3A_2 = arith.muli %arg1, %mul3A_1 : i32
    "tpu.region"() ({
      %run_scoped3A = tpu.sem_alloc : memref<!tpu.dma_semaphore, #tpu.memory_space<semaphore_mem>>
      %dma_start3A = arith.constant 0 : i32
      %dma_start3A_15 = tpu.memref_slice %arg8[%mul3A_2, %dma_start3A] : memref<10240x16xf32, #tpu.memory_space<vmem_shared>> -> memref<640x16xf32, #tpu.memory_space<vmem_shared>>
      tpu.enqueue_dma source(%arg3 : memref<640x16xf32, #tpu.memory_space<hbm>>) target(%dma_start3A_15 : memref<640x16xf32, #tpu.memory_space<vmem_shared>>) target_semaphore(%run_scoped3A : memref<!tpu.dma_semaphore, #tpu.memory_space<semaphore_mem>>)
      %dma_wait3A = arith.constant 0 : i32
      %dma_wait3A_16 = tpu.memref_slice %arg8[%mul3A_2, %dma_wait3A] : memref<10240x16xf32, #tpu.memory_space<vmem_shared>> -> memref<640x16xf32, #tpu.memory_space<vmem_shared>>
      tpu.wait_dma2 semaphore(%run_scoped3A : memref<!tpu.dma_semaphore, #tpu.memory_space<semaphore_mem>>) src(%arg3 : memref<640x16xf32, #tpu.memory_space<hbm>>) dst(%dma_wait3A_16 : memref<640x16xf32, #tpu.memory_space<vmem_shared>>)
      tpu.yield
    }) : () -> ()
    %mul3A_3 = arith.constant 40 : i32
    %mul3A_4 = arith.muli %add3A, %mul3A_3 : i32
    "tpu.region"() ({
      %run_scoped3A = tpu.sem_alloc : memref<!tpu.dma_semaphore, #tpu.memory_space<semaphore_mem>>
      %dma_start3A = arith.constant 0 : i32
      %dma_start3A_15 = tpu.memref_slice %arg2[%mul3A_4, %dma_start3A] : memref<1280x128xi32, #tpu.memory_space<hbm>> -> memref<40x128xi32, #tpu.memory_space<hbm>>
      %dma_start3A_16 = arith.constant 0 : i32
      %dma_start3A_17 = tpu.memref_slice %arg2[%mul3A_4, %dma_start3A_16] : memref<1280x128xi32, #tpu.memory_space<hbm>> -> memref<40x128xi32, #tpu.memory_space<hbm>>
      tpu.enqueue_dma source(%dma_start3A_17 : memref<40x128xi32, #tpu.memory_space<hbm>>) target(%arg6 : memref<40x128xi32, #tpu.memory_space<vmem>>) target_semaphore(%run_scoped3A : memref<!tpu.dma_semaphore, #tpu.memory_space<semaphore_mem>>)
      %dma_wait3A = arith.constant 0 : i32
      %dma_wait3A_18 = tpu.memref_slice %arg2[%mul3A_4, %dma_wait3A] : memref<1280x128xi32, #tpu.memory_space<hbm>> -> memref<40x128xi32, #tpu.memory_space<hbm>>
      %dma_wait3A_19 = arith.constant 0 : i32
      %dma_wait3A_20 = tpu.memref_slice %arg2[%mul3A_4, %dma_wait3A_19] : memref<1280x128xi32, #tpu.memory_space<hbm>> -> memref<40x128xi32, #tpu.memory_space<hbm>>
      tpu.wait_dma2 semaphore(%run_scoped3A : memref<!tpu.dma_semaphore, #tpu.memory_space<semaphore_mem>>) src(%dma_wait3A_20 : memref<40x128xi32, #tpu.memory_space<hbm>>) dst(%arg6 : memref<40x128xi32, #tpu.memory_space<vmem>>)
      tpu.yield
    }) : () -> ()
    "tpu.region"() ({
      %run_scoped3A = tpu.sem_alloc : memref<!tpu.dma_semaphore, #tpu.memory_space<semaphore_mem>>
      tpu.enqueue_dma source(%arg4 : memref<128x16xf32, #tpu.memory_space<hbm>>) target(%arg7 : memref<128x16xf32, #tpu.memory_space<vmem>>) target_semaphore(%run_scoped3A : memref<!tpu.dma_semaphore, #tpu.memory_space<semaphore_mem>>)
      tpu.wait_dma2 semaphore(%run_scoped3A : memref<!tpu.dma_semaphore, #tpu.memory_space<semaphore_mem>>) src(%arg4 : memref<128x16xf32, #tpu.memory_space<hbm>>) dst(%arg7 : memref<128x16xf32, #tpu.memory_space<vmem>>)
      tpu.yield
    }) : () -> ()
    %barrier3A = arith.constant 0 : index
    tpu.barrier barrier_id(%barrier3A)
    %scan3A = arith.constant 0 : i32
    %scan3A_5 = arith.constant 0 : i32
    %scan3A_6 = arith.constant 40 : i32
    %scan3A_7 = arith.addi %scan3A_5, %scan3A_6 : i32
    %scan3A_8 = arith.constant 1 : i32
    scf.for %scan3A_15 = %scan3A_5 to %scan3A_7 step %scan3A_8  : i32 {
      "tpu.region"() ({
        %run_scoped3A = tpu.sem_alloc : memref<!tpu.dma_semaphore, #tpu.memory_space<semaphore_mem>>
        %dma_start3A = arith.constant 0 : i32
        %dma_start3A_16 = tpu.memref_slice %arg6[%scan3A_15, %dma_start3A] : memref<40x128xi32, #tpu.memory_space<vmem>> -> memref<1x128xi32, #tpu.memory_space<vmem>>
        %dma_start3A_17 = tpu.memref_squeeze %dma_start3A_16 : memref<1x128xi32, #tpu.memory_space<vmem>> -> memref<128xi32, #tpu.memory_space<vmem>>
        %dma_start3A_18 = arith.constant 0 : i32
        %dma_start3A_19 = arith.constant 0 : i32
        %dma_start3A_20 = tpu.memref_slice %arg8[%dma_start3A_18, %dma_start3A_19] : memref<10240x16xf32, #tpu.memory_space<vmem_shared>> -> memref<10240x16xf32, #tpu.memory_space<vmem_shared>>
        tpu.enqueue_indirect_dma source(%arg7 : memref<128x16xf32, #tpu.memory_space<vmem>>) target(%dma_start3A_20 : memref<10240x16xf32, #tpu.memory_space<vmem_shared>>) offsets(%dma_start3A_17 : memref<128xi32, #tpu.memory_space<vmem>>) semaphore(%run_scoped3A : memref<!tpu.dma_semaphore, #tpu.memory_space<semaphore_mem>>) {add = true}
        %dma_wait3A = arith.constant 0 : i32
        %dma_wait3A_21 = tpu.memref_slice %arg6[%scan3A_15, %dma_wait3A] : memref<40x128xi32, #tpu.memory_space<vmem>> -> memref<1x128xi32, #tpu.memory_space<vmem>>
        %dma_wait3A_22 = tpu.memref_squeeze %dma_wait3A_21 : memref<1x128xi32, #tpu.memory_space<vmem>> -> memref<128xi32, #tpu.memory_space<vmem>>
        %dma_wait3A_23 = arith.constant 0 : i32
        %dma_wait3A_24 = arith.constant 0 : i32
        %dma_wait3A_25 = tpu.memref_slice %arg8[%dma_wait3A_23, %dma_wait3A_24] : memref<10240x16xf32, #tpu.memory_space<vmem_shared>> -> memref<10240x16xf32, #tpu.memory_space<vmem_shared>>
        tpu.wait_indirect_dma semaphore(%run_scoped3A : memref<!tpu.dma_semaphore, #tpu.memory_space<semaphore_mem>>) src(%arg7 : memref<128x16xf32, #tpu.memory_space<vmem>>) dst(%dma_wait3A_25 : memref<10240x16xf32, #tpu.memory_space<vmem_shared>>)
        tpu.yield
      }) : () -> ()
    }
    %scan3A_9 = arith.constant 40 : i32
    %barrier3A_10 = arith.constant 0 : index
    tpu.barrier barrier_id(%barrier3A_10)
    %mul3A_11 = arith.constant 640 : i32
    %mul3A_12 = arith.muli %arg1, %mul3A_11 : i32
    %mul3A_13 = arith.constant 640 : i32
    %mul3A_14 = arith.muli %arg1, %mul3A_13 : i32
    "tpu.region"() ({
      %run_scoped3A = tpu.sem_alloc : memref<!tpu.dma_semaphore, #tpu.memory_space<semaphore_mem>>
      %dma_start3A = arith.constant 0 : i32
      %dma_start3A_15 = tpu.memref_slice %arg5[%arg0, %mul3A_14, %dma_start3A] : memref<2x10240x16xf32, #tpu.memory_space<hbm>> -> memref<1x640x16xf32, #tpu.memory_space<hbm>>
      %dma_start3A_16 = tpu.memref_squeeze %dma_start3A_15 : memref<1x640x16xf32, #tpu.memory_space<hbm>> -> memref<640x16xf32, #tpu.memory_space<hbm>>
      %dma_start3A_17 = arith.constant 0 : i32
      %dma_start3A_18 = tpu.memref_slice %arg8[%mul3A_12, %dma_start3A_17] : memref<10240x16xf32, #tpu.memory_space<vmem_shared>> -> memref<640x16xf32, #tpu.memory_space<vmem_shared>>
      tpu.enqueue_dma source(%dma_start3A_18 : memref<640x16xf32, #tpu.memory_space<vmem_shared>>) target(%dma_start3A_16 : memref<640x16xf32, #tpu.memory_space<hbm>>) target_semaphore(%run_scoped3A : memref<!tpu.dma_semaphore, #tpu.memory_space<semaphore_mem>>)
      %dma_wait3A = arith.constant 0 : i32
      %dma_wait3A_19 = tpu.memref_slice %arg5[%arg0, %mul3A_14, %dma_wait3A] : memref<2x10240x16xf32, #tpu.memory_space<hbm>> -> memref<1x640x16xf32, #tpu.memory_space<hbm>>
      %dma_wait3A_20 = tpu.memref_squeeze %dma_wait3A_19 : memref<1x640x16xf32, #tpu.memory_space<hbm>> -> memref<640x16xf32, #tpu.memory_space<hbm>>
      %dma_wait3A_21 = arith.constant 0 : i32
      %dma_wait3A_22 = tpu.memref_slice %arg8[%mul3A_12, %dma_wait3A_21] : memref<10240x16xf32, #tpu.memory_space<vmem_shared>> -> memref<640x16xf32, #tpu.memory_space<vmem_shared>>
      tpu.wait_dma2 semaphore(%run_scoped3A : memref<!tpu.dma_semaphore, #tpu.memory_space<semaphore_mem>>) src(%dma_wait3A_22 : memref<640x16xf32, #tpu.memory_space<vmem_shared>>) dst(%dma_wait3A_20 : memref<640x16xf32, #tpu.memory_space<hbm>>)
      tpu.yield
    }) : () -> ()
    return
  }
}

#map = affine_map<(d0, d1) -> (0, 0)>
module attributes {stable_mosaic.version = 14 : i64} {
  func.func @k(%arg0: i32, %arg1: i32, %arg2: memref<10000x64xf32, #tpu.memory_space<hbm>>, %arg3: memref<1280x128xi32, #tpu.memory_space<hbm>>, %arg4: memref<163840x64xf32, #tpu.memory_space<hbm>>, %arg5: memref<40x128xi32, #tpu.memory_space<vmem>>, %arg6: memref<128x64xf32, #tpu.memory_space<vmem>>, %arg7: memref<!tpu.dma_semaphore, #tpu.memory_space<semaphore_mem>>) attributes {dimension_semantics = [#tpu.dimension_semantics<core_parallel>, #tpu.dimension_semantics<subcore_parallel>], iteration_bounds = array<i64: 2, 16>, scalar_prefetch = 0 : i64, scratch_operands = 3 : i64, tpu.core_type = #tpu.core_type<sc_vector_subcore>, window_params = [{transform_indices = #map}, {transform_indices = #map}, {transform_indices = #map}]} {
    %mul3A = arith.constant 2 : i32
    %mul3A_0 = arith.muli %arg1, %mul3A : i32
    %add3A = arith.addi %mul3A_0, %arg0 : i32
    %mul3A_1 = arith.constant 40 : i32
    %mul3A_2 = arith.muli %add3A, %mul3A_1 : i32
    "tpu.region"() ({
      %run_scoped3A = tpu.sem_alloc : memref<!tpu.dma_semaphore, #tpu.memory_space<semaphore_mem>>
      %dma_start3A = arith.constant 0 : i32
      %dma_start3A_8 = tpu.memref_slice %arg3[%mul3A_2, %dma_start3A] : memref<1280x128xi32, #tpu.memory_space<hbm>> -> memref<40x128xi32, #tpu.memory_space<hbm>>
      %dma_start3A_9 = arith.constant 0 : i32
      %dma_start3A_10 = tpu.memref_slice %arg3[%mul3A_2, %dma_start3A_9] : memref<1280x128xi32, #tpu.memory_space<hbm>> -> memref<40x128xi32, #tpu.memory_space<hbm>>
      tpu.enqueue_dma source(%dma_start3A_10 : memref<40x128xi32, #tpu.memory_space<hbm>>) target(%arg5 : memref<40x128xi32, #tpu.memory_space<vmem>>) target_semaphore(%run_scoped3A : memref<!tpu.dma_semaphore, #tpu.memory_space<semaphore_mem>>)
      %dma_wait3A = arith.constant 0 : i32
      %dma_wait3A_11 = tpu.memref_slice %arg3[%mul3A_2, %dma_wait3A] : memref<1280x128xi32, #tpu.memory_space<hbm>> -> memref<40x128xi32, #tpu.memory_space<hbm>>
      %dma_wait3A_12 = arith.constant 0 : i32
      %dma_wait3A_13 = tpu.memref_slice %arg3[%mul3A_2, %dma_wait3A_12] : memref<1280x128xi32, #tpu.memory_space<hbm>> -> memref<40x128xi32, #tpu.memory_space<hbm>>
      tpu.wait_dma2 semaphore(%run_scoped3A : memref<!tpu.dma_semaphore, #tpu.memory_space<semaphore_mem>>) src(%dma_wait3A_13 : memref<40x128xi32, #tpu.memory_space<hbm>>) dst(%arg5 : memref<40x128xi32, #tpu.memory_space<vmem>>)
      tpu.yield
    }) : () -> ()
    %scan3A = arith.constant 0 : i32
    %scan3A_3 = arith.constant 0 : i32
    %scan3A_4 = arith.constant 40 : i32
    %scan3A_5 = arith.addi %scan3A_3, %scan3A_4 : i32
    %scan3A_6 = arith.constant 1 : i32
    scf.for %scan3A_8 = %scan3A_3 to %scan3A_5 step %scan3A_6  : i32 {
      %dma_start3A = arith.constant 0 : i32
      %dma_start3A_9 = tpu.memref_slice %arg5[%scan3A_8, %dma_start3A] : memref<40x128xi32, #tpu.memory_space<vmem>> -> memref<1x128xi32, #tpu.memory_space<vmem>>
      %dma_start3A_10 = tpu.memref_squeeze %dma_start3A_9 : memref<1x128xi32, #tpu.memory_space<vmem>> -> memref<128xi32, #tpu.memory_space<vmem>>
      %dma_start3A_11 = arith.constant 0 : i32
      %dma_start3A_12 = arith.constant 0 : i32
      %dma_start3A_13 = tpu.memref_slice %arg2[%dma_start3A_11, %dma_start3A_12] : memref<10000x64xf32, #tpu.memory_space<hbm>> -> memref<10000x64xf32, #tpu.memory_space<hbm>>
      tpu.enqueue_indirect_dma source(%dma_start3A_13 : memref<10000x64xf32, #tpu.memory_space<hbm>>) target(%arg6 : memref<128x64xf32, #tpu.memory_space<vmem>>) offsets(%dma_start3A_10 : memref<128xi32, #tpu.memory_space<vmem>>) semaphore(%arg7 : memref<!tpu.dma_semaphore, #tpu.memory_space<semaphore_mem>>)
      %dma_wait3A = arith.constant 0 : i32
      %dma_wait3A_14 = tpu.memref_slice %arg5[%scan3A_8, %dma_wait3A] : memref<40x128xi32, #tpu.memory_space<vmem>> -> memref<1x128xi32, #tpu.memory_space<vmem>>
      %dma_wait3A_15 = tpu.memref_squeeze %dma_wait3A_14 : memref<1x128xi32, #tpu.memory_space<vmem>> -> memref<128xi32, #tpu.memory_space<vmem>>
      %dma_wait3A_16 = arith.constant 0 : i32
      %dma_wait3A_17 = arith.constant 0 : i32
      %dma_wait3A_18 = tpu.memref_slice %arg2[%dma_wait3A_16, %dma_wait3A_17] : memref<10000x64xf32, #tpu.memory_space<hbm>> -> memref<10000x64xf32, #tpu.memory_space<hbm>>
      tpu.wait_indirect_dma semaphore(%arg7 : memref<!tpu.dma_semaphore, #tpu.memory_space<semaphore_mem>>) src(%dma_wait3A_18 : memref<10000x64xf32, #tpu.memory_space<hbm>>) dst(%arg6 : memref<128x64xf32, #tpu.memory_space<vmem>>)
      %mul3A_19 = arith.constant 40 : i32
      %mul3A_20 = arith.muli %add3A, %mul3A_19 : i32
      %add3A_21 = arith.addi %mul3A_20, %scan3A_8 : i32
      %mul3A_22 = arith.constant 128 : i32
      %mul3A_23 = arith.muli %add3A_21, %mul3A_22 : i32
      "tpu.region"() ({
        %run_scoped3A = tpu.sem_alloc : memref<!tpu.dma_semaphore, #tpu.memory_space<semaphore_mem>>
        %dma_start3A_24 = arith.constant 0 : i32
        %dma_start3A_25 = tpu.memref_slice %arg4[%mul3A_23, %dma_start3A_24] : memref<163840x64xf32, #tpu.memory_space<hbm>> -> memref<128x64xf32, #tpu.memory_space<hbm>>
        %dma_start3A_26 = arith.constant 0 : i32
        %dma_start3A_27 = tpu.memref_slice %arg4[%mul3A_23, %dma_start3A_26] : memref<163840x64xf32, #tpu.memory_space<hbm>> -> memref<128x64xf32, #tpu.memory_space<hbm>>
        tpu.enqueue_dma source(%arg6 : memref<128x64xf32, #tpu.memory_space<vmem>>) target(%dma_start3A_27 : memref<128x64xf32, #tpu.memory_space<hbm>>) target_semaphore(%run_scoped3A : memref<!tpu.dma_semaphore, #tpu.memory_space<semaphore_mem>>)
        %dma_wait3A_28 = arith.constant 0 : i32
        %dma_wait3A_29 = tpu.memref_slice %arg4[%mul3A_23, %dma_wait3A_28] : memref<163840x64xf32, #tpu.memory_space<hbm>> -> memref<128x64xf32, #tpu.memory_space<hbm>>
        %dma_wait3A_30 = arith.constant 0 : i32
        %dma_wait3A_31 = tpu.memref_slice %arg4[%mul3A_23, %dma_wait3A_30] : memref<163840x64xf32, #tpu.memory_space<hbm>> -> memref<128x64xf32, #tpu.memory_space<hbm>>
        tpu.wait_dma2 semaphore(%run_scoped3A : memref<!tpu.dma_semaphore, #tpu.memory_space<semaphore_mem>>) src(%arg6 : memref<128x64xf32, #tpu.memory_space<vmem>>) dst(%dma_wait3A_31 : memref<128x64xf32, #tpu.memory_space<hbm>>)
        tpu.yield
      }) : () -> ()
    }
    %scan3A_7 = arith.constant 40 : i32
    return
  }
}

#map = affine_map<(d0, d1) -> (0, 0)>
#map1 = affine_map<(d0, d1) -> (0, 0, 0)>
module attributes {stable_mosaic.version = 14 : i64} {
  func.func @k(%arg0: i32, %arg1: i32, %arg2: memref<163840x64xf32, #tpu.memory_space<hbm>>, %arg3: memref<1280x128xi32, #tpu.memory_space<hbm>>, %arg4: memref<640x64xf32, #tpu.memory_space<hbm>>, %arg5: memref<2x10240x64xf32, #tpu.memory_space<hbm>>, %arg6: memref<40x128xi32, #tpu.memory_space<vmem>>, %arg7: memref<128x64xf32, #tpu.memory_space<vmem>>, %arg8: memref<10240x64xf32, #tpu.memory_space<vmem_shared>>) attributes {dimension_semantics = [#tpu.dimension_semantics<core_parallel>, #tpu.dimension_semantics<subcore_parallel>], iteration_bounds = array<i64: 2, 16>, scalar_prefetch = 0 : i64, scratch_operands = 3 : i64, tpu.core_type = #tpu.core_type<sc_vector_subcore>, window_params = [{transform_indices = #map}, {transform_indices = #map}, {transform_indices = #map}, {transform_indices = #map1}]} {
    %mul3A = arith.constant 2 : i32
    %mul3A_0 = arith.muli %arg1, %mul3A : i32
    %add3A = arith.addi %mul3A_0, %arg0 : i32
    %mul3A_1 = arith.constant 640 : i32
    %mul3A_2 = arith.muli %arg1, %mul3A_1 : i32
    "tpu.region"() ({
      %run_scoped3A = tpu.sem_alloc : memref<!tpu.dma_semaphore, #tpu.memory_space<semaphore_mem>>
      %dma_start3A = arith.constant 0 : i32
      %dma_start3A_15 = tpu.memref_slice %arg8[%mul3A_2, %dma_start3A] : memref<10240x64xf32, #tpu.memory_space<vmem_shared>> -> memref<640x64xf32, #tpu.memory_space<vmem_shared>>
      tpu.enqueue_dma source(%arg4 : memref<640x64xf32, #tpu.memory_space<hbm>>) target(%dma_start3A_15 : memref<640x64xf32, #tpu.memory_space<vmem_shared>>) target_semaphore(%run_scoped3A : memref<!tpu.dma_semaphore, #tpu.memory_space<semaphore_mem>>)
      %dma_wait3A = arith.constant 0 : i32
      %dma_wait3A_16 = tpu.memref_slice %arg8[%mul3A_2, %dma_wait3A] : memref<10240x64xf32, #tpu.memory_space<vmem_shared>> -> memref<640x64xf32, #tpu.memory_space<vmem_shared>>
      tpu.wait_dma2 semaphore(%run_scoped3A : memref<!tpu.dma_semaphore, #tpu.memory_space<semaphore_mem>>) src(%arg4 : memref<640x64xf32, #tpu.memory_space<hbm>>) dst(%dma_wait3A_16 : memref<640x64xf32, #tpu.memory_space<vmem_shared>>)
      tpu.yield
    }) : () -> ()
    %mul3A_3 = arith.constant 40 : i32
    %mul3A_4 = arith.muli %add3A, %mul3A_3 : i32
    "tpu.region"() ({
      %run_scoped3A = tpu.sem_alloc : memref<!tpu.dma_semaphore, #tpu.memory_space<semaphore_mem>>
      %dma_start3A = arith.constant 0 : i32
      %dma_start3A_15 = tpu.memref_slice %arg3[%mul3A_4, %dma_start3A] : memref<1280x128xi32, #tpu.memory_space<hbm>> -> memref<40x128xi32, #tpu.memory_space<hbm>>
      %dma_start3A_16 = arith.constant 0 : i32
      %dma_start3A_17 = tpu.memref_slice %arg3[%mul3A_4, %dma_start3A_16] : memref<1280x128xi32, #tpu.memory_space<hbm>> -> memref<40x128xi32, #tpu.memory_space<hbm>>
      tpu.enqueue_dma source(%dma_start3A_17 : memref<40x128xi32, #tpu.memory_space<hbm>>) target(%arg6 : memref<40x128xi32, #tpu.memory_space<vmem>>) target_semaphore(%run_scoped3A : memref<!tpu.dma_semaphore, #tpu.memory_space<semaphore_mem>>)
      %dma_wait3A = arith.constant 0 : i32
      %dma_wait3A_18 = tpu.memref_slice %arg3[%mul3A_4, %dma_wait3A] : memref<1280x128xi32, #tpu.memory_space<hbm>> -> memref<40x128xi32, #tpu.memory_space<hbm>>
      %dma_wait3A_19 = arith.constant 0 : i32
      %dma_wait3A_20 = tpu.memref_slice %arg3[%mul3A_4, %dma_wait3A_19] : memref<1280x128xi32, #tpu.memory_space<hbm>> -> memref<40x128xi32, #tpu.memory_space<hbm>>
      tpu.wait_dma2 semaphore(%run_scoped3A : memref<!tpu.dma_semaphore, #tpu.memory_space<semaphore_mem>>) src(%dma_wait3A_20 : memref<40x128xi32, #tpu.memory_space<hbm>>) dst(%arg6 : memref<40x128xi32, #tpu.memory_space<vmem>>)
      tpu.yield
    }) : () -> ()
    %barrier3A = arith.constant 0 : index
    tpu.barrier barrier_id(%barrier3A)
    %scan3A = arith.constant 0 : i32
    %scan3A_5 = arith.constant 0 : i32
    %scan3A_6 = arith.constant 40 : i32
    %scan3A_7 = arith.addi %scan3A_5, %scan3A_6 : i32
    %scan3A_8 = arith.constant 1 : i32
    scf.for %scan3A_15 = %scan3A_5 to %scan3A_7 step %scan3A_8  : i32 {
      %mul3A_16 = arith.constant 40 : i32
      %mul3A_17 = arith.muli %add3A, %mul3A_16 : i32
      %add3A_18 = arith.addi %mul3A_17, %scan3A_15 : i32
      %mul3A_19 = arith.constant 128 : i32
      %mul3A_20 = arith.muli %add3A_18, %mul3A_19 : i32
      "tpu.region"() ({
        %run_scoped3A = tpu.sem_alloc : memref<!tpu.dma_semaphore, #tpu.memory_space<semaphore_mem>>
        %dma_start3A = arith.constant 0 : i32
        %dma_start3A_21 = tpu.memref_slice %arg2[%mul3A_20, %dma_start3A] : memref<163840x64xf32, #tpu.memory_space<hbm>> -> memref<128x64xf32, #tpu.memory_space<hbm>>
        %dma_start3A_22 = arith.constant 0 : i32
        %dma_start3A_23 = tpu.memref_slice %arg2[%mul3A_20, %dma_start3A_22] : memref<163840x64xf32, #tpu.memory_space<hbm>> -> memref<128x64xf32, #tpu.memory_space<hbm>>
        tpu.enqueue_dma source(%dma_start3A_23 : memref<128x64xf32, #tpu.memory_space<hbm>>) target(%arg7 : memref<128x64xf32, #tpu.memory_space<vmem>>) target_semaphore(%run_scoped3A : memref<!tpu.dma_semaphore, #tpu.memory_space<semaphore_mem>>)
        %dma_wait3A = arith.constant 0 : i32
        %dma_wait3A_24 = tpu.memref_slice %arg2[%mul3A_20, %dma_wait3A] : memref<163840x64xf32, #tpu.memory_space<hbm>> -> memref<128x64xf32, #tpu.memory_space<hbm>>
        %dma_wait3A_25 = arith.constant 0 : i32
        %dma_wait3A_26 = tpu.memref_slice %arg2[%mul3A_20, %dma_wait3A_25] : memref<163840x64xf32, #tpu.memory_space<hbm>> -> memref<128x64xf32, #tpu.memory_space<hbm>>
        tpu.wait_dma2 semaphore(%run_scoped3A : memref<!tpu.dma_semaphore, #tpu.memory_space<semaphore_mem>>) src(%dma_wait3A_26 : memref<128x64xf32, #tpu.memory_space<hbm>>) dst(%arg7 : memref<128x64xf32, #tpu.memory_space<vmem>>)
        tpu.yield
      }) : () -> ()
      "tpu.region"() ({
        %run_scoped3A = tpu.sem_alloc : memref<!tpu.dma_semaphore, #tpu.memory_space<semaphore_mem>>
        %dma_start3A = arith.constant 0 : i32
        %dma_start3A_21 = tpu.memref_slice %arg6[%scan3A_15, %dma_start3A] : memref<40x128xi32, #tpu.memory_space<vmem>> -> memref<1x128xi32, #tpu.memory_space<vmem>>
        %dma_start3A_22 = tpu.memref_squeeze %dma_start3A_21 : memref<1x128xi32, #tpu.memory_space<vmem>> -> memref<128xi32, #tpu.memory_space<vmem>>
        %dma_start3A_23 = arith.constant 0 : i32
        %dma_start3A_24 = arith.constant 0 : i32
        %dma_start3A_25 = tpu.memref_slice %arg8[%dma_start3A_23, %dma_start3A_24] : memref<10240x64xf32, #tpu.memory_space<vmem_shared>> -> memref<10240x64xf32, #tpu.memory_space<vmem_shared>>
        tpu.enqueue_indirect_dma source(%arg7 : memref<128x64xf32, #tpu.memory_space<vmem>>) target(%dma_start3A_25 : memref<10240x64xf32, #tpu.memory_space<vmem_shared>>) offsets(%dma_start3A_22 : memref<128xi32, #tpu.memory_space<vmem>>) semaphore(%run_scoped3A : memref<!tpu.dma_semaphore, #tpu.memory_space<semaphore_mem>>) {add = true}
        %dma_wait3A = arith.constant 0 : i32
        %dma_wait3A_26 = tpu.memref_slice %arg6[%scan3A_15, %dma_wait3A] : memref<40x128xi32, #tpu.memory_space<vmem>> -> memref<1x128xi32, #tpu.memory_space<vmem>>
        %dma_wait3A_27 = tpu.memref_squeeze %dma_wait3A_26 : memref<1x128xi32, #tpu.memory_space<vmem>> -> memref<128xi32, #tpu.memory_space<vmem>>
        %dma_wait3A_28 = arith.constant 0 : i32
        %dma_wait3A_29 = arith.constant 0 : i32
        %dma_wait3A_30 = tpu.memref_slice %arg8[%dma_wait3A_28, %dma_wait3A_29] : memref<10240x64xf32, #tpu.memory_space<vmem_shared>> -> memref<10240x64xf32, #tpu.memory_space<vmem_shared>>
        tpu.wait_indirect_dma semaphore(%run_scoped3A : memref<!tpu.dma_semaphore, #tpu.memory_space<semaphore_mem>>) src(%arg7 : memref<128x64xf32, #tpu.memory_space<vmem>>) dst(%dma_wait3A_30 : memref<10240x64xf32, #tpu.memory_space<vmem_shared>>)
        tpu.yield
      }) : () -> ()
    }
    %scan3A_9 = arith.constant 40 : i32
    %barrier3A_10 = arith.constant 0 : index
    tpu.barrier barrier_id(%barrier3A_10)
    %mul3A_11 = arith.constant 640 : i32
    %mul3A_12 = arith.muli %arg1, %mul3A_11 : i32
    %mul3A_13 = arith.constant 640 : i32
    %mul3A_14 = arith.muli %arg1, %mul3A_13 : i32
    "tpu.region"() ({
      %run_scoped3A = tpu.sem_alloc : memref<!tpu.dma_semaphore, #tpu.memory_space<semaphore_mem>>
      %dma_start3A = arith.constant 0 : i32
      %dma_start3A_15 = tpu.memref_slice %arg5[%arg0, %mul3A_14, %dma_start3A] : memref<2x10240x64xf32, #tpu.memory_space<hbm>> -> memref<1x640x64xf32, #tpu.memory_space<hbm>>
      %dma_start3A_16 = tpu.memref_squeeze %dma_start3A_15 : memref<1x640x64xf32, #tpu.memory_space<hbm>> -> memref<640x64xf32, #tpu.memory_space<hbm>>
      %dma_start3A_17 = arith.constant 0 : i32
      %dma_start3A_18 = tpu.memref_slice %arg8[%mul3A_12, %dma_start3A_17] : memref<10240x64xf32, #tpu.memory_space<vmem_shared>> -> memref<640x64xf32, #tpu.memory_space<vmem_shared>>
      tpu.enqueue_dma source(%dma_start3A_18 : memref<640x64xf32, #tpu.memory_space<vmem_shared>>) target(%dma_start3A_16 : memref<640x64xf32, #tpu.memory_space<hbm>>) target_semaphore(%run_scoped3A : memref<!tpu.dma_semaphore, #tpu.memory_space<semaphore_mem>>)
      %dma_wait3A = arith.constant 0 : i32
      %dma_wait3A_19 = tpu.memref_slice %arg5[%arg0, %mul3A_14, %dma_wait3A] : memref<2x10240x64xf32, #tpu.memory_space<hbm>> -> memref<1x640x64xf32, #tpu.memory_space<hbm>>
      %dma_wait3A_20 = tpu.memref_squeeze %dma_wait3A_19 : memref<1x640x64xf32, #tpu.memory_space<hbm>> -> memref<640x64xf32, #tpu.memory_space<hbm>>
      %dma_wait3A_21 = arith.constant 0 : i32
      %dma_wait3A_22 = tpu.memref_slice %arg8[%mul3A_12, %dma_wait3A_21] : memref<10240x64xf32, #tpu.memory_space<vmem_shared>> -> memref<640x64xf32, #tpu.memory_space<vmem_shared>>
      tpu.wait_dma2 semaphore(%run_scoped3A : memref<!tpu.dma_semaphore, #tpu.memory_space<semaphore_mem>>) src(%dma_wait3A_22 : memref<640x64xf32, #tpu.memory_space<vmem_shared>>) dst(%dma_wait3A_20 : memref<640x64xf32, #tpu.memory_space<hbm>>)
      tpu.yield
    }) : () -> ()
    return
  }
}

#map = affine_map<(d0, d1) -> (0, 0)>
module attributes {stable_mosaic.version = 14 : i64} {
  func.func @k(%arg0: i32, %arg1: i32, %arg2: memref<10000x64xf32, #tpu.memory_space<hbm>>, %arg3: memref<1280x128xi32, #tpu.memory_space<hbm>>, %arg4: memref<163840x64xf32, #tpu.memory_space<hbm>>, %arg5: memref<40x128xi32, #tpu.memory_space<vmem>>, %arg6: memref<128x64xf32, #tpu.memory_space<vmem>>, %arg7: memref<!tpu.dma_semaphore, #tpu.memory_space<semaphore_mem>>) attributes {dimension_semantics = [#tpu.dimension_semantics<core_parallel>, #tpu.dimension_semantics<subcore_parallel>], iteration_bounds = array<i64: 2, 16>, scalar_prefetch = 0 : i64, scratch_operands = 3 : i64, tpu.core_type = #tpu.core_type<sc_vector_subcore>, window_params = [{transform_indices = #map}, {transform_indices = #map}, {transform_indices = #map}]} {
    %mul3A = arith.constant 2 : i32
    %mul3A_0 = arith.muli %arg1, %mul3A : i32
    %add3A = arith.addi %mul3A_0, %arg0 : i32
    %mul3A_1 = arith.constant 40 : i32
    %mul3A_2 = arith.muli %add3A, %mul3A_1 : i32
    "tpu.region"() ({
      %run_scoped3A = tpu.sem_alloc : memref<!tpu.dma_semaphore, #tpu.memory_space<semaphore_mem>>
      %dma_start3A = arith.constant 0 : i32
      %dma_start3A_8 = tpu.memref_slice %arg3[%mul3A_2, %dma_start3A] : memref<1280x128xi32, #tpu.memory_space<hbm>> -> memref<40x128xi32, #tpu.memory_space<hbm>>
      %dma_start3A_9 = arith.constant 0 : i32
      %dma_start3A_10 = tpu.memref_slice %arg3[%mul3A_2, %dma_start3A_9] : memref<1280x128xi32, #tpu.memory_space<hbm>> -> memref<40x128xi32, #tpu.memory_space<hbm>>
      tpu.enqueue_dma source(%dma_start3A_10 : memref<40x128xi32, #tpu.memory_space<hbm>>) target(%arg5 : memref<40x128xi32, #tpu.memory_space<vmem>>) target_semaphore(%run_scoped3A : memref<!tpu.dma_semaphore, #tpu.memory_space<semaphore_mem>>)
      %dma_wait3A = arith.constant 0 : i32
      %dma_wait3A_11 = tpu.memref_slice %arg3[%mul3A_2, %dma_wait3A] : memref<1280x128xi32, #tpu.memory_space<hbm>> -> memref<40x128xi32, #tpu.memory_space<hbm>>
      %dma_wait3A_12 = arith.constant 0 : i32
      %dma_wait3A_13 = tpu.memref_slice %arg3[%mul3A_2, %dma_wait3A_12] : memref<1280x128xi32, #tpu.memory_space<hbm>> -> memref<40x128xi32, #tpu.memory_space<hbm>>
      tpu.wait_dma2 semaphore(%run_scoped3A : memref<!tpu.dma_semaphore, #tpu.memory_space<semaphore_mem>>) src(%dma_wait3A_13 : memref<40x128xi32, #tpu.memory_space<hbm>>) dst(%arg5 : memref<40x128xi32, #tpu.memory_space<vmem>>)
      tpu.yield
    }) : () -> ()
    %scan3A = arith.constant 0 : i32
    %scan3A_3 = arith.constant 0 : i32
    %scan3A_4 = arith.constant 40 : i32
    %scan3A_5 = arith.addi %scan3A_3, %scan3A_4 : i32
    %scan3A_6 = arith.constant 1 : i32
    scf.for %scan3A_8 = %scan3A_3 to %scan3A_5 step %scan3A_6  : i32 {
      %dma_start3A = arith.constant 0 : i32
      %dma_start3A_9 = tpu.memref_slice %arg5[%scan3A_8, %dma_start3A] : memref<40x128xi32, #tpu.memory_space<vmem>> -> memref<1x128xi32, #tpu.memory_space<vmem>>
      %dma_start3A_10 = tpu.memref_squeeze %dma_start3A_9 : memref<1x128xi32, #tpu.memory_space<vmem>> -> memref<128xi32, #tpu.memory_space<vmem>>
      %dma_start3A_11 = arith.constant 0 : i32
      %dma_start3A_12 = arith.constant 0 : i32
      %dma_start3A_13 = tpu.memref_slice %arg2[%dma_start3A_11, %dma_start3A_12] : memref<10000x64xf32, #tpu.memory_space<hbm>> -> memref<10000x64xf32, #tpu.memory_space<hbm>>
      tpu.enqueue_indirect_dma source(%dma_start3A_13 : memref<10000x64xf32, #tpu.memory_space<hbm>>) target(%arg6 : memref<128x64xf32, #tpu.memory_space<vmem>>) offsets(%dma_start3A_10 : memref<128xi32, #tpu.memory_space<vmem>>) semaphore(%arg7 : memref<!tpu.dma_semaphore, #tpu.memory_space<semaphore_mem>>)
      %dma_wait3A = arith.constant 0 : i32
      %dma_wait3A_14 = tpu.memref_slice %arg5[%scan3A_8, %dma_wait3A] : memref<40x128xi32, #tpu.memory_space<vmem>> -> memref<1x128xi32, #tpu.memory_space<vmem>>
      %dma_wait3A_15 = tpu.memref_squeeze %dma_wait3A_14 : memref<1x128xi32, #tpu.memory_space<vmem>> -> memref<128xi32, #tpu.memory_space<vmem>>
      %dma_wait3A_16 = arith.constant 0 : i32
      %dma_wait3A_17 = arith.constant 0 : i32
      %dma_wait3A_18 = tpu.memref_slice %arg2[%dma_wait3A_16, %dma_wait3A_17] : memref<10000x64xf32, #tpu.memory_space<hbm>> -> memref<10000x64xf32, #tpu.memory_space<hbm>>
      tpu.wait_indirect_dma semaphore(%arg7 : memref<!tpu.dma_semaphore, #tpu.memory_space<semaphore_mem>>) src(%dma_wait3A_18 : memref<10000x64xf32, #tpu.memory_space<hbm>>) dst(%arg6 : memref<128x64xf32, #tpu.memory_space<vmem>>)
      %mul3A_19 = arith.constant 40 : i32
      %mul3A_20 = arith.muli %add3A, %mul3A_19 : i32
      %add3A_21 = arith.addi %mul3A_20, %scan3A_8 : i32
      %mul3A_22 = arith.constant 128 : i32
      %mul3A_23 = arith.muli %add3A_21, %mul3A_22 : i32
      "tpu.region"() ({
        %run_scoped3A = tpu.sem_alloc : memref<!tpu.dma_semaphore, #tpu.memory_space<semaphore_mem>>
        %dma_start3A_24 = arith.constant 0 : i32
        %dma_start3A_25 = tpu.memref_slice %arg4[%mul3A_23, %dma_start3A_24] : memref<163840x64xf32, #tpu.memory_space<hbm>> -> memref<128x64xf32, #tpu.memory_space<hbm>>
        %dma_start3A_26 = arith.constant 0 : i32
        %dma_start3A_27 = tpu.memref_slice %arg4[%mul3A_23, %dma_start3A_26] : memref<163840x64xf32, #tpu.memory_space<hbm>> -> memref<128x64xf32, #tpu.memory_space<hbm>>
        tpu.enqueue_dma source(%arg6 : memref<128x64xf32, #tpu.memory_space<vmem>>) target(%dma_start3A_27 : memref<128x64xf32, #tpu.memory_space<hbm>>) target_semaphore(%run_scoped3A : memref<!tpu.dma_semaphore, #tpu.memory_space<semaphore_mem>>)
        %dma_wait3A_28 = arith.constant 0 : i32
        %dma_wait3A_29 = tpu.memref_slice %arg4[%mul3A_23, %dma_wait3A_28] : memref<163840x64xf32, #tpu.memory_space<hbm>> -> memref<128x64xf32, #tpu.memory_space<hbm>>
        %dma_wait3A_30 = arith.constant 0 : i32
        %dma_wait3A_31 = tpu.memref_slice %arg4[%mul3A_23, %dma_wait3A_30] : memref<163840x64xf32, #tpu.memory_space<hbm>> -> memref<128x64xf32, #tpu.memory_space<hbm>>
        tpu.wait_dma2 semaphore(%run_scoped3A : memref<!tpu.dma_semaphore, #tpu.memory_space<semaphore_mem>>) src(%arg6 : memref<128x64xf32, #tpu.memory_space<vmem>>) dst(%dma_wait3A_31 : memref<128x64xf32, #tpu.memory_space<hbm>>)
        tpu.yield
      }) : () -> ()
    }
    %scan3A_7 = arith.constant 40 : i32
    return
  }
}

#map = affine_map<(d0, d1) -> (0, 0)>
#map1 = affine_map<(d0, d1) -> (0, 0, 0)>
module attributes {stable_mosaic.version = 14 : i64} {
  func.func @k(%arg0: i32, %arg1: i32, %arg2: memref<163840x64xf32, #tpu.memory_space<hbm>>, %arg3: memref<1280x128xi32, #tpu.memory_space<hbm>>, %arg4: memref<640x64xf32, #tpu.memory_space<hbm>>, %arg5: memref<2x10240x64xf32, #tpu.memory_space<hbm>>, %arg6: memref<40x128xi32, #tpu.memory_space<vmem>>, %arg7: memref<128x64xf32, #tpu.memory_space<vmem>>, %arg8: memref<10240x64xf32, #tpu.memory_space<vmem_shared>>) attributes {dimension_semantics = [#tpu.dimension_semantics<core_parallel>, #tpu.dimension_semantics<subcore_parallel>], iteration_bounds = array<i64: 2, 16>, scalar_prefetch = 0 : i64, scratch_operands = 3 : i64, tpu.core_type = #tpu.core_type<sc_vector_subcore>, window_params = [{transform_indices = #map}, {transform_indices = #map}, {transform_indices = #map}, {transform_indices = #map1}]} {
    %mul3A = arith.constant 2 : i32
    %mul3A_0 = arith.muli %arg1, %mul3A : i32
    %add3A = arith.addi %mul3A_0, %arg0 : i32
    %mul3A_1 = arith.constant 640 : i32
    %mul3A_2 = arith.muli %arg1, %mul3A_1 : i32
    "tpu.region"() ({
      %run_scoped3A = tpu.sem_alloc : memref<!tpu.dma_semaphore, #tpu.memory_space<semaphore_mem>>
      %dma_start3A = arith.constant 0 : i32
      %dma_start3A_15 = tpu.memref_slice %arg8[%mul3A_2, %dma_start3A] : memref<10240x64xf32, #tpu.memory_space<vmem_shared>> -> memref<640x64xf32, #tpu.memory_space<vmem_shared>>
      tpu.enqueue_dma source(%arg4 : memref<640x64xf32, #tpu.memory_space<hbm>>) target(%dma_start3A_15 : memref<640x64xf32, #tpu.memory_space<vmem_shared>>) target_semaphore(%run_scoped3A : memref<!tpu.dma_semaphore, #tpu.memory_space<semaphore_mem>>)
      %dma_wait3A = arith.constant 0 : i32
      %dma_wait3A_16 = tpu.memref_slice %arg8[%mul3A_2, %dma_wait3A] : memref<10240x64xf32, #tpu.memory_space<vmem_shared>> -> memref<640x64xf32, #tpu.memory_space<vmem_shared>>
      tpu.wait_dma2 semaphore(%run_scoped3A : memref<!tpu.dma_semaphore, #tpu.memory_space<semaphore_mem>>) src(%arg4 : memref<640x64xf32, #tpu.memory_space<hbm>>) dst(%dma_wait3A_16 : memref<640x64xf32, #tpu.memory_space<vmem_shared>>)
      tpu.yield
    }) : () -> ()
    %mul3A_3 = arith.constant 40 : i32
    %mul3A_4 = arith.muli %add3A, %mul3A_3 : i32
    "tpu.region"() ({
      %run_scoped3A = tpu.sem_alloc : memref<!tpu.dma_semaphore, #tpu.memory_space<semaphore_mem>>
      %dma_start3A = arith.constant 0 : i32
      %dma_start3A_15 = tpu.memref_slice %arg3[%mul3A_4, %dma_start3A] : memref<1280x128xi32, #tpu.memory_space<hbm>> -> memref<40x128xi32, #tpu.memory_space<hbm>>
      %dma_start3A_16 = arith.constant 0 : i32
      %dma_start3A_17 = tpu.memref_slice %arg3[%mul3A_4, %dma_start3A_16] : memref<1280x128xi32, #tpu.memory_space<hbm>> -> memref<40x128xi32, #tpu.memory_space<hbm>>
      tpu.enqueue_dma source(%dma_start3A_17 : memref<40x128xi32, #tpu.memory_space<hbm>>) target(%arg6 : memref<40x128xi32, #tpu.memory_space<vmem>>) target_semaphore(%run_scoped3A : memref<!tpu.dma_semaphore, #tpu.memory_space<semaphore_mem>>)
      %dma_wait3A = arith.constant 0 : i32
      %dma_wait3A_18 = tpu.memref_slice %arg3[%mul3A_4, %dma_wait3A] : memref<1280x128xi32, #tpu.memory_space<hbm>> -> memref<40x128xi32, #tpu.memory_space<hbm>>
      %dma_wait3A_19 = arith.constant 0 : i32
      %dma_wait3A_20 = tpu.memref_slice %arg3[%mul3A_4, %dma_wait3A_19] : memref<1280x128xi32, #tpu.memory_space<hbm>> -> memref<40x128xi32, #tpu.memory_space<hbm>>
      tpu.wait_dma2 semaphore(%run_scoped3A : memref<!tpu.dma_semaphore, #tpu.memory_space<semaphore_mem>>) src(%dma_wait3A_20 : memref<40x128xi32, #tpu.memory_space<hbm>>) dst(%arg6 : memref<40x128xi32, #tpu.memory_space<vmem>>)
      tpu.yield
    }) : () -> ()
    %barrier3A = arith.constant 0 : index
    tpu.barrier barrier_id(%barrier3A)
    %scan3A = arith.constant 0 : i32
    %scan3A_5 = arith.constant 0 : i32
    %scan3A_6 = arith.constant 40 : i32
    %scan3A_7 = arith.addi %scan3A_5, %scan3A_6 : i32
    %scan3A_8 = arith.constant 1 : i32
    scf.for %scan3A_15 = %scan3A_5 to %scan3A_7 step %scan3A_8  : i32 {
      %mul3A_16 = arith.constant 40 : i32
      %mul3A_17 = arith.muli %add3A, %mul3A_16 : i32
      %add3A_18 = arith.addi %mul3A_17, %scan3A_15 : i32
      %mul3A_19 = arith.constant 128 : i32
      %mul3A_20 = arith.muli %add3A_18, %mul3A_19 : i32
      "tpu.region"() ({
        %run_scoped3A = tpu.sem_alloc : memref<!tpu.dma_semaphore, #tpu.memory_space<semaphore_mem>>
        %dma_start3A = arith.constant 0 : i32
        %dma_start3A_21 = tpu.memref_slice %arg2[%mul3A_20, %dma_start3A] : memref<163840x64xf32, #tpu.memory_space<hbm>> -> memref<128x64xf32, #tpu.memory_space<hbm>>
        %dma_start3A_22 = arith.constant 0 : i32
        %dma_start3A_23 = tpu.memref_slice %arg2[%mul3A_20, %dma_start3A_22] : memref<163840x64xf32, #tpu.memory_space<hbm>> -> memref<128x64xf32, #tpu.memory_space<hbm>>
        tpu.enqueue_dma source(%dma_start3A_23 : memref<128x64xf32, #tpu.memory_space<hbm>>) target(%arg7 : memref<128x64xf32, #tpu.memory_space<vmem>>) target_semaphore(%run_scoped3A : memref<!tpu.dma_semaphore, #tpu.memory_space<semaphore_mem>>)
        %dma_wait3A = arith.constant 0 : i32
        %dma_wait3A_24 = tpu.memref_slice %arg2[%mul3A_20, %dma_wait3A] : memref<163840x64xf32, #tpu.memory_space<hbm>> -> memref<128x64xf32, #tpu.memory_space<hbm>>
        %dma_wait3A_25 = arith.constant 0 : i32
        %dma_wait3A_26 = tpu.memref_slice %arg2[%mul3A_20, %dma_wait3A_25] : memref<163840x64xf32, #tpu.memory_space<hbm>> -> memref<128x64xf32, #tpu.memory_space<hbm>>
        tpu.wait_dma2 semaphore(%run_scoped3A : memref<!tpu.dma_semaphore, #tpu.memory_space<semaphore_mem>>) src(%dma_wait3A_26 : memref<128x64xf32, #tpu.memory_space<hbm>>) dst(%arg7 : memref<128x64xf32, #tpu.memory_space<vmem>>)
        tpu.yield
      }) : () -> ()
      "tpu.region"() ({
        %run_scoped3A = tpu.sem_alloc : memref<!tpu.dma_semaphore, #tpu.memory_space<semaphore_mem>>
        %dma_start3A = arith.constant 0 : i32
        %dma_start3A_21 = tpu.memref_slice %arg6[%scan3A_15, %dma_start3A] : memref<40x128xi32, #tpu.memory_space<vmem>> -> memref<1x128xi32, #tpu.memory_space<vmem>>
        %dma_start3A_22 = tpu.memref_squeeze %dma_start3A_21 : memref<1x128xi32, #tpu.memory_space<vmem>> -> memref<128xi32, #tpu.memory_space<vmem>>
        %dma_start3A_23 = arith.constant 0 : i32
        %dma_start3A_24 = arith.constant 0 : i32
        %dma_start3A_25 = tpu.memref_slice %arg8[%dma_start3A_23, %dma_start3A_24] : memref<10240x64xf32, #tpu.memory_space<vmem_shared>> -> memref<10240x64xf32, #tpu.memory_space<vmem_shared>>
        tpu.enqueue_indirect_dma source(%arg7 : memref<128x64xf32, #tpu.memory_space<vmem>>) target(%dma_start3A_25 : memref<10240x64xf32, #tpu.memory_space<vmem_shared>>) offsets(%dma_start3A_22 : memref<128xi32, #tpu.memory_space<vmem>>) semaphore(%run_scoped3A : memref<!tpu.dma_semaphore, #tpu.memory_space<semaphore_mem>>) {add = true}
        %dma_wait3A = arith.constant 0 : i32
        %dma_wait3A_26 = tpu.memref_slice %arg6[%scan3A_15, %dma_wait3A] : memref<40x128xi32, #tpu.memory_space<vmem>> -> memref<1x128xi32, #tpu.memory_space<vmem>>
        %dma_wait3A_27 = tpu.memref_squeeze %dma_wait3A_26 : memref<1x128xi32, #tpu.memory_space<vmem>> -> memref<128xi32, #tpu.memory_space<vmem>>
        %dma_wait3A_28 = arith.constant 0 : i32
        %dma_wait3A_29 = arith.constant 0 : i32
        %dma_wait3A_30 = tpu.memref_slice %arg8[%dma_wait3A_28, %dma_wait3A_29] : memref<10240x64xf32, #tpu.memory_space<vmem_shared>> -> memref<10240x64xf32, #tpu.memory_space<vmem_shared>>
        tpu.wait_indirect_dma semaphore(%run_scoped3A : memref<!tpu.dma_semaphore, #tpu.memory_space<semaphore_mem>>) src(%arg7 : memref<128x64xf32, #tpu.memory_space<vmem>>) dst(%dma_wait3A_30 : memref<10240x64xf32, #tpu.memory_space<vmem_shared>>)
        tpu.yield
      }) : () -> ()
    }
    %scan3A_9 = arith.constant 40 : i32
    %barrier3A_10 = arith.constant 0 : index
    tpu.barrier barrier_id(%barrier3A_10)
    %mul3A_11 = arith.constant 640 : i32
    %mul3A_12 = arith.muli %arg1, %mul3A_11 : i32
    %mul3A_13 = arith.constant 640 : i32
    %mul3A_14 = arith.muli %arg1, %mul3A_13 : i32
    "tpu.region"() ({
      %run_scoped3A = tpu.sem_alloc : memref<!tpu.dma_semaphore, #tpu.memory_space<semaphore_mem>>
      %dma_start3A = arith.constant 0 : i32
      %dma_start3A_15 = tpu.memref_slice %arg5[%arg0, %mul3A_14, %dma_start3A] : memref<2x10240x64xf32, #tpu.memory_space<hbm>> -> memref<1x640x64xf32, #tpu.memory_space<hbm>>
      %dma_start3A_16 = tpu.memref_squeeze %dma_start3A_15 : memref<1x640x64xf32, #tpu.memory_space<hbm>> -> memref<640x64xf32, #tpu.memory_space<hbm>>
      %dma_start3A_17 = arith.constant 0 : i32
      %dma_start3A_18 = tpu.memref_slice %arg8[%mul3A_12, %dma_start3A_17] : memref<10240x64xf32, #tpu.memory_space<vmem_shared>> -> memref<640x64xf32, #tpu.memory_space<vmem_shared>>
      tpu.enqueue_dma source(%dma_start3A_18 : memref<640x64xf32, #tpu.memory_space<vmem_shared>>) target(%dma_start3A_16 : memref<640x64xf32, #tpu.memory_space<hbm>>) target_semaphore(%run_scoped3A : memref<!tpu.dma_semaphore, #tpu.memory_space<semaphore_mem>>)
      %dma_wait3A = arith.constant 0 : i32
      %dma_wait3A_19 = tpu.memref_slice %arg5[%arg0, %mul3A_14, %dma_wait3A] : memref<2x10240x64xf32, #tpu.memory_space<hbm>> -> memref<1x640x64xf32, #tpu.memory_space<hbm>>
      %dma_wait3A_20 = tpu.memref_squeeze %dma_wait3A_19 : memref<1x640x64xf32, #tpu.memory_space<hbm>> -> memref<640x64xf32, #tpu.memory_space<hbm>>
      %dma_wait3A_21 = arith.constant 0 : i32
      %dma_wait3A_22 = tpu.memref_slice %arg8[%mul3A_12, %dma_wait3A_21] : memref<10240x64xf32, #tpu.memory_space<vmem_shared>> -> memref<640x64xf32, #tpu.memory_space<vmem_shared>>
      tpu.wait_dma2 semaphore(%run_scoped3A : memref<!tpu.dma_semaphore, #tpu.memory_space<semaphore_mem>>) src(%dma_wait3A_22 : memref<640x64xf32, #tpu.memory_space<vmem_shared>>) dst(%dma_wait3A_20 : memref<640x64xf32, #tpu.memory_space<hbm>>)
      tpu.yield
    }) : () -> ()
    return
  }
}

module attributes {stable_mosaic.version = 14 : i64} {
  func.func @_lin0_body(%arg0: i32, %arg1: memref<1000x128xf32, #tpu.memory_space<vmem>>, %arg2: memref<128x32xf32, #tpu.memory_space<vmem>>, %arg3: memref<1x32xf32, #tpu.memory_space<vmem>>, %arg4: memref<128x32xf32, #tpu.memory_space<vmem>>, %arg5: memref<1x32xf32, #tpu.memory_space<vmem>>, %arg6: memref<1000x64xf32, #tpu.memory_space<vmem>>) attributes {dimension_semantics = [#tpu.dimension_semantics<arbitrary>], iteration_bounds = array<i64: 10>, scalar_prefetch = 0 : i64, scratch_operands = 0 : i64, tpu.core_type = #tpu.core_type<tc>, window_params = [{transform_indices = @transform_0, window_bounds = array<i64: 1000, 128>}, {pipeline_mode = #tpu.pipeline_mode<synchronous>, transform_indices = @transform_1, window_bounds = array<i64: 128, 32>}, {pipeline_mode = #tpu.pipeline_mode<synchronous>, transform_indices = @transform_2, window_bounds = array<i64: 1, 32>}, {pipeline_mode = #tpu.pipeline_mode<synchronous>, transform_indices = @transform_3, window_bounds = array<i64: 128, 32>}, {pipeline_mode = #tpu.pipeline_mode<synchronous>, transform_indices = @transform_4, window_bounds = array<i64: 1, 32>}, {transform_indices = @transform_5, window_bounds = array<i64: 1000, 64>}]} {
    %get3A = arith.constant 0 : index
    %get3A_0 = arith.constant 0 : index
    %get3A_1 = vector.load %arg1[%get3A, %get3A_0] : memref<1000x128xf32, #tpu.memory_space<vmem>>, vector<1000x128xf32>
    %get3A_2 = arith.constant 0 : index
    %get3A_3 = arith.constant 0 : index
    %get3A_4 = vector.load %arg2[%get3A_2, %get3A_3] : memref<128x32xf32, #tpu.memory_space<vmem>>, vector<128x32xf32>
    %dot_general3A = arith.constant dense<0.000000e+00> : vector<1000x32xf32>
    %dot_general3A_5 = tpu.matmul %get3A_1, %get3A_4, %dot_general3A {dimension_numbers = #tpu.dot_dimension_numbers<[1], [0], [0], [1], [0, 0, 1, 1], [], []>, transpose_lhs_hint = false} : vector<1000x128xf32>, vector<128x32xf32>, vector<1000x32xf32> -> vector<1000x32xf32>
    %get3A_6 = arith.constant 0 : index
    %get3A_7 = arith.constant 0 : index
    %get3A_8 = vector.load %arg3[%get3A_6, %get3A_7] : memref<1x32xf32, #tpu.memory_space<vmem>>, vector<1x32xf32>
    %add3A = vector.broadcast %get3A_8 : vector<1x32xf32> to vector<1000x32xf32>
    %add3A_9 = arith.addf %dot_general3A_5, %add3A : vector<1000x32xf32>
    %max3A = arith.constant 0.000000e+00 : f32
    %max3A_10 = vector.broadcast %max3A : f32 to vector<1000x32xf32>
    %max3A_11 = arith.maximumf %add3A_9, %max3A_10 : vector<1000x32xf32>
    %get3A_12 = arith.constant 0 : index
    %get3A_13 = arith.constant 0 : index
    %get3A_14 = vector.load %arg4[%get3A_12, %get3A_13] : memref<128x32xf32, #tpu.memory_space<vmem>>, vector<128x32xf32>
    %dot_general3A_15 = arith.constant dense<0.000000e+00> : vector<1000x32xf32>
    %dot_general3A_16 = tpu.matmul %get3A_1, %get3A_14, %dot_general3A_15 {dimension_numbers = #tpu.dot_dimension_numbers<[1], [0], [0], [1], [0, 0, 1, 1], [], []>, transpose_lhs_hint = false} : vector<1000x128xf32>, vector<128x32xf32>, vector<1000x32xf32> -> vector<1000x32xf32>
    %get3A_17 = arith.constant 0 : index
    %get3A_18 = arith.constant 0 : index
    %get3A_19 = vector.load %arg5[%get3A_17, %get3A_18] : memref<1x32xf32, #tpu.memory_space<vmem>>, vector<1x32xf32>
    %add3A_20 = vector.broadcast %get3A_19 : vector<1x32xf32> to vector<1000x32xf32>
    %add3A_21 = arith.addf %dot_general3A_16, %add3A_20 : vector<1000x32xf32>
    %max3A_22 = arith.constant 0.000000e+00 : f32
    %max3A_23 = vector.broadcast %max3A_22 : f32 to vector<1000x32xf32>
    %max3A_24 = arith.maximumf %add3A_21, %max3A_23 : vector<1000x32xf32>
    %concatenate3A = tpu.concatenate %max3A_11, %max3A_24 in 1 : vector<1000x32xf32>, vector<1000x32xf32> -> vector<1000x64xf32>
    %swap3A = arith.constant 0 : index
    %swap3A_25 = arith.constant 0 : index
    %swap3A_26 = vector.load %arg6[%swap3A, %swap3A_25] : memref<1000x64xf32, #tpu.memory_space<vmem>>, vector<1000x64xf32>
    tpu.vector_store %arg6[%swap3A, %swap3A_25], %concatenate3A {strides = array<i32>} : memref<1000x64xf32, #tpu.memory_space<vmem>>, vector<1000x64xf32>,
    return
  }
  func.func @transform_0(%arg0: i32) -> (i32, i32) {
    %c0_i32 = arith.constant 0 : i32
    %c0_i32_0 = arith.constant 0 : i32
    return %arg0, %c0_i32 : i32, i32
  }
  func.func @transform_1(%arg0: i32) -> (i32, i32) {
    %c0_i32 = arith.constant 0 : i32
    %c0_i32_0 = arith.constant 0 : i32
    %c0_i32_1 = arith.constant 0 : i32
    return %c0_i32, %c0_i32_0 : i32, i32
  }
  func.func @transform_2(%arg0: i32) -> (i32, i32) {
    %c0_i32 = arith.constant 0 : i32
    %c0_i32_0 = arith.constant 0 : i32
    %c0_i32_1 = arith.constant 0 : i32
    return %c0_i32, %c0_i32_0 : i32, i32
  }
  func.func @transform_3(%arg0: i32) -> (i32, i32) {
    %c0_i32 = arith.constant 0 : i32
    %c0_i32_0 = arith.constant 0 : i32
    %c0_i32_1 = arith.constant 0 : i32
    return %c0_i32, %c0_i32_0 : i32, i32
  }
  func.func @transform_4(%arg0: i32) -> (i32, i32) {
    %c0_i32 = arith.constant 0 : i32
    %c0_i32_0 = arith.constant 0 : i32
    %c0_i32_1 = arith.constant 0 : i32
    return %c0_i32, %c0_i32_0 : i32, i32
  }
  func.func @transform_5(%arg0: i32) -> (i32, i32) {
    %c0_i32 = arith.constant 0 : i32
    %c0_i32_0 = arith.constant 0 : i32
    return %arg0, %c0_i32 : i32, i32
  }
}

module attributes {stable_mosaic.version = 14 : i64} {
  func.func @_matvec_body(%arg0: i32, %arg1: memref<640x64xf32, #tpu.memory_space<vmem>>, %arg2: memref<640x5xf32, #tpu.memory_space<vmem>>, %arg3: memref<32x1024xf32, #tpu.memory_space<vmem>>, %arg4: memref<5x128xf32, #tpu.memory_space<vmem>>, %arg5: memref<1x128xf32, #tpu.memory_space<vmem>>, %arg6: memref<128x1024xf32, #tpu.memory_space<vmem>>, %arg7: memref<1x1024xf32, #tpu.memory_space<vmem>>, %arg8: memref<5x128xf32, #tpu.memory_space<vmem>>, %arg9: memref<1x128xf32, #tpu.memory_space<vmem>>, %arg10: memref<128x1024xf32, #tpu.memory_space<vmem>>, %arg11: memref<1x1024xf32, #tpu.memory_space<vmem>>, %arg12: memref<640x64xf32, #tpu.memory_space<vmem>>) attributes {dimension_semantics = [#tpu.dimension_semantics<arbitrary>], iteration_bounds = array<i64: 256>, scalar_prefetch = 0 : i64, scratch_operands = 0 : i64, tpu.core_type = #tpu.core_type<tc>, window_params = [{transform_indices = @transform_0, window_bounds = array<i64: 640, 64>}, {transform_indices = @transform_1, window_bounds = array<i64: 640, 5>}, {pipeline_mode = #tpu.pipeline_mode<synchronous>, transform_indices = @transform_2, window_bounds = array<i64: 32, 1024>}, {pipeline_mode = #tpu.pipeline_mode<synchronous>, transform_indices = @transform_3, window_bounds = array<i64: 5, 128>}, {pipeline_mode = #tpu.pipeline_mode<synchronous>, transform_indices = @transform_4, window_bounds = array<i64: 1, 128>}, {pipeline_mode = #tpu.pipeline_mode<synchronous>, transform_indices = @transform_5, window_bounds = array<i64: 128, 1024>}, {pipeline_mode = #tpu.pipeline_mode<synchronous>, transform_indices = @transform_6, window_bounds = array<i64: 1, 1024>}, {pipeline_mode = #tpu.pipeline_mode<synchronous>, transform_indices = @transform_7, window_bounds = array<i64: 5, 128>}, {pipeline_mode = #tpu.pipeline_mode<synchronous>, transform_indices = @transform_8, window_bounds = array<i64: 1, 128>}, {pipeline_mode = #tpu.pipeline_mode<synchronous>, transform_indices = @transform_9, window_bounds = array<i64: 128, 1024>}, {pipeline_mode = #tpu.pipeline_mode<synchronous>, transform_indices = @transform_10, window_bounds = array<i64: 1, 1024>}, {transform_indices = @transform_11, window_bounds = array<i64: 640, 64>}]} {
    %get3A = arith.constant 0 : index
    %get3A_0 = arith.constant 0 : index
    %get3A_1 = vector.load %arg1[%get3A, %get3A_0] : memref<640x64xf32, #tpu.memory_space<vmem>>, vector<640x64xf32>
    %get3A_2 = arith.constant 0 : index
    %get3A_3 = arith.constant 0 : index
    %get3A_4 = vector.load %arg2[%get3A_2, %get3A_3] : memref<640x5xf32, #tpu.memory_space<vmem>>, vector<640x5xf32>
    %get3A_5 = arith.constant 0 : index
    %get3A_6 = arith.constant 0 : index
    %get3A_7 = vector.load %arg3[%get3A_5, %get3A_6] : memref<32x1024xf32, #tpu.memory_space<vmem>>, vector<32x1024xf32>
    %get3A_8 = arith.constant 0 : index
    %get3A_9 = arith.constant 0 : index
    %get3A_10 = vector.load %arg4[%get3A_8, %get3A_9] : memref<5x128xf32, #tpu.memory_space<vmem>>, vector<5x128xf32>
    %dot_general3A = arith.constant dense<0.000000e+00> : vector<640x128xf32>
    %dot_general3A_11 = tpu.matmul %get3A_4, %get3A_10, %dot_general3A {dimension_numbers = #tpu.dot_dimension_numbers<[1], [0], [0], [1], [0, 0, 1, 1], [], []>, transpose_lhs_hint = false} : vector<640x5xf32>, vector<5x128xf32>, vector<640x128xf32> -> vector<640x128xf32>
    %get3A_12 = arith.constant 0 : index
    %get3A_13 = arith.constant 0 : index
    %get3A_14 = vector.load %arg5[%get3A_12, %get3A_13] : memref<1x128xf32, #tpu.memory_space<vmem>>, vector<1x128xf32>
    %add3A = vector.broadcast %get3A_14 : vector<1x128xf32> to vector<640x128xf32>
    %add3A_15 = arith.addf %dot_general3A_11, %add3A : vector<640x128xf32>
    %max3A = arith.constant 0.000000e+00 : f32
    %max3A_16 = vector.broadcast %max3A : f32 to vector<640x128xf32>
    %max3A_17 = arith.maximumf %add3A_15, %max3A_16 : vector<640x128xf32>
    %get3A_18 = arith.constant 0 : index
    %get3A_19 = arith.constant 0 : index
    %get3A_20 = vector.load %arg6[%get3A_18, %get3A_19] : memref<128x1024xf32, #tpu.memory_space<vmem>>, vector<128x1024xf32>
    %dot_general3A_21 = arith.constant dense<0.000000e+00> : vector<640x1024xf32>
    %dot_general3A_22 = tpu.matmul %max3A_17, %get3A_20, %dot_general3A_21 {dimension_numbers = #tpu.dot_dimension_numbers<[1], [0], [0], [1], [0, 0, 1, 1], [], []>, transpose_lhs_hint = false} : vector<640x128xf32>, vector<128x1024xf32>, vector<640x1024xf32> -> vector<640x1024xf32>
    %get3A_23 = arith.constant 0 : index
    %get3A_24 = arith.constant 0 : index
    %get3A_25 = vector.load %arg7[%get3A_23, %get3A_24] : memref<1x1024xf32, #tpu.memory_space<vmem>>, vector<1x1024xf32>
    %add3A_26 = vector.broadcast %get3A_25 : vector<1x1024xf32> to vector<640x1024xf32>
    %add3A_27 = arith.addf %dot_general3A_22, %add3A_26 : vector<640x1024xf32>
    %get3A_28 = arith.constant 0 : index
    %get3A_29 = arith.constant 0 : index
    %get3A_30 = vector.load %arg8[%get3A_28, %get3A_29] : memref<5x128xf32, #tpu.memory_space<vmem>>, vector<5x128xf32>
    %dot_general3A_31 = arith.constant dense<0.000000e+00> : vector<640x128xf32>
    %dot_general3A_32 = tpu.matmul %get3A_4, %get3A_30, %dot_general3A_31 {dimension_numbers = #tpu.dot_dimension_numbers<[1], [0], [0], [1], [0, 0, 1, 1], [], []>, transpose_lhs_hint = false} : vector<640x5xf32>, vector<5x128xf32>, vector<640x128xf32> -> vector<640x128xf32>
    %get3A_33 = arith.constant 0 : index
    %get3A_34 = arith.constant 0 : index
    %get3A_35 = vector.load %arg9[%get3A_33, %get3A_34] : memref<1x128xf32, #tpu.memory_space<vmem>>, vector<1x128xf32>
    %add3A_36 = vector.broadcast %get3A_35 : vector<1x128xf32> to vector<640x128xf32>
    %add3A_37 = arith.addf %dot_general3A_32, %add3A_36 : vector<640x128xf32>
    %max3A_38 = arith.constant 0.000000e+00 : f32
    %max3A_39 = vector.broadcast %max3A_38 : f32 to vector<640x128xf32>
    %max3A_40 = arith.maximumf %add3A_37, %max3A_39 : vector<640x128xf32>
    %get3A_41 = arith.constant 0 : index
    %get3A_42 = arith.constant 0 : index
    %get3A_43 = vector.load %arg10[%get3A_41, %get3A_42] : memref<128x1024xf32, #tpu.memory_space<vmem>>, vector<128x1024xf32>
    %dot_general3A_44 = arith.constant dense<0.000000e+00> : vector<640x1024xf32>
    %dot_general3A_45 = tpu.matmul %max3A_40, %get3A_43, %dot_general3A_44 {dimension_numbers = #tpu.dot_dimension_numbers<[1], [0], [0], [1], [0, 0, 1, 1], [], []>, transpose_lhs_hint = false} : vector<640x128xf32>, vector<128x1024xf32>, vector<640x1024xf32> -> vector<640x1024xf32>
    %get3A_46 = arith.constant 0 : index
    %get3A_47 = arith.constant 0 : index
    %get3A_48 = vector.load %arg11[%get3A_46, %get3A_47] : memref<1x1024xf32, #tpu.memory_space<vmem>>, vector<1x1024xf32>
    %add3A_49 = vector.broadcast %get3A_48 : vector<1x1024xf32> to vector<640x1024xf32>
    %add3A_50 = arith.addf %dot_general3A_45, %add3A_49 : vector<640x1024xf32>
    %slice3A = vector.extract_strided_slice %get3A_1 {offsets = [0, 0], sizes = [640, 32], strides = [1, 1]} : vector<640x64xf32> to vector<640x32xf32>
    %dot_general3A_51 = arith.constant dense<0.000000e+00> : vector<640x1024xf32>
    %dot_general3A_52 = tpu.matmul %slice3A, %get3A_7, %dot_general3A_51 {dimension_numbers = #tpu.dot_dimension_numbers<[1], [0], [0], [1], [0, 0, 1, 1], [], []>, precision = #tpu.contract_precision<fp32>, transpose_lhs_hint = false} : vector<640x32xf32>, vector<32x1024xf32>, vector<640x1024xf32> -> vector<640x1024xf32>
    %slice3A_53 = vector.extract_strided_slice %get3A_1 {offsets = [0, 32], sizes = [640, 32], strides = [1, 1]} : vector<640x64xf32> to vector<640x32xf32>
    %dot_general3A_54 = arith.constant dense<0.000000e+00> : vector<640x1024xf32>
    %dot_general3A_55 = tpu.matmul %slice3A_53, %get3A_7, %dot_general3A_54 {dimension_numbers = #tpu.dot_dimension_numbers<[1], [0], [0], [1], [0, 0, 1, 1], [], []>, precision = #tpu.contract_precision<fp32>, transpose_lhs_hint = false} : vector<640x32xf32>, vector<32x1024xf32>, vector<640x1024xf32> -> vector<640x1024xf32>
    %mul3A = arith.mulf %dot_general3A_52, %add3A_27 : vector<640x1024xf32>
    %slice3A_56 = vector.extract_strided_slice %mul3A {offsets = [0, 0], sizes = [640, 512], strides = [1, 1]} : vector<640x1024xf32> to vector<640x512xf32>
    %slice3A_57 = vector.extract_strided_slice %mul3A {offsets = [0, 512], sizes = [640, 512], strides = [1, 1]} : vector<640x1024xf32> to vector<640x512xf32>
    %add3A_58 = arith.addf %slice3A_56, %slice3A_57 : vector<640x512xf32>
    %slice3A_59 = vector.extract_strided_slice %add3A_58 {offsets = [0, 0], sizes = [640, 256], strides = [1, 1]} : vector<640x512xf32> to vector<640x256xf32>
    %slice3A_60 = vector.extract_strided_slice %add3A_58 {offsets = [0, 256], sizes = [640, 256], strides = [1, 1]} : vector<640x512xf32> to vector<640x256xf32>
    %add3A_61 = arith.addf %slice3A_59, %slice3A_60 : vector<640x256xf32>
    %slice3A_62 = vector.extract_strided_slice %add3A_61 {offsets = [0, 0], sizes = [640, 128], strides = [1, 1]} : vector<640x256xf32> to vector<640x128xf32>
    %slice3A_63 = vector.extract_strided_slice %add3A_61 {offsets = [0, 128], sizes = [640, 128], strides = [1, 1]} : vector<640x256xf32> to vector<640x128xf32>
    %add3A_64 = arith.addf %slice3A_62, %slice3A_63 : vector<640x128xf32>
    %slice3A_65 = vector.extract_strided_slice %add3A_64 {offsets = [0, 0], sizes = [640, 64], strides = [1, 1]} : vector<640x128xf32> to vector<640x64xf32>
    %slice3A_66 = vector.extract_strided_slice %add3A_64 {offsets = [0, 64], sizes = [640, 64], strides = [1, 1]} : vector<640x128xf32> to vector<640x64xf32>
    %add3A_67 = arith.addf %slice3A_65, %slice3A_66 : vector<640x64xf32>
    %slice3A_68 = vector.extract_strided_slice %add3A_67 {offsets = [0, 0], sizes = [640, 32], strides = [1, 1]} : vector<640x64xf32> to vector<640x32xf32>
    %slice3A_69 = vector.extract_strided_slice %add3A_67 {offsets = [0, 32], sizes = [640, 32], strides = [1, 1]} : vector<640x64xf32> to vector<640x32xf32>
    %add3A_70 = arith.addf %slice3A_68, %slice3A_69 : vector<640x32xf32>
    %mul3A_71 = arith.mulf %dot_general3A_55, %add3A_50 : vector<640x1024xf32>
    %slice3A_72 = vector.extract_strided_slice %mul3A_71 {offsets = [0, 0], sizes = [640, 512], strides = [1, 1]} : vector<640x1024xf32> to vector<640x512xf32>
    %slice3A_73 = vector.extract_strided_slice %mul3A_71 {offsets = [0, 512], sizes = [640, 512], strides = [1, 1]} : vector<640x1024xf32> to vector<640x512xf32>
    %add3A_74 = arith.addf %slice3A_72, %slice3A_73 : vector<640x512xf32>
    %slice3A_75 = vector.extract_strided_slice %add3A_74 {offsets = [0, 0], sizes = [640, 256], strides = [1, 1]} : vector<640x512xf32> to vector<640x256xf32>
    %slice3A_76 = vector.extract_strided_slice %add3A_74 {offsets = [0, 256], sizes = [640, 256], strides = [1, 1]} : vector<640x512xf32> to vector<640x256xf32>
    %add3A_77 = arith.addf %slice3A_75, %slice3A_76 : vector<640x256xf32>
    %slice3A_78 = vector.extract_strided_slice %add3A_77 {offsets = [0, 0], sizes = [640, 128], strides = [1, 1]} : vector<640x256xf32> to vector<640x128xf32>
    %slice3A_79 = vector.extract_strided_slice %add3A_77 {offsets = [0, 128], sizes = [640, 128], strides = [1, 1]} : vector<640x256xf32> to vector<640x128xf32>
    %add3A_80 = arith.addf %slice3A_78, %slice3A_79 : vector<640x128xf32>
    %slice3A_81 = vector.extract_strided_slice %add3A_80 {offsets = [0, 0], sizes = [640, 64], strides = [1, 1]} : vector<640x128xf32> to vector<640x64xf32>
    %slice3A_82 = vector.extract_strided_slice %add3A_80 {offsets = [0, 64], sizes = [640, 64], strides = [1, 1]} : vector<640x128xf32> to vector<640x64xf32>
    %add3A_83 = arith.addf %slice3A_81, %slice3A_82 : vector<640x64xf32>
    %slice3A_84 = vector.extract_strided_slice %add3A_83 {offsets = [0, 0], sizes = [640, 32], strides = [1, 1]} : vector<640x64xf32> to vector<640x32xf32>
    %slice3A_85 = vector.extract_strided_slice %add3A_83 {offsets = [0, 32], sizes = [640, 32], strides = [1, 1]} : vector<640x64xf32> to vector<640x32xf32>
    %add3A_86 = arith.addf %slice3A_84, %slice3A_85 : vector<640x32xf32>
    %concatenate3A = tpu.concatenate %add3A_70, %add3A_86 in 1 : vector<640x32xf32>, vector<640x32xf32> -> vector<640x64xf32>
    %swap3A = arith.constant 0 : index
    %swap3A_87 = arith.constant 0 : index
    %swap3A_88 = vector.load %arg12[%swap3A, %swap3A_87] : memref<640x64xf32, #tpu.memory_space<vmem>>, vector<640x64xf32>
    tpu.vector_store %arg12[%swap3A, %swap3A_87], %concatenate3A {strides = array<i32>} : memref<640x64xf32, #tpu.memory_space<vmem>>, vector<640x64xf32>,
    return
  }
  func.func @transform_0(%arg0: i32) -> (i32, i32) {
    %c0_i32 = arith.constant 0 : i32
    %c0_i32_0 = arith.constant 0 : i32
    return %arg0, %c0_i32 : i32, i32
  }
  func.func @transform_1(%arg0: i32) -> (i32, i32) {
    %c0_i32 = arith.constant 0 : i32
    %c0_i32_0 = arith.constant 0 : i32
    return %arg0, %c0_i32 : i32, i32
  }
  func.func @transform_2(%arg0: i32) -> (i32, i32) {
    %c0_i32 = arith.constant 0 : i32
    %c0_i32_0 = arith.constant 0 : i32
    %c0_i32_1 = arith.constant 0 : i32
    return %c0_i32, %c0_i32_0 : i32, i32
  }
  func.func @transform_3(%arg0: i32) -> (i32, i32) {
    %c0_i32 = arith.constant 0 : i32
    %c0_i32_0 = arith.constant 0 : i32
    %c0_i32_1 = arith.constant 0 : i32
    return %c0_i32, %c0_i32_0 : i32, i32
  }
  func.func @transform_4(%arg0: i32) -> (i32, i32) {
    %c0_i32 = arith.constant 0 : i32
    %c0_i32_0 = arith.constant 0 : i32
    %c0_i32_1 = arith.constant 0 : i32
    return %c0_i32, %c0_i32_0 : i32, i32
  }
  func.func @transform_5(%arg0: i32) -> (i32, i32) {
    %c0_i32 = arith.constant 0 : i32
    %c0_i32_0 = arith.constant 0 : i32
    %c0_i32_1 = arith.constant 0 : i32
    return %c0_i32, %c0_i32_0 : i32, i32
  }
  func.func @transform_6(%arg0: i32) -> (i32, i32) {
    %c0_i32 = arith.constant 0 : i32
    %c0_i32_0 = arith.constant 0 : i32
    %c0_i32_1 = arith.constant 0 : i32
    return %c0_i32, %c0_i32_0 : i32, i32
  }
  func.func @transform_7(%arg0: i32) -> (i32, i32) {
    %c0_i32 = arith.constant 0 : i32
    %c0_i32_0 = arith.constant 0 : i32
    %c0_i32_1 = arith.constant 0 : i32
    return %c0_i32, %c0_i32_0 : i32, i32
  }
  func.func @transform_8(%arg0: i32) -> (i32, i32) {
    %c0_i32 = arith.constant 0 : i32
    %c0_i32_0 = arith.constant 0 : i32
    %c0_i32_1 = arith.constant 0 : i32
    return %c0_i32, %c0_i32_0 : i32, i32
  }
  func.func @transform_9(%arg0: i32) -> (i32, i32) {
    %c0_i32 = arith.constant 0 : i32
    %c0_i32_0 = arith.constant 0 : i32
    %c0_i32_1 = arith.constant 0 : i32
    return %c0_i32, %c0_i32_0 : i32, i32
  }
  func.func @transform_10(%arg0: i32) -> (i32, i32) {
    %c0_i32 = arith.constant 0 : i32
    %c0_i32_0 = arith.constant 0 : i32
    %c0_i32_1 = arith.constant 0 : i32
    return %c0_i32, %c0_i32_0 : i32, i32
  }
  func.func @transform_11(%arg0: i32) -> (i32, i32) {
    %c0_i32 = arith.constant 0 : i32
    %c0_i32_0 = arith.constant 0 : i32
    return %arg0, %c0_i32 : i32, i32
  }
}

module attributes {stable_mosaic.version = 14 : i64} {
  func.func @_gru_body(%arg0: i32, %arg1: memref<2x1000x64xf32, #tpu.memory_space<vmem>>, %arg2: memref<2x1000x16xf32, #tpu.memory_space<vmem>>, %arg3: memref<1000x64xf32, #tpu.memory_space<vmem>>, %arg4: memref<1x32xf32, #tpu.memory_space<vmem>>, %arg5: memref<1x32xf32, #tpu.memory_space<vmem>>, %arg6: memref<32x96xf32, #tpu.memory_space<vmem>>, %arg7: memref<1x96xf32, #tpu.memory_space<vmem>>, %arg8: memref<32x96xf32, #tpu.memory_space<vmem>>, %arg9: memref<1x96xf32, #tpu.memory_space<vmem>>, %arg10: memref<32x96xf32, #tpu.memory_space<vmem>>, %arg11: memref<1x96xf32, #tpu.memory_space<vmem>>, %arg12: memref<32x96xf32, #tpu.memory_space<vmem>>, %arg13: memref<1x96xf32, #tpu.memory_space<vmem>>, %arg14: memref<1000x64xf32, #tpu.memory_space<vmem>>) attributes {dimension_semantics = [#tpu.dimension_semantics<arbitrary>], iteration_bounds = array<i64: 10>, scalar_prefetch = 0 : i64, scratch_operands = 0 : i64, tpu.core_type = #tpu.core_type<tc>, window_params = [{transform_indices = @transform_0, window_bounds = array<i64: 2, 1000, 64>}, {transform_indices = @transform_1, window_bounds = array<i64: 2, 1000, 16>}, {transform_indices = @transform_2, window_bounds = array<i64: 1000, 64>}, {pipeline_mode = #tpu.pipeline_mode<synchronous>, transform_indices = @transform_3, window_bounds = array<i64: 1, 32>}, {pipeline_mode = #tpu.pipeline_mode<synchronous>, transform_indices = @transform_4, window_bounds = array<i64: 1, 32>}, {pipeline_mode = #tpu.pipeline_mode<synchronous>, transform_indices = @transform_5, window_bounds = array<i64: 32, 96>}, {pipeline_mode = #tpu.pipeline_mode<synchronous>, transform_indices = @transform_6, window_bounds = array<i64: 1, 96>}, {pipeline_mode = #tpu.pipeline_mode<synchronous>, transform_indices = @transform_7, window_bounds = array<i64: 32, 96>}, {pipeline_mode = #tpu.pipeline_mode<synchronous>, transform_indices = @transform_8, window_bounds = array<i64: 1, 96>}, {pipeline_mode = #tpu.pipeline_mode<synchronous>, transform_indices = @transform_9, window_bounds = array<i64: 32, 96>}, {pipeline_mode = #tpu.pipeline_mode<synchronous>, transform_indices = @transform_10, window_bounds = array<i64: 1, 96>}, {pipeline_mode = #tpu.pipeline_mode<synchronous>, transform_indices = @transform_11, window_bounds = array<i64: 32, 96>}, {pipeline_mode = #tpu.pipeline_mode<synchronous>, transform_indices = @transform_12, window_bounds = array<i64: 1, 96>}, {transform_indices = @transform_13, window_bounds = array<i64: 1000, 64>}]} {
    %get3A = arith.constant 0 : index
    %get3A_0 = arith.constant 0 : index
    %get3A_1 = arith.constant 0 : index
    %get3A_2 = vector.load %arg2[%get3A, %get3A_0, %get3A_1] : memref<2x1000x16xf32, #tpu.memory_space<vmem>>, vector<1x1000x16xf32>
    %get3A_3 = vector.shape_cast %get3A_2 : vector<1x1000x16xf32> to vector<1000x16xf32>
    %slice3A = vector.extract_strided_slice %get3A_3 {offsets = [0, 0], sizes = [1000, 1], strides = [1, 1]} : vector<1000x16xf32> to vector<1000x1xf32>
    %get3A_4 = arith.constant 1 : index
    %get3A_5 = arith.constant 0 : index
    %get3A_6 = arith.constant 0 : index
    %get3A_7 = vector.load %arg2[%get3A_4, %get3A_5, %get3A_6] : memref<2x1000x16xf32, #tpu.memory_space<vmem>>, vector<1x1000x16xf32>
    %get3A_8 = vector.shape_cast %get3A_7 : vector<1x1000x16xf32> to vector<1000x16xf32>
    %slice3A_9 = vector.extract_strided_slice %get3A_8 {offsets = [0, 0], sizes = [1000, 1], strides = [1, 1]} : vector<1000x16xf32> to vector<1000x1xf32>
    %add3A = arith.addf %slice3A, %slice3A_9 : vector<1000x1xf32>
    %max3A = arith.constant 1.000000e+00 : f32
    %max3A_10 = vector.broadcast %max3A : f32 to vector<1000x1xf32>
    %max3A_11 = arith.maximumf %add3A, %max3A_10 : vector<1000x1xf32>
    %div3A = arith.constant 1.000000e+00 : f32
    %div3A_12 = vector.broadcast %div3A : f32 to vector<1000x1xf32>
    %div3A_13 = arith.divf %div3A_12, %max3A_11 : vector<1000x1xf32>
    %get3A_14 = arith.constant 0 : index
    %get3A_15 = arith.constant 0 : index
    %get3A_16 = arith.constant 0 : index
    %get3A_17 = vector.load %arg1[%get3A_14, %get3A_15, %get3A_16] : memref<2x1000x64xf32, #tpu.memory_space<vmem>>, vector<1x1000x64xf32>
    %get3A_18 = vector.shape_cast %get3A_17 : vector<1x1000x64xf32> to vector<1000x64xf32>
    %get3A_19 = arith.constant 1 : index
    %get3A_20 = arith.constant 0 : index
    %get3A_21 = arith.constant 0 : index
    %get3A_22 = vector.load %arg1[%get3A_19, %get3A_20, %get3A_21] : memref<2x1000x64xf32, #tpu.memory_space<vmem>>, vector<1x1000x64xf32>
    %get3A_23 = vector.shape_cast %get3A_22 : vector<1x1000x64xf32> to vector<1000x64xf32>
    %add3A_24 = arith.addf %get3A_18, %get3A_23 : vector<1000x64xf32>
    %mul3A = vector.broadcast %div3A_13 : vector<1000x1xf32> to vector<1000x64xf32>
    %mul3A_25 = arith.mulf %add3A_24, %mul3A : vector<1000x64xf32>
    %slice3A_26 = vector.extract_strided_slice %mul3A_25 {offsets = [0, 0], sizes = [1000, 32], strides = [1, 1]} : vector<1000x64xf32> to vector<1000x32xf32>
    %get3A_27 = arith.constant 0 : index
    %get3A_28 = arith.constant 0 : index
    %get3A_29 = vector.load %arg4[%get3A_27, %get3A_28] : memref<1x32xf32, #tpu.memory_space<vmem>>, vector<1x32xf32>
    %add3A_30 = vector.broadcast %get3A_29 : vector<1x32xf32> to vector<1000x32xf32>
    %add3A_31 = arith.addf %slice3A_26, %add3A_30 : vector<1000x32xf32>
    %max3A_32 = arith.constant 0.000000e+00 : f32
    %max3A_33 = vector.broadcast %max3A_32 : f32 to vector<1000x32xf32>
    %max3A_34 = arith.maximumf %add3A_31, %max3A_33 : vector<1000x32xf32>
    %slice3A_35 = vector.extract_strided_slice %mul3A_25 {offsets = [0, 32], sizes = [1000, 32], strides = [1, 1]} : vector<1000x64xf32> to vector<1000x32xf32>
    %get3A_36 = arith.constant 0 : index
    %get3A_37 = arith.constant 0 : index
    %get3A_38 = vector.load %arg5[%get3A_36, %get3A_37] : memref<1x32xf32, #tpu.memory_space<vmem>>, vector<1x32xf32>
    %add3A_39 = vector.broadcast %get3A_38 : vector<1x32xf32> to vector<1000x32xf32>
    %add3A_40 = arith.addf %slice3A_35, %add3A_39 : vector<1000x32xf32>
    %max3A_41 = arith.constant 0.000000e+00 : f32
    %max3A_42 = vector.broadcast %max3A_41 : f32 to vector<1000x32xf32>
    %max3A_43 = arith.maximumf %add3A_40, %max3A_42 : vector<1000x32xf32>
    %get3A_44 = arith.constant 0 : index
    %get3A_45 = arith.constant 0 : index
    %get3A_46 = vector.load %arg3[%get3A_44, %get3A_45] : memref<1000x64xf32, #tpu.memory_space<vmem>>, vector<1000x64xf32>
    %slice3A_47 = vector.extract_strided_slice %get3A_46 {offsets = [0, 0], sizes = [1000, 32], strides = [1, 1]} : vector<1000x64xf32> to vector<1000x32xf32>
    %get3A_48 = arith.constant 0 : index
    %get3A_49 = arith.constant 0 : index
    %get3A_50 = vector.load %arg3[%get3A_48, %get3A_49] : memref<1000x64xf32, #tpu.memory_space<vmem>>, vector<1000x64xf32>
    %slice3A_51 = vector.extract_strided_slice %get3A_50 {offsets = [0, 32], sizes = [1000, 32], strides = [1, 1]} : vector<1000x64xf32> to vector<1000x32xf32>
    %get3A_52 = arith.constant 0 : index
    %get3A_53 = arith.constant 0 : index
    %get3A_54 = vector.load %arg6[%get3A_52, %get3A_53] : memref<32x96xf32, #tpu.memory_space<vmem>>, vector<32x96xf32>
    %get3A_55 = arith.constant 0 : index
    %get3A_56 = arith.constant 0 : index
    %get3A_57 = vector.load %arg7[%get3A_55, %get3A_56] : memref<1x96xf32, #tpu.memory_space<vmem>>, vector<1x96xf32>
    %get3A_58 = arith.constant 0 : index
    %get3A_59 = arith.constant 0 : index
    %get3A_60 = vector.load %arg8[%get3A_58, %get3A_59] : memref<32x96xf32, #tpu.memory_space<vmem>>, vector<32x96xf32>
    %get3A_61 = arith.constant 0 : index
    %get3A_62 = arith.constant 0 : index
    %get3A_63 = vector.load %arg9[%get3A_61, %get3A_62] : memref<1x96xf32, #tpu.memory_space<vmem>>, vector<1x96xf32>
    %dot_general3A = arith.constant dense<0.000000e+00> : vector<1000x96xf32>
    %dot_general3A_64 = tpu.matmul %max3A_34, %get3A_54, %dot_general3A {dimension_numbers = #tpu.dot_dimension_numbers<[1], [0], [0], [1], [0, 0, 1, 1], [], []>, transpose_lhs_hint = false} : vector<1000x32xf32>, vector<32x96xf32>, vector<1000x96xf32> -> vector<1000x96xf32>
    %add3A_65 = vector.broadcast %get3A_57 : vector<1x96xf32> to vector<1000x96xf32>
    %add3A_66 = arith.addf %dot_general3A_64, %add3A_65 : vector<1000x96xf32>
    %dot_general3A_67 = arith.constant dense<0.000000e+00> : vector<1000x96xf32>
    %dot_general3A_68 = tpu.matmul %slice3A_47, %get3A_60, %dot_general3A_67 {dimension_numbers = #tpu.dot_dimension_numbers<[1], [0], [0], [1], [0, 0, 1, 1], [], []>, transpose_lhs_hint = false} : vector<1000x32xf32>, vector<32x96xf32>, vector<1000x96xf32> -> vector<1000x96xf32>
    %add3A_69 = vector.broadcast %get3A_63 : vector<1x96xf32> to vector<1000x96xf32>
    %add3A_70 = arith.addf %dot_general3A_68, %add3A_69 : vector<1000x96xf32>
    %slice3A_71 = vector.extract_strided_slice %add3A_66 {offsets = [0, 0], sizes = [1000, 32], strides = [1, 1]} : vector<1000x96xf32> to vector<1000x32xf32>
    %slice3A_72 = vector.extract_strided_slice %add3A_70 {offsets = [0, 0], sizes = [1000, 32], strides = [1, 1]} : vector<1000x96xf32> to vector<1000x32xf32>
    %add3A_73 = arith.addf %slice3A_71, %slice3A_72 : vector<1000x32xf32>
    %logistic3A = arith.negf %add3A_73 : vector<1000x32xf32>
    %logistic3A_74 = math.exp %logistic3A : vector<1000x32xf32>
    %logistic3A_75 = arith.constant 1.000000e+00 : f32
    %logistic3A_76 = vector.broadcast %logistic3A_75 : f32 to vector<1000x32xf32>
    %logistic3A_77 = arith.addf %logistic3A_76, %logistic3A_74 : vector<1000x32xf32>
    %logistic3A_78 = arith.divf %logistic3A_76, %logistic3A_77 : vector<1000x32xf32>
    %slice3A_79 = vector.extract_strided_slice %add3A_66 {offsets = [0, 32], sizes = [1000, 32], strides = [1, 1]} : vector<1000x96xf32> to vector<1000x32xf32>
    %slice3A_80 = vector.extract_strided_slice %add3A_70 {offsets = [0, 32], sizes = [1000, 32], strides = [1, 1]} : vector<1000x96xf32> to vector<1000x32xf32>
    %add3A_81 = arith.addf %slice3A_79, %slice3A_80 : vector<1000x32xf32>
    %logistic3A_82 = arith.negf %add3A_81 : vector<1000x32xf32>
    %logistic3A_83 = math.exp %logistic3A_82 : vector<1000x32xf32>
    %logistic3A_84 = arith.constant 1.000000e+00 : f32
    %logistic3A_85 = vector.broadcast %logistic3A_84 : f32 to vector<1000x32xf32>
    %logistic3A_86 = arith.addf %logistic3A_85, %logistic3A_83 : vector<1000x32xf32>
    %logistic3A_87 = arith.divf %logistic3A_85, %logistic3A_86 : vector<1000x32xf32>
    %slice3A_88 = vector.extract_strided_slice %add3A_66 {offsets = [0, 64], sizes = [1000, 32], strides = [1, 1]} : vector<1000x96xf32> to vector<1000x32xf32>
    %slice3A_89 = vector.extract_strided_slice %add3A_70 {offsets = [0, 64], sizes = [1000, 32], strides = [1, 1]} : vector<1000x96xf32> to vector<1000x32xf32>
    %mul3A_90 = arith.mulf %logistic3A_78, %slice3A_89 : vector<1000x32xf32>
    %add3A_91 = arith.addf %slice3A_88, %mul3A_90 : vector<1000x32xf32>
    %tanh3A = math.tanh %add3A_91 : vector<1000x32xf32>
    %sub3A = arith.constant 1.000000e+00 : f32
    %sub3A_92 = vector.broadcast %sub3A : f32 to vector<1000x32xf32>
    %sub3A_93 = arith.subf %sub3A_92, %logistic3A_87 : vector<1000x32xf32>
    %mul3A_94 = arith.mulf %sub3A_93, %tanh3A : vector<1000x32xf32>
    %mul3A_95 = arith.mulf %logistic3A_87, %slice3A_47 : vector<1000x32xf32>
    %add3A_96 = arith.addf %mul3A_94, %mul3A_95 : vector<1000x32xf32>
    %get3A_97 = arith.constant 0 : index
    %get3A_98 = arith.constant 0 : index
    %get3A_99 = vector.load %arg10[%get3A_97, %get3A_98] : memref<32x96xf32, #tpu.memory_space<vmem>>, vector<32x96xf32>
    %get3A_100 = arith.constant 0 : index
    %get3A_101 = arith.constant 0 : index
    %get3A_102 = vector.load %arg11[%get3A_100, %get3A_101] : memref<1x96xf32, #tpu.memory_space<vmem>>, vector<1x96xf32>
    %get3A_103 = arith.constant 0 : index
    %get3A_104 = arith.constant 0 : index
    %get3A_105 = vector.load %arg12[%get3A_103, %get3A_104] : memref<32x96xf32, #tpu.memory_space<vmem>>, vector<32x96xf32>
    %get3A_106 = arith.constant 0 : index
    %get3A_107 = arith.constant 0 : index
    %get3A_108 = vector.load %arg13[%get3A_106, %get3A_107] : memref<1x96xf32, #tpu.memory_space<vmem>>, vector<1x96xf32>
    %dot_general3A_109 = arith.constant dense<0.000000e+00> : vector<1000x96xf32>
    %dot_general3A_110 = tpu.matmul %max3A_43, %get3A_99, %dot_general3A_109 {dimension_numbers = #tpu.dot_dimension_numbers<[1], [0], [0], [1], [0, 0, 1, 1], [], []>, transpose_lhs_hint = false} : vector<1000x32xf32>, vector<32x96xf32>, vector<1000x96xf32> -> vector<1000x96xf32>
    %add3A_111 = vector.broadcast %get3A_102 : vector<1x96xf32> to vector<1000x96xf32>
    %add3A_112 = arith.addf %dot_general3A_110, %add3A_111 : vector<1000x96xf32>
    %dot_general3A_113 = arith.constant dense<0.000000e+00> : vector<1000x96xf32>
    %dot_general3A_114 = tpu.matmul %slice3A_51, %get3A_105, %dot_general3A_113 {dimension_numbers = #tpu.dot_dimension_numbers<[1], [0], [0], [1], [0, 0, 1, 1], [], []>, transpose_lhs_hint = false} : vector<1000x32xf32>, vector<32x96xf32>, vector<1000x96xf32> -> vector<1000x96xf32>
    %add3A_115 = vector.broadcast %get3A_108 : vector<1x96xf32> to vector<1000x96xf32>
    %add3A_116 = arith.addf %dot_general3A_114, %add3A_115 : vector<1000x96xf32>
    %slice3A_117 = vector.extract_strided_slice %add3A_112 {offsets = [0, 0], sizes = [1000, 32], strides = [1, 1]} : vector<1000x96xf32> to vector<1000x32xf32>
    %slice3A_118 = vector.extract_strided_slice %add3A_116 {offsets = [0, 0], sizes = [1000, 32], strides = [1, 1]} : vector<1000x96xf32> to vector<1000x32xf32>
    %add3A_119 = arith.addf %slice3A_117, %slice3A_118 : vector<1000x32xf32>
    %logistic3A_120 = arith.negf %add3A_119 : vector<1000x32xf32>
    %logistic3A_121 = math.exp %logistic3A_120 : vector<1000x32xf32>
    %logistic3A_122 = arith.constant 1.000000e+00 : f32
    %logistic3A_123 = vector.broadcast %logistic3A_122 : f32 to vector<1000x32xf32>
    %logistic3A_124 = arith.addf %logistic3A_123, %logistic3A_121 : vector<1000x32xf32>
    %logistic3A_125 = arith.divf %logistic3A_123, %logistic3A_124 : vector<1000x32xf32>
    %slice3A_126 = vector.extract_strided_slice %add3A_112 {offsets = [0, 32], sizes = [1000, 32], strides = [1, 1]} : vector<1000x96xf32> to vector<1000x32xf32>
    %slice3A_127 = vector.extract_strided_slice %add3A_116 {offsets = [0, 32], sizes = [1000, 32], strides = [1, 1]} : vector<1000x96xf32> to vector<1000x32xf32>
    %add3A_128 = arith.addf %slice3A_126, %slice3A_127 : vector<1000x32xf32>
    %logistic3A_129 = arith.negf %add3A_128 : vector<1000x32xf32>
    %logistic3A_130 = math.exp %logistic3A_129 : vector<1000x32xf32>
    %logistic3A_131 = arith.constant 1.000000e+00 : f32
    %logistic3A_132 = vector.broadcast %logistic3A_131 : f32 to vector<1000x32xf32>
    %logistic3A_133 = arith.addf %logistic3A_132, %logistic3A_130 : vector<1000x32xf32>
    %logistic3A_134 = arith.divf %logistic3A_132, %logistic3A_133 : vector<1000x32xf32>
    %slice3A_135 = vector.extract_strided_slice %add3A_112 {offsets = [0, 64], sizes = [1000, 32], strides = [1, 1]} : vector<1000x96xf32> to vector<1000x32xf32>
    %slice3A_136 = vector.extract_strided_slice %add3A_116 {offsets = [0, 64], sizes = [1000, 32], strides = [1, 1]} : vector<1000x96xf32> to vector<1000x32xf32>
    %mul3A_137 = arith.mulf %logistic3A_125, %slice3A_136 : vector<1000x32xf32>
    %add3A_138 = arith.addf %slice3A_135, %mul3A_137 : vector<1000x32xf32>
    %tanh3A_139 = math.tanh %add3A_138 : vector<1000x32xf32>
    %sub3A_140 = arith.constant 1.000000e+00 : f32
    %sub3A_141 = vector.broadcast %sub3A_140 : f32 to vector<1000x32xf32>
    %sub3A_142 = arith.subf %sub3A_141, %logistic3A_134 : vector<1000x32xf32>
    %mul3A_143 = arith.mulf %sub3A_142, %tanh3A_139 : vector<1000x32xf32>
    %mul3A_144 = arith.mulf %logistic3A_134, %slice3A_51 : vector<1000x32xf32>
    %add3A_145 = arith.addf %mul3A_143, %mul3A_144 : vector<1000x32xf32>
    %concatenate3A = tpu.concatenate %add3A_96, %add3A_145 in 1 : vector<1000x32xf32>, vector<1000x32xf32> -> vector<1000x64xf32>
    %swap3A = arith.constant 0 : index
    %swap3A_146 = arith.constant 0 : index
    %swap3A_147 = vector.load %arg14[%swap3A, %swap3A_146] : memref<1000x64xf32, #tpu.memory_space<vmem>>, vector<1000x64xf32>
    tpu.vector_store %arg14[%swap3A, %swap3A_146], %concatenate3A {strides = array<i32>} : memref<1000x64xf32, #tpu.memory_space<vmem>>, vector<1000x64xf32>,
    return
  }
  func.func @transform_0(%arg0: i32) -> (i32, i32, i32) {
    %c0_i32 = arith.constant 0 : i32
    %c0_i32_0 = arith.constant 0 : i32
    %c0_i32_1 = arith.constant 0 : i32
    return %c0_i32, %arg0, %c0_i32_0 : i32, i32, i32
  }
  func.func @transform_1(%arg0: i32) -> (i32, i32, i32) {
    %c0_i32 = arith.constant 0 : i32
    %c0_i32_0 = arith.constant 0 : i32
    %c0_i32_1 = arith.constant 0 : i32
    return %c0_i32, %arg0, %c0_i32_0 : i32, i32, i32
  }
  func.func @transform_2(%arg0: i32) -> (i32, i32) {
    %c0_i32 = arith.constant 0 : i32
    %c0_i32_0 = arith.constant 0 : i32
    return %arg0, %c0_i32 : i32, i32
  }
  func.func @transform_3(%arg0: i32) -> (i32, i32) {
    %c0_i32 = arith.constant 0 : i32
    %c0_i32_0 = arith.constant 0 : i32
    %c0_i32_1 = arith.constant 0 : i32
    return %c0_i32, %c0_i32_0 : i32, i32
  }
  func.func @transform_4(%arg0: i32) -> (i32, i32) {
    %c0_i32 = arith.constant 0 : i32
    %c0_i32_0 = arith.constant 0 : i32
    %c0_i32_1 = arith.constant 0 : i32
    return %c0_i32, %c0_i32_0 : i32, i32
  }
  func.func @transform_5(%arg0: i32) -> (i32, i32) {
    %c0_i32 = arith.constant 0 : i32
    %c0_i32_0 = arith.constant 0 : i32
    %c0_i32_1 = arith.constant 0 : i32
    return %c0_i32, %c0_i32_0 : i32, i32
  }
  func.func @transform_6(%arg0: i32) -> (i32, i32) {
    %c0_i32 = arith.constant 0 : i32
    %c0_i32_0 = arith.constant 0 : i32
    %c0_i32_1 = arith.constant 0 : i32
    return %c0_i32, %c0_i32_0 : i32, i32
  }
  func.func @transform_7(%arg0: i32) -> (i32, i32) {
    %c0_i32 = arith.constant 0 : i32
    %c0_i32_0 = arith.constant 0 : i32
    %c0_i32_1 = arith.constant 0 : i32
    return %c0_i32, %c0_i32_0 : i32, i32
  }
  func.func @transform_8(%arg0: i32) -> (i32, i32) {
    %c0_i32 = arith.constant 0 : i32
    %c0_i32_0 = arith.constant 0 : i32
    %c0_i32_1 = arith.constant 0 : i32
    return %c0_i32, %c0_i32_0 : i32, i32
  }
  func.func @transform_9(%arg0: i32) -> (i32, i32) {
    %c0_i32 = arith.constant 0 : i32
    %c0_i32_0 = arith.constant 0 : i32
    %c0_i32_1 = arith.constant 0 : i32
    return %c0_i32, %c0_i32_0 : i32, i32
  }
  func.func @transform_10(%arg0: i32) -> (i32, i32) {
    %c0_i32 = arith.constant 0 : i32
    %c0_i32_0 = arith.constant 0 : i32
    %c0_i32_1 = arith.constant 0 : i32
    return %c0_i32, %c0_i32_0 : i32, i32
  }
  func.func @transform_11(%arg0: i32) -> (i32, i32) {
    %c0_i32 = arith.constant 0 : i32
    %c0_i32_0 = arith.constant 0 : i32
    %c0_i32_1 = arith.constant 0 : i32
    return %c0_i32, %c0_i32_0 : i32, i32
  }
  func.func @transform_12(%arg0: i32) -> (i32, i32) {
    %c0_i32 = arith.constant 0 : i32
    %c0_i32_0 = arith.constant 0 : i32
    %c0_i32_1 = arith.constant 0 : i32
    return %c0_i32, %c0_i32_0 : i32, i32
  }
  func.func @transform_13(%arg0: i32) -> (i32, i32) {
    %c0_i32 = arith.constant 0 : i32
    %c0_i32_0 = arith.constant 0 : i32
    return %arg0, %c0_i32 : i32, i32
  }
}

module attributes {stable_mosaic.version = 14 : i64} {
  func.func @body(%arg0: memref<10000x64xf32, #tpu.memory_space<vmem>>, %arg1: memref<10000x1xi32, #tpu.memory_space<vmem>>, %arg2: memref<64x128xf32, #tpu.memory_space<vmem>>, %arg3: memref<1x128xf32, #tpu.memory_space<vmem>>, %arg4: memref<32x128xf32, #tpu.memory_space<vmem>>, %arg5: memref<1x128xf32, #tpu.memory_space<vmem>>, %arg6: memref<64x128xf32, #tpu.memory_space<vmem>>, %arg7: memref<1x128xf32, #tpu.memory_space<vmem>>, %arg8: memref<32x128xf32, #tpu.memory_space<vmem>>, %arg9: memref<1x128xf32, #tpu.memory_space<vmem>>, %arg10: memref<64x32xf32, #tpu.memory_space<vmem>>, %arg11: memref<1x32xf32, #tpu.memory_space<vmem>>, %arg12: memref<32x1xf32, #tpu.memory_space<vmem>>, %arg13: memref<1x1xf32, #tpu.memory_space<vmem>>, %arg14: memref<64x32xf32, #tpu.memory_space<vmem>>, %arg15: memref<1x32xf32, #tpu.memory_space<vmem>>, %arg16: memref<32x32xf32, #tpu.memory_space<vmem>>, %arg17: memref<1x32xf32, #tpu.memory_space<vmem>>, %arg18: memref<32x32xf32, #tpu.memory_space<vmem>>, %arg19: memref<1x32xf32, #tpu.memory_space<vmem>>, %arg20: memref<64x32xf32, #tpu.memory_space<vmem>>, %arg21: memref<1x32xf32, #tpu.memory_space<vmem>>, %arg22: memref<32x32xf32, #tpu.memory_space<vmem>>, %arg23: memref<1x32xf32, #tpu.memory_space<vmem>>, %arg24: memref<32x32xf32, #tpu.memory_space<vmem>>, %arg25: memref<1x32xf32, #tpu.memory_space<vmem>>, %arg26: memref<32x32xf32, #tpu.memory_space<vmem>>, %arg27: memref<1x32xf32, #tpu.memory_space<vmem>>, %arg28: memref<32x32xf32, #tpu.memory_space<vmem>>, %arg29: memref<1x32xf32, #tpu.memory_space<vmem>>, %arg30: memref<64x32xf32, #tpu.memory_space<vmem>>, %arg31: memref<1x32xf32, #tpu.memory_space<vmem>>, %arg32: memref<32x32xf32, #tpu.memory_space<vmem>>, %arg33: memref<1x32xf32, #tpu.memory_space<vmem>>, %arg34: memref<32x32xf32, #tpu.memory_space<vmem>>, %arg35: memref<1x32xf32, #tpu.memory_space<vmem>>, %arg36: memref<64x32xf32, #tpu.memory_space<vmem>>, %arg37: memref<1x32xf32, #tpu.memory_space<vmem>>, %arg38: memref<64x32xf32, #tpu.memory_space<vmem>>, %arg39: memref<1x32xf32, #tpu.memory_space<vmem>>, %arg40: memref<32x32xf32, #tpu.memory_space<vmem>>, %arg41: memref<1x32xf32, #tpu.memory_space<vmem>>, %arg42: memref<32x32xf32, #tpu.memory_space<vmem>>, %arg43: memref<1x32xf32, #tpu.memory_space<vmem>>, %arg44: memref<64x32xf32, #tpu.memory_space<vmem>>, %arg45: memref<1x32xf32, #tpu.memory_space<vmem>>, %arg46: memref<64x1xf32, #tpu.memory_space<vmem>>, %arg47: memref<1x1xf32, #tpu.memory_space<vmem>>, %arg48: memref<1x1xf32, #tpu.memory_space<vmem>>) attributes {dimension_semantics = [], scalar_prefetch = 0 : i64, scratch_operands = 0 : i64, tpu.core_type = #tpu.core_type<tc>} {
    %get3A = arith.constant 0 : index
    %get3A_0 = arith.constant 0 : index
    %get3A_1 = vector.load %arg0[%get3A, %get3A_0] : memref<10000x64xf32, #tpu.memory_space<vmem>>, vector<10000x64xf32>
    %slice3A = vector.extract_strided_slice %get3A_1 {offsets = [0, 0], sizes = [10000, 32], strides = [1, 1]} : vector<10000x64xf32> to vector<10000x32xf32>
    %get3A_2 = arith.constant 0 : index
    %get3A_3 = arith.constant 0 : index
    %get3A_4 = vector.load %arg0[%get3A_2, %get3A_3] : memref<10000x64xf32, #tpu.memory_space<vmem>>, vector<10000x64xf32>
    %slice3A_5 = vector.extract_strided_slice %get3A_4 {offsets = [0, 32], sizes = [10000, 32], strides = [1, 1]} : vector<10000x64xf32> to vector<10000x32xf32>
    %get3A_6 = arith.constant 0 : index
    %get3A_7 = arith.constant 0 : index
    %get3A_8 = vector.load %arg1[%get3A_6, %get3A_7] : memref<10000x1xi32, #tpu.memory_space<vmem>>, vector<10000x1xi32>
    %iota3A = tpu.iota {dimensions = array<i32: 1>} : vector<10000x64xi32>
    %eq3A = vector.broadcast %get3A_8 : vector<10000x1xi32> to vector<10000x64xi32>
    %eq3A_9 = arith.cmpi eq, %iota3A, %eq3A : vector<10000x64xi32>
    %convert_element_type3A = arith.extui %eq3A_9 : vector<10000x64xi1> to vector<10000x64xi32>
    %convert_element_type3A_10 = arith.sitofp %convert_element_type3A : vector<10000x64xi32> to vector<10000x64xf32>
    %get3A_11 = arith.constant 0 : index
    %get3A_12 = arith.constant 0 : index
    %get3A_13 = vector.load %arg2[%get3A_11, %get3A_12] : memref<64x128xf32, #tpu.memory_space<vmem>>, vector<64x128xf32>
    %get3A_14 = arith.constant 0 : index
    %get3A_15 = arith.constant 0 : index
    %get3A_16 = vector.load %arg3[%get3A_14, %get3A_15] : memref<1x128xf32, #tpu.memory_space<vmem>>, vector<1x128xf32>
    %get3A_17 = arith.constant 0 : index
    %get3A_18 = arith.constant 0 : index
    %get3A_19 = vector.load %arg4[%get3A_17, %get3A_18] : memref<32x128xf32, #tpu.memory_space<vmem>>, vector<32x128xf32>
    %get3A_20 = arith.constant 0 : index
    %get3A_21 = arith.constant 0 : index
    %get3A_22 = vector.load %arg5[%get3A_20, %get3A_21] : memref<1x128xf32, #tpu.memory_space<vmem>>, vector<1x128xf32>
    %broadcast_in_dim3A = arith.constant 0.000000e+00 : f32
    %broadcast_in_dim3A_23 = vector.broadcast %broadcast_in_dim3A : f32 to vector<64x64xf32>
    %broadcast_in_dim3A_24 = arith.constant 0.000000e+00 : f32
    %broadcast_in_dim3A_25 = vector.broadcast %broadcast_in_dim3A_24 : f32 to vector<64x32xf32>
    %broadcast_in_dim3A_26 = arith.constant 0.000000e+00 : f32
    %broadcast_in_dim3A_27 = vector.broadcast %broadcast_in_dim3A_26 : f32 to vector<64x32xf32>
    %dot_general3A = arith.constant dense<0.000000e+00> : vector<64x128xf32>
    %dot_general3A_28 = tpu.matmul %broadcast_in_dim3A_23, %get3A_13, %dot_general3A {dimension_numbers = #tpu.dot_dimension_numbers<[1], [0], [0], [1], [0, 0, 1, 1], [], []>, transpose_lhs_hint = false} : vector<64x64xf32>, vector<64x128xf32>, vector<64x128xf32> -> vector<64x128xf32>
    %add3A = vector.broadcast %get3A_16 : vector<1x128xf32> to vector<64x128xf32>
    %add3A_29 = arith.addf %dot_general3A_28, %add3A : vector<64x128xf32>
    %dot_general3A_30 = arith.constant dense<0.000000e+00> : vector<64x128xf32>
    %dot_general3A_31 = tpu.matmul %broadcast_in_dim3A_25, %get3A_19, %dot_general3A_30 {dimension_numbers = #tpu.dot_dimension_numbers<[1], [0], [0], [1], [0, 0, 1, 1], [], []>, transpose_lhs_hint = false} : vector<64x32xf32>, vector<32x128xf32>, vector<64x128xf32> -> vector<64x128xf32>
    %add3A_32 = arith.addf %add3A_29, %dot_general3A_31 : vector<64x128xf32>
    %add3A_33 = vector.broadcast %get3A_22 : vector<1x128xf32> to vector<64x128xf32>
    %add3A_34 = arith.addf %add3A_32, %add3A_33 : vector<64x128xf32>
    %slice3A_35 = vector.extract_strided_slice %add3A_34 {offsets = [0, 0], sizes = [64, 32], strides = [1, 1]} : vector<64x128xf32> to vector<64x32xf32>
    %slice3A_36 = vector.extract_strided_slice %add3A_34 {offsets = [0, 32], sizes = [64, 32], strides = [1, 1]} : vector<64x128xf32> to vector<64x32xf32>
    %slice3A_37 = vector.extract_strided_slice %add3A_34 {offsets = [0, 64], sizes = [64, 32], strides = [1, 1]} : vector<64x128xf32> to vector<64x32xf32>
    %slice3A_38 = vector.extract_strided_slice %add3A_34 {offsets = [0, 96], sizes = [64, 32], strides = [1, 1]} : vector<64x128xf32> to vector<64x32xf32>
    %logistic3A = arith.negf %slice3A_36 : vector<64x32xf32>
    %logistic3A_39 = math.exp %logistic3A : vector<64x32xf32>
    %logistic3A_40 = arith.constant 1.000000e+00 : f32
    %logistic3A_41 = vector.broadcast %logistic3A_40 : f32 to vector<64x32xf32>
    %logistic3A_42 = arith.addf %logistic3A_41, %logistic3A_39 : vector<64x32xf32>
    %logistic3A_43 = arith.divf %logistic3A_41, %logistic3A_42 : vector<64x32xf32>
    %mul3A = arith.mulf %logistic3A_43, %broadcast_in_dim3A_27 : vector<64x32xf32>
    %logistic3A_44 = arith.negf %slice3A_35 : vector<64x32xf32>
    %logistic3A_45 = math.exp %logistic3A_44 : vector<64x32xf32>
    %logistic3A_46 = arith.constant 1.000000e+00 : f32
    %logistic3A_47 = vector.broadcast %logistic3A_46 : f32 to vector<64x32xf32>
    %logistic3A_48 = arith.addf %logistic3A_47, %logistic3A_45 : vector<64x32xf32>
    %logistic3A_49 = arith.divf %logistic3A_47, %logistic3A_48 : vector<64x32xf32>
    %tanh3A = math.tanh %slice3A_37 : vector<64x32xf32>
    %mul3A_50 = arith.mulf %logistic3A_49, %tanh3A : vector<64x32xf32>
    %add3A_51 = arith.addf %mul3A, %mul3A_50 : vector<64x32xf32>
    %logistic3A_52 = arith.negf %slice3A_38 : vector<64x32xf32>
    %logistic3A_53 = math.exp %logistic3A_52 : vector<64x32xf32>
    %logistic3A_54 = arith.constant 1.000000e+00 : f32
    %logistic3A_55 = vector.broadcast %logistic3A_54 : f32 to vector<64x32xf32>
    %logistic3A_56 = arith.addf %logistic3A_55, %logistic3A_53 : vector<64x32xf32>
    %logistic3A_57 = arith.divf %logistic3A_55, %logistic3A_56 : vector<64x32xf32>
    %tanh3A_58 = math.tanh %add3A_51 : vector<64x32xf32>
    %mul3A_59 = arith.mulf %logistic3A_57, %tanh3A_58 : vector<64x32xf32>
    %dot_general3A_60 = arith.constant dense<0.000000e+00> : vector<10000x32xf32>
    %dot_general3A_61 = tpu.matmul %convert_element_type3A_10, %mul3A_59, %dot_general3A_60 {dimension_numbers = #tpu.dot_dimension_numbers<[1], [0], [0], [1], [0, 0, 1, 1], [], []>, transpose_lhs_hint = false} : vector<10000x64xf32>, vector<64x32xf32>, vector<10000x32xf32> -> vector<10000x32xf32>
    %mul3A_62 = arith.mulf %slice3A, %dot_general3A_61 : vector<10000x32xf32>
    %reduce_sum3A = arith.constant dense<0.000000e+00> : vector<10000xf32>
    %reduce_sum3A_63 = vector.multi_reduction <add>, %mul3A_62, %reduce_sum3A [1] : vector<10000x32xf32> to vector<10000xf32>
    %broadcast_in_dim3A_64 = vector.shape_cast %reduce_sum3A_63 : vector<10000xf32> to vector<10000x1xf32>
    %gt3A = arith.constant 0.000000e+00 : f32
    %gt3A_65 = vector.broadcast %gt3A : f32 to vector<10000x64xf32>
    %gt3A_66 = arith.cmpf ogt, %convert_element_type3A_10, %gt3A_65 : vector<10000x64xf32>
    %jit3A = arith.constant -1.000000e+30 : f32
    %broadcast_in_dim3A_67 = vector.shape_cast %broadcast_in_dim3A_64 : vector<10000x1xf32> to vector<10000x1xf32>
    %broadcast_in_dim3A_68 = vector.broadcast %broadcast_in_dim3A_67 : vector<10000x1xf32> to vector<10000x64xf32>
    %broadcast_in_dim3A_69 = vector.broadcast %jit3A : f32 to vector<10000x64xf32>
    %select_n3A = arith.select %gt3A_66, %broadcast_in_dim3A_68, %broadcast_in_dim3A_69 : vector<10000x64xi1>, vector<10000x64xf32>
    %reduce_max3A = arith.constant dense<0xFF800000> : vector<64xf32>
    %reduce_max3A_70 = vector.multi_reduction <maximumf>, %select_n3A, %reduce_max3A [0] : vector<10000x64xf32> to vector<64xf32>
    %broadcast_in_dim3A_71 = vector.shape_cast %reduce_max3A_70 : vector<64xf32> to vector<1x64xf32>
    %transpose3A = tpu.transpose %broadcast_in_dim3A_71, [1, 0] : vector<1x64xf32> -> vector<64x1xf32>
    %dot_general3A_72 = arith.constant dense<0.000000e+00> : vector<10000x1xf32>
    %dot_general3A_73 = tpu.matmul %convert_element_type3A_10, %transpose3A, %dot_general3A_72 {dimension_numbers = #tpu.dot_dimension_numbers<[1], [0], [0], [1], [0, 0, 1, 1], [], []>, transpose_lhs_hint = false} : vector<10000x64xf32>, vector<64x1xf32>, vector<10000x1xf32> -> vector<10000x1xf32>
    %sub3A = arith.subf %broadcast_in_dim3A_64, %dot_general3A_73 : vector<10000x1xf32>
    %exp3A = math.exp %sub3A : vector<10000x1xf32>
    %dot_general3A_74 = arith.constant dense<0.000000e+00> : vector<64x1xf32>
    %dot_general3A_75 = tpu.matmul %convert_element_type3A_10, %exp3A, %dot_general3A_74 {dimension_numbers = #tpu.dot_dimension_numbers<[0], [0], [1], [1], [0, 1, 1, 1], [], []>, transpose_lhs_hint = false} : vector<10000x64xf32>, vector<10000x1xf32>, vector<64x1xf32> -> vector<64x1xf32>
    %max3A = arith.constant 1.000000e-30 : f32
    %max3A_76 = vector.broadcast %max3A : f32 to vector<64x1xf32>
    %max3A_77 = arith.maximumf %dot_general3A_75, %max3A_76 : vector<64x1xf32>
    %div3A = arith.constant 1.000000e+00 : f32
    %div3A_78 = vector.broadcast %div3A : f32 to vector<64x1xf32>
    %div3A_79 = arith.divf %div3A_78, %max3A_77 : vector<64x1xf32>
    %dot_general3A_80 = arith.constant dense<0.000000e+00> : vector<10000x1xf32>
    %dot_general3A_81 = tpu.matmul %convert_element_type3A_10, %div3A_79, %dot_general3A_80 {dimension_numbers = #tpu.dot_dimension_numbers<[1], [0], [0], [1], [0, 0, 1, 1], [], []>, transpose_lhs_hint = false} : vector<10000x64xf32>, vector<64x1xf32>, vector<10000x1xf32> -> vector<10000x1xf32>
    %mul3A_82 = arith.mulf %exp3A, %dot_general3A_81 : vector<10000x1xf32>
    %mul3A_83 = vector.broadcast %mul3A_82 : vector<10000x1xf32> to vector<10000x32xf32>
    %mul3A_84 = arith.mulf %mul3A_83, %slice3A : vector<10000x32xf32>
    %dot_general3A_85 = arith.constant dense<0.000000e+00> : vector<64x32xf32>
    %dot_general3A_86 = tpu.matmul %convert_element_type3A_10, %mul3A_84, %dot_general3A_85 {dimension_numbers = #tpu.dot_dimension_numbers<[0], [0], [1], [1], [0, 1, 1, 1], [], []>, transpose_lhs_hint = false} : vector<10000x64xf32>, vector<10000x32xf32>, vector<64x32xf32> -> vector<64x32xf32>
    %concatenate3A = tpu.concatenate %mul3A_59, %dot_general3A_86 in 1 : vector<64x32xf32>, vector<64x32xf32> -> vector<64x64xf32>
    %dot_general3A_87 = arith.constant dense<0.000000e+00> : vector<64x128xf32>
    %dot_general3A_88 = tpu.matmul %concatenate3A, %get3A_13, %dot_general3A_87 {dimension_numbers = #tpu.dot_dimension_numbers<[1], [0], [0], [1], [0, 0, 1, 1], [], []>, transpose_lhs_hint = false} : vector<64x64xf32>, vector<64x128xf32>, vector<64x128xf32> -> vector<64x128xf32>
    %add3A_89 = vector.broadcast %get3A_16 : vector<1x128xf32> to vector<64x128xf32>
    %add3A_90 = arith.addf %dot_general3A_88, %add3A_89 : vector<64x128xf32>
    %dot_general3A_91 = arith.constant dense<0.000000e+00> : vector<64x128xf32>
    %dot_general3A_92 = tpu.matmul %mul3A_59, %get3A_19, %dot_general3A_91 {dimension_numbers = #tpu.dot_dimension_numbers<[1], [0], [0], [1], [0, 0, 1, 1], [], []>, transpose_lhs_hint = false} : vector<64x32xf32>, vector<32x128xf32>, vector<64x128xf32> -> vector<64x128xf32>
    %add3A_93 = arith.addf %add3A_90, %dot_general3A_92 : vector<64x128xf32>
    %add3A_94 = vector.broadcast %get3A_22 : vector<1x128xf32> to vector<64x128xf32>
    %add3A_95 = arith.addf %add3A_93, %add3A_94 : vector<64x128xf32>
    %slice3A_96 = vector.extract_strided_slice %add3A_95 {offsets = [0, 0], sizes = [64, 32], strides = [1, 1]} : vector<64x128xf32> to vector<64x32xf32>
    %slice3A_97 = vector.extract_strided_slice %add3A_95 {offsets = [0, 32], sizes = [64, 32], strides = [1, 1]} : vector<64x128xf32> to vector<64x32xf32>
    %slice3A_98 = vector.extract_strided_slice %add3A_95 {offsets = [0, 64], sizes = [64, 32], strides = [1, 1]} : vector<64x128xf32> to vector<64x32xf32>
    %slice3A_99 = vector.extract_strided_slice %add3A_95 {offsets = [0, 96], sizes = [64, 32], strides = [1, 1]} : vector<64x128xf32> to vector<64x32xf32>
    %logistic3A_100 = arith.negf %slice3A_97 : vector<64x32xf32>
    %logistic3A_101 = math.exp %logistic3A_100 : vector<64x32xf32>
    %logistic3A_102 = arith.constant 1.000000e+00 : f32
    %logistic3A_103 = vector.broadcast %logistic3A_102 : f32 to vector<64x32xf32>
    %logistic3A_104 = arith.addf %logistic3A_103, %logistic3A_101 : vector<64x32xf32>
    %logistic3A_105 = arith.divf %logistic3A_103, %logistic3A_104 : vector<64x32xf32>
    %mul3A_106 = arith.mulf %logistic3A_105, %add3A_51 : vector<64x32xf32>
    %logistic3A_107 = arith.negf %slice3A_96 : vector<64x32xf32>
    %logistic3A_108 = math.exp %logistic3A_107 : vector<64x32xf32>
    %logistic3A_109 = arith.constant 1.000000e+00 : f32
    %logistic3A_110 = vector.broadcast %logistic3A_109 : f32 to vector<64x32xf32>
    %logistic3A_111 = arith.addf %logistic3A_110, %logistic3A_108 : vector<64x32xf32>
    %logistic3A_112 = arith.divf %logistic3A_110, %logistic3A_111 : vector<64x32xf32>
    %tanh3A_113 = math.tanh %slice3A_98 : vector<64x32xf32>
    %mul3A_114 = arith.mulf %logistic3A_112, %tanh3A_113 : vector<64x32xf32>
    %add3A_115 = arith.addf %mul3A_106, %mul3A_114 : vector<64x32xf32>
    %logistic3A_116 = arith.negf %slice3A_99 : vector<64x32xf32>
    %logistic3A_117 = math.exp %logistic3A_116 : vector<64x32xf32>
    %logistic3A_118 = arith.constant 1.000000e+00 : f32
    %logistic3A_119 = vector.broadcast %logistic3A_118 : f32 to vector<64x32xf32>
    %logistic3A_120 = arith.addf %logistic3A_119, %logistic3A_117 : vector<64x32xf32>
    %logistic3A_121 = arith.divf %logistic3A_119, %logistic3A_120 : vector<64x32xf32>
    %tanh3A_122 = math.tanh %add3A_115 : vector<64x32xf32>
    %mul3A_123 = arith.mulf %logistic3A_121, %tanh3A_122 : vector<64x32xf32>
    %dot_general3A_124 = arith.constant dense<0.000000e+00> : vector<10000x32xf32>
    %dot_general3A_125 = tpu.matmul %convert_element_type3A_10, %mul3A_123, %dot_general3A_124 {dimension_numbers = #tpu.dot_dimension_numbers<[1], [0], [0], [1], [0, 0, 1, 1], [], []>, transpose_lhs_hint = false} : vector<10000x64xf32>, vector<64x32xf32>, vector<10000x32xf32> -> vector<10000x32xf32>
    %mul3A_126 = arith.mulf %slice3A, %dot_general3A_125 : vector<10000x32xf32>
    %reduce_sum3A_127 = arith.constant dense<0.000000e+00> : vector<10000xf32>
    %reduce_sum3A_128 = vector.multi_reduction <add>, %mul3A_126, %reduce_sum3A_127 [1] : vector<10000x32xf32> to vector<10000xf32>
    %broadcast_in_dim3A_129 = vector.shape_cast %reduce_sum3A_128 : vector<10000xf32> to vector<10000x1xf32>
    %gt3A_130 = arith.constant 0.000000e+00 : f32
    %gt3A_131 = vector.broadcast %gt3A_130 : f32 to vector<10000x64xf32>
    %gt3A_132 = arith.cmpf ogt, %convert_element_type3A_10, %gt3A_131 : vector<10000x64xf32>
    %jit3A_133 = arith.constant -1.000000e+30 : f32
    %broadcast_in_dim3A_134 = vector.shape_cast %broadcast_in_dim3A_129 : vector<10000x1xf32> to vector<10000x1xf32>
    %broadcast_in_dim3A_135 = vector.broadcast %broadcast_in_dim3A_134 : vector<10000x1xf32> to vector<10000x64xf32>
    %broadcast_in_dim3A_136 = vector.broadcast %jit3A_133 : f32 to vector<10000x64xf32>
    %select_n3A_137 = arith.select %gt3A_132, %broadcast_in_dim3A_135, %broadcast_in_dim3A_136 : vector<10000x64xi1>, vector<10000x64xf32>
    %reduce_max3A_138 = arith.constant dense<0xFF800000> : vector<64xf32>
    %reduce_max3A_139 = vector.multi_reduction <maximumf>, %select_n3A_137, %reduce_max3A_138 [0] : vector<10000x64xf32> to vector<64xf32>
    %broadcast_in_dim3A_140 = vector.shape_cast %reduce_max3A_139 : vector<64xf32> to vector<1x64xf32>
    %transpose3A_141 = tpu.transpose %broadcast_in_dim3A_140, [1, 0] : vector<1x64xf32> -> vector<64x1xf32>
    %dot_general3A_142 = arith.constant dense<0.000000e+00> : vector<10000x1xf32>
    %dot_general3A_143 = tpu.matmul %convert_element_type3A_10, %transpose3A_141, %dot_general3A_142 {dimension_numbers = #tpu.dot_dimension_numbers<[1], [0], [0], [1], [0, 0, 1, 1], [], []>, transpose_lhs_hint = false} : vector<10000x64xf32>, vector<64x1xf32>, vector<10000x1xf32> -> vector<10000x1xf32>
    %sub3A_144 = arith.subf %broadcast_in_dim3A_129, %dot_general3A_143 : vector<10000x1xf32>
    %exp3A_145 = math.exp %sub3A_144 : vector<10000x1xf32>
    %dot_general3A_146 = arith.constant dense<0.000000e+00> : vector<64x1xf32>
    %dot_general3A_147 = tpu.matmul %convert_element_type3A_10, %exp3A_145, %dot_general3A_146 {dimension_numbers = #tpu.dot_dimension_numbers<[0], [0], [1], [1], [0, 1, 1, 1], [], []>, transpose_lhs_hint = false} : vector<10000x64xf32>, vector<10000x1xf32>, vector<64x1xf32> -> vector<64x1xf32>
    %max3A_148 = arith.constant 1.000000e-30 : f32
    %max3A_149 = vector.broadcast %max3A_148 : f32 to vector<64x1xf32>
    %max3A_150 = arith.maximumf %dot_general3A_147, %max3A_149 : vector<64x1xf32>
    %div3A_151 = arith.constant 1.000000e+00 : f32
    %div3A_152 = vector.broadcast %div3A_151 : f32 to vector<64x1xf32>
    %div3A_153 = arith.divf %div3A_152, %max3A_150 : vector<64x1xf32>
    %dot_general3A_154 = arith.constant dense<0.000000e+00> : vector<10000x1xf32>
    %dot_general3A_155 = tpu.matmul %convert_element_type3A_10, %div3A_153, %dot_general3A_154 {dimension_numbers = #tpu.dot_dimension_numbers<[1], [0], [0], [1], [0, 0, 1, 1], [], []>, transpose_lhs_hint = false} : vector<10000x64xf32>, vector<64x1xf32>, vector<10000x1xf32> -> vector<10000x1xf32>
    %mul3A_156 = arith.mulf %exp3A_145, %dot_general3A_155 : vector<10000x1xf32>
    %mul3A_157 = vector.broadcast %mul3A_156 : vector<10000x1xf32> to vector<10000x32xf32>
    %mul3A_158 = arith.mulf %mul3A_157, %slice3A : vector<10000x32xf32>
    %dot_general3A_159 = arith.constant dense<0.000000e+00> : vector<64x32xf32>
    %dot_general3A_160 = tpu.matmul %convert_element_type3A_10, %mul3A_158, %dot_general3A_159 {dimension_numbers = #tpu.dot_dimension_numbers<[0], [0], [1], [1], [0, 1, 1, 1], [], []>, transpose_lhs_hint = false} : vector<10000x64xf32>, vector<10000x32xf32>, vector<64x32xf32> -> vector<64x32xf32>
    %concatenate3A_161 = tpu.concatenate %mul3A_123, %dot_general3A_160 in 1 : vector<64x32xf32>, vector<64x32xf32> -> vector<64x64xf32>
    %dot_general3A_162 = arith.constant dense<0.000000e+00> : vector<64x128xf32>
    %dot_general3A_163 = tpu.matmul %concatenate3A_161, %get3A_13, %dot_general3A_162 {dimension_numbers = #tpu.dot_dimension_numbers<[1], [0], [0], [1], [0, 0, 1, 1], [], []>, transpose_lhs_hint = false} : vector<64x64xf32>, vector<64x128xf32>, vector<64x128xf32> -> vector<64x128xf32>
    %add3A_164 = vector.broadcast %get3A_16 : vector<1x128xf32> to vector<64x128xf32>
    %add3A_165 = arith.addf %dot_general3A_163, %add3A_164 : vector<64x128xf32>
    %dot_general3A_166 = arith.constant dense<0.000000e+00> : vector<64x128xf32>
    %dot_general3A_167 = tpu.matmul %mul3A_123, %get3A_19, %dot_general3A_166 {dimension_numbers = #tpu.dot_dimension_numbers<[1], [0], [0], [1], [0, 0, 1, 1], [], []>, transpose_lhs_hint = false} : vector<64x32xf32>, vector<32x128xf32>, vector<64x128xf32> -> vector<64x128xf32>
    %add3A_168 = arith.addf %add3A_165, %dot_general3A_167 : vector<64x128xf32>
    %add3A_169 = vector.broadcast %get3A_22 : vector<1x128xf32> to vector<64x128xf32>
    %add3A_170 = arith.addf %add3A_168, %add3A_169 : vector<64x128xf32>
    %slice3A_171 = vector.extract_strided_slice %add3A_170 {offsets = [0, 0], sizes = [64, 32], strides = [1, 1]} : vector<64x128xf32> to vector<64x32xf32>
    %slice3A_172 = vector.extract_strided_slice %add3A_170 {offsets = [0, 32], sizes = [64, 32], strides = [1, 1]} : vector<64x128xf32> to vector<64x32xf32>
    %slice3A_173 = vector.extract_strided_slice %add3A_170 {offsets = [0, 64], sizes = [64, 32], strides = [1, 1]} : vector<64x128xf32> to vector<64x32xf32>
    %slice3A_174 = vector.extract_strided_slice %add3A_170 {offsets = [0, 96], sizes = [64, 32], strides = [1, 1]} : vector<64x128xf32> to vector<64x32xf32>
    %logistic3A_175 = arith.negf %slice3A_172 : vector<64x32xf32>
    %logistic3A_176 = math.exp %logistic3A_175 : vector<64x32xf32>
    %logistic3A_177 = arith.constant 1.000000e+00 : f32
    %logistic3A_178 = vector.broadcast %logistic3A_177 : f32 to vector<64x32xf32>
    %logistic3A_179 = arith.addf %logistic3A_178, %logistic3A_176 : vector<64x32xf32>
    %logistic3A_180 = arith.divf %logistic3A_178, %logistic3A_179 : vector<64x32xf32>
    %mul3A_181 = arith.mulf %logistic3A_180, %add3A_115 : vector<64x32xf32>
    %logistic3A_182 = arith.negf %slice3A_171 : vector<64x32xf32>
    %logistic3A_183 = math.exp %logistic3A_182 : vector<64x32xf32>
    %logistic3A_184 = arith.constant 1.000000e+00 : f32
    %logistic3A_185 = vector.broadcast %logistic3A_184 : f32 to vector<64x32xf32>
    %logistic3A_186 = arith.addf %logistic3A_185, %logistic3A_183 : vector<64x32xf32>
    %logistic3A_187 = arith.divf %logistic3A_185, %logistic3A_186 : vector<64x32xf32>
    %tanh3A_188 = math.tanh %slice3A_173 : vector<64x32xf32>
    %mul3A_189 = arith.mulf %logistic3A_187, %tanh3A_188 : vector<64x32xf32>
    %add3A_190 = arith.addf %mul3A_181, %mul3A_189 : vector<64x32xf32>
    %logistic3A_191 = arith.negf %slice3A_174 : vector<64x32xf32>
    %logistic3A_192 = math.exp %logistic3A_191 : vector<64x32xf32>
    %logistic3A_193 = arith.constant 1.000000e+00 : f32
    %logistic3A_194 = vector.broadcast %logistic3A_193 : f32 to vector<64x32xf32>
    %logistic3A_195 = arith.addf %logistic3A_194, %logistic3A_192 : vector<64x32xf32>
    %logistic3A_196 = arith.divf %logistic3A_194, %logistic3A_195 : vector<64x32xf32>
    %tanh3A_197 = math.tanh %add3A_190 : vector<64x32xf32>
    %mul3A_198 = arith.mulf %logistic3A_196, %tanh3A_197 : vector<64x32xf32>
    %dot_general3A_199 = arith.constant dense<0.000000e+00> : vector<10000x32xf32>
    %dot_general3A_200 = tpu.matmul %convert_element_type3A_10, %mul3A_198, %dot_general3A_199 {dimension_numbers = #tpu.dot_dimension_numbers<[1], [0], [0], [1], [0, 0, 1, 1], [], []>, transpose_lhs_hint = false} : vector<10000x64xf32>, vector<64x32xf32>, vector<10000x32xf32> -> vector<10000x32xf32>
    %mul3A_201 = arith.mulf %slice3A, %dot_general3A_200 : vector<10000x32xf32>
    %reduce_sum3A_202 = arith.constant dense<0.000000e+00> : vector<10000xf32>
    %reduce_sum3A_203 = vector.multi_reduction <add>, %mul3A_201, %reduce_sum3A_202 [1] : vector<10000x32xf32> to vector<10000xf32>
    %broadcast_in_dim3A_204 = vector.shape_cast %reduce_sum3A_203 : vector<10000xf32> to vector<10000x1xf32>
    %gt3A_205 = arith.constant 0.000000e+00 : f32
    %gt3A_206 = vector.broadcast %gt3A_205 : f32 to vector<10000x64xf32>
    %gt3A_207 = arith.cmpf ogt, %convert_element_type3A_10, %gt3A_206 : vector<10000x64xf32>
    %jit3A_208 = arith.constant -1.000000e+30 : f32
    %broadcast_in_dim3A_209 = vector.shape_cast %broadcast_in_dim3A_204 : vector<10000x1xf32> to vector<10000x1xf32>
    %broadcast_in_dim3A_210 = vector.broadcast %broadcast_in_dim3A_209 : vector<10000x1xf32> to vector<10000x64xf32>
    %broadcast_in_dim3A_211 = vector.broadcast %jit3A_208 : f32 to vector<10000x64xf32>
    %select_n3A_212 = arith.select %gt3A_207, %broadcast_in_dim3A_210, %broadcast_in_dim3A_211 : vector<10000x64xi1>, vector<10000x64xf32>
    %reduce_max3A_213 = arith.constant dense<0xFF800000> : vector<64xf32>
    %reduce_max3A_214 = vector.multi_reduction <maximumf>, %select_n3A_212, %reduce_max3A_213 [0] : vector<10000x64xf32> to vector<64xf32>
    %broadcast_in_dim3A_215 = vector.shape_cast %reduce_max3A_214 : vector<64xf32> to vector<1x64xf32>
    %transpose3A_216 = tpu.transpose %broadcast_in_dim3A_215, [1, 0] : vector<1x64xf32> -> vector<64x1xf32>
    %dot_general3A_217 = arith.constant dense<0.000000e+00> : vector<10000x1xf32>
    %dot_general3A_218 = tpu.matmul %convert_element_type3A_10, %transpose3A_216, %dot_general3A_217 {dimension_numbers = #tpu.dot_dimension_numbers<[1], [0], [0], [1], [0, 0, 1, 1], [], []>, transpose_lhs_hint = false} : vector<10000x64xf32>, vector<64x1xf32>, vector<10000x1xf32> -> vector<10000x1xf32>
    %sub3A_219 = arith.subf %broadcast_in_dim3A_204, %dot_general3A_218 : vector<10000x1xf32>
    %exp3A_220 = math.exp %sub3A_219 : vector<10000x1xf32>
    %dot_general3A_221 = arith.constant dense<0.000000e+00> : vector<64x1xf32>
    %dot_general3A_222 = tpu.matmul %convert_element_type3A_10, %exp3A_220, %dot_general3A_221 {dimension_numbers = #tpu.dot_dimension_numbers<[0], [0], [1], [1], [0, 1, 1, 1], [], []>, transpose_lhs_hint = false} : vector<10000x64xf32>, vector<10000x1xf32>, vector<64x1xf32> -> vector<64x1xf32>
    %max3A_223 = arith.constant 1.000000e-30 : f32
    %max3A_224 = vector.broadcast %max3A_223 : f32 to vector<64x1xf32>
    %max3A_225 = arith.maximumf %dot_general3A_222, %max3A_224 : vector<64x1xf32>
    %div3A_226 = arith.constant 1.000000e+00 : f32
    %div3A_227 = vector.broadcast %div3A_226 : f32 to vector<64x1xf32>
    %div3A_228 = arith.divf %div3A_227, %max3A_225 : vector<64x1xf32>
    %dot_general3A_229 = arith.constant dense<0.000000e+00> : vector<10000x1xf32>
    %dot_general3A_230 = tpu.matmul %convert_element_type3A_10, %div3A_228, %dot_general3A_229 {dimension_numbers = #tpu.dot_dimension_numbers<[1], [0], [0], [1], [0, 0, 1, 1], [], []>, transpose_lhs_hint = false} : vector<10000x64xf32>, vector<64x1xf32>, vector<10000x1xf32> -> vector<10000x1xf32>
    %mul3A_231 = arith.mulf %exp3A_220, %dot_general3A_230 : vector<10000x1xf32>
    %mul3A_232 = vector.broadcast %mul3A_231 : vector<10000x1xf32> to vector<10000x32xf32>
    %mul3A_233 = arith.mulf %mul3A_232, %slice3A : vector<10000x32xf32>
    %dot_general3A_234 = arith.constant dense<0.000000e+00> : vector<64x32xf32>
    %dot_general3A_235 = tpu.matmul %convert_element_type3A_10, %mul3A_233, %dot_general3A_234 {dimension_numbers = #tpu.dot_dimension_numbers<[0], [0], [1], [1], [0, 1, 1, 1], [], []>, transpose_lhs_hint = false} : vector<10000x64xf32>, vector<10000x32xf32>, vector<64x32xf32> -> vector<64x32xf32>
    %concatenate3A_236 = tpu.concatenate %mul3A_198, %dot_general3A_235 in 1 : vector<64x32xf32>, vector<64x32xf32> -> vector<64x64xf32>
    %get3A_237 = arith.constant 0 : index
    %get3A_238 = arith.constant 0 : index
    %get3A_239 = vector.load %arg6[%get3A_237, %get3A_238] : memref<64x128xf32, #tpu.memory_space<vmem>>, vector<64x128xf32>
    %get3A_240 = arith.constant 0 : index
    %get3A_241 = arith.constant 0 : index
    %get3A_242 = vector.load %arg7[%get3A_240, %get3A_241] : memref<1x128xf32, #tpu.memory_space<vmem>>, vector<1x128xf32>
    %get3A_243 = arith.constant 0 : index
    %get3A_244 = arith.constant 0 : index
    %get3A_245 = vector.load %arg8[%get3A_243, %get3A_244] : memref<32x128xf32, #tpu.memory_space<vmem>>, vector<32x128xf32>
    %get3A_246 = arith.constant 0 : index
    %get3A_247 = arith.constant 0 : index
    %get3A_248 = vector.load %arg9[%get3A_246, %get3A_247] : memref<1x128xf32, #tpu.memory_space<vmem>>, vector<1x128xf32>
    %broadcast_in_dim3A_249 = arith.constant 0.000000e+00 : f32
    %broadcast_in_dim3A_250 = vector.broadcast %broadcast_in_dim3A_249 : f32 to vector<64x64xf32>
    %broadcast_in_dim3A_251 = arith.constant 0.000000e+00 : f32
    %broadcast_in_dim3A_252 = vector.broadcast %broadcast_in_dim3A_251 : f32 to vector<64x32xf32>
    %broadcast_in_dim3A_253 = arith.constant 0.000000e+00 : f32
    %broadcast_in_dim3A_254 = vector.broadcast %broadcast_in_dim3A_253 : f32 to vector<64x32xf32>
    %dot_general3A_255 = arith.constant dense<0.000000e+00> : vector<64x128xf32>
    %dot_general3A_256 = tpu.matmul %broadcast_in_dim3A_250, %get3A_239, %dot_general3A_255 {dimension_numbers = #tpu.dot_dimension_numbers<[1], [0], [0], [1], [0, 0, 1, 1], [], []>, transpose_lhs_hint = false} : vector<64x64xf32>, vector<64x128xf32>, vector<64x128xf32> -> vector<64x128xf32>
    %add3A_257 = vector.broadcast %get3A_242 : vector<1x128xf32> to vector<64x128xf32>
    %add3A_258 = arith.addf %dot_general3A_256, %add3A_257 : vector<64x128xf32>
    %dot_general3A_259 = arith.constant dense<0.000000e+00> : vector<64x128xf32>
    %dot_general3A_260 = tpu.matmul %broadcast_in_dim3A_252, %get3A_245, %dot_general3A_259 {dimension_numbers = #tpu.dot_dimension_numbers<[1], [0], [0], [1], [0, 0, 1, 1], [], []>, transpose_lhs_hint = false} : vector<64x32xf32>, vector<32x128xf32>, vector<64x128xf32> -> vector<64x128xf32>
    %add3A_261 = arith.addf %add3A_258, %dot_general3A_260 : vector<64x128xf32>
    %add3A_262 = vector.broadcast %get3A_248 : vector<1x128xf32> to vector<64x128xf32>
    %add3A_263 = arith.addf %add3A_261, %add3A_262 : vector<64x128xf32>
    %slice3A_264 = vector.extract_strided_slice %add3A_263 {offsets = [0, 0], sizes = [64, 32], strides = [1, 1]} : vector<64x128xf32> to vector<64x32xf32>
    %slice3A_265 = vector.extract_strided_slice %add3A_263 {offsets = [0, 32], sizes = [64, 32], strides = [1, 1]} : vector<64x128xf32> to vector<64x32xf32>
    %slice3A_266 = vector.extract_strided_slice %add3A_263 {offsets = [0, 64], sizes = [64, 32], strides = [1, 1]} : vector<64x128xf32> to vector<64x32xf32>
    %slice3A_267 = vector.extract_strided_slice %add3A_263 {offsets = [0, 96], sizes = [64, 32], strides = [1, 1]} : vector<64x128xf32> to vector<64x32xf32>
    %logistic3A_268 = arith.negf %slice3A_265 : vector<64x32xf32>
    %logistic3A_269 = math.exp %logistic3A_268 : vector<64x32xf32>
    %logistic3A_270 = arith.constant 1.000000e+00 : f32
    %logistic3A_271 = vector.broadcast %logistic3A_270 : f32 to vector<64x32xf32>
    %logistic3A_272 = arith.addf %logistic3A_271, %logistic3A_269 : vector<64x32xf32>
    %logistic3A_273 = arith.divf %logistic3A_271, %logistic3A_272 : vector<64x32xf32>
    %mul3A_274 = arith.mulf %logistic3A_273, %broadcast_in_dim3A_254 : vector<64x32xf32>
    %logistic3A_275 = arith.negf %slice3A_264 : vector<64x32xf32>
    %logistic3A_276 = math.exp %logistic3A_275 : vector<64x32xf32>
    %logistic3A_277 = arith.constant 1.000000e+00 : f32
    %logistic3A_278 = vector.broadcast %logistic3A_277 : f32 to vector<64x32xf32>
    %logistic3A_279 = arith.addf %logistic3A_278, %logistic3A_276 : vector<64x32xf32>
    %logistic3A_280 = arith.divf %logistic3A_278, %logistic3A_279 : vector<64x32xf32>
    %tanh3A_281 = math.tanh %slice3A_266 : vector<64x32xf32>
    %mul3A_282 = arith.mulf %logistic3A_280, %tanh3A_281 : vector<64x32xf32>
    %add3A_283 = arith.addf %mul3A_274, %mul3A_282 : vector<64x32xf32>
    %logistic3A_284 = arith.negf %slice3A_267 : vector<64x32xf32>
    %logistic3A_285 = math.exp %logistic3A_284 : vector<64x32xf32>
    %logistic3A_286 = arith.constant 1.000000e+00 : f32
    %logistic3A_287 = vector.broadcast %logistic3A_286 : f32 to vector<64x32xf32>
    %logistic3A_288 = arith.addf %logistic3A_287, %logistic3A_285 : vector<64x32xf32>
    %logistic3A_289 = arith.divf %logistic3A_287, %logistic3A_288 : vector<64x32xf32>
    %tanh3A_290 = math.tanh %add3A_283 : vector<64x32xf32>
    %mul3A_291 = arith.mulf %logistic3A_289, %tanh3A_290 : vector<64x32xf32>
    %dot_general3A_292 = arith.constant dense<0.000000e+00> : vector<10000x32xf32>
    %dot_general3A_293 = tpu.matmul %convert_element_type3A_10, %mul3A_291, %dot_general3A_292 {dimension_numbers = #tpu.dot_dimension_numbers<[1], [0], [0], [1], [0, 0, 1, 1], [], []>, transpose_lhs_hint = false} : vector<10000x64xf32>, vector<64x32xf32>, vector<10000x32xf32> -> vector<10000x32xf32>
    %mul3A_294 = arith.mulf %slice3A_5, %dot_general3A_293 : vector<10000x32xf32>
    %reduce_sum3A_295 = arith.constant dense<0.000000e+00> : vector<10000xf32>
    %reduce_sum3A_296 = vector.multi_reduction <add>, %mul3A_294, %reduce_sum3A_295 [1] : vector<10000x32xf32> to vector<10000xf32>
    %broadcast_in_dim3A_297 = vector.shape_cast %reduce_sum3A_296 : vector<10000xf32> to vector<10000x1xf32>
    %gt3A_298 = arith.constant 0.000000e+00 : f32
    %gt3A_299 = vector.broadcast %gt3A_298 : f32 to vector<10000x64xf32>
    %gt3A_300 = arith.cmpf ogt, %convert_element_type3A_10, %gt3A_299 : vector<10000x64xf32>
    %jit3A_301 = arith.constant -1.000000e+30 : f32
    %broadcast_in_dim3A_302 = vector.shape_cast %broadcast_in_dim3A_297 : vector<10000x1xf32> to vector<10000x1xf32>
    %broadcast_in_dim3A_303 = vector.broadcast %broadcast_in_dim3A_302 : vector<10000x1xf32> to vector<10000x64xf32>
    %broadcast_in_dim3A_304 = vector.broadcast %jit3A_301 : f32 to vector<10000x64xf32>
    %select_n3A_305 = arith.select %gt3A_300, %broadcast_in_dim3A_303, %broadcast_in_dim3A_304 : vector<10000x64xi1>, vector<10000x64xf32>
    %reduce_max3A_306 = arith.constant dense<0xFF800000> : vector<64xf32>
    %reduce_max3A_307 = vector.multi_reduction <maximumf>, %select_n3A_305, %reduce_max3A_306 [0] : vector<10000x64xf32> to vector<64xf32>
    %broadcast_in_dim3A_308 = vector.shape_cast %reduce_max3A_307 : vector<64xf32> to vector<1x64xf32>
    %transpose3A_309 = tpu.transpose %broadcast_in_dim3A_308, [1, 0] : vector<1x64xf32> -> vector<64x1xf32>
    %dot_general3A_310 = arith.constant dense<0.000000e+00> : vector<10000x1xf32>
    %dot_general3A_311 = tpu.matmul %convert_element_type3A_10, %transpose3A_309, %dot_general3A_310 {dimension_numbers = #tpu.dot_dimension_numbers<[1], [0], [0], [1], [0, 0, 1, 1], [], []>, transpose_lhs_hint = false} : vector<10000x64xf32>, vector<64x1xf32>, vector<10000x1xf32> -> vector<10000x1xf32>
    %sub3A_312 = arith.subf %broadcast_in_dim3A_297, %dot_general3A_311 : vector<10000x1xf32>
    %exp3A_313 = math.exp %sub3A_312 : vector<10000x1xf32>
    %dot_general3A_314 = arith.constant dense<0.000000e+00> : vector<64x1xf32>
    %dot_general3A_315 = tpu.matmul %convert_element_type3A_10, %exp3A_313, %dot_general3A_314 {dimension_numbers = #tpu.dot_dimension_numbers<[0], [0], [1], [1], [0, 1, 1, 1], [], []>, transpose_lhs_hint = false} : vector<10000x64xf32>, vector<10000x1xf32>, vector<64x1xf32> -> vector<64x1xf32>
    %max3A_316 = arith.constant 1.000000e-30 : f32
    %max3A_317 = vector.broadcast %max3A_316 : f32 to vector<64x1xf32>
    %max3A_318 = arith.maximumf %dot_general3A_315, %max3A_317 : vector<64x1xf32>
    %div3A_319 = arith.constant 1.000000e+00 : f32
    %div3A_320 = vector.broadcast %div3A_319 : f32 to vector<64x1xf32>
    %div3A_321 = arith.divf %div3A_320, %max3A_318 : vector<64x1xf32>
    %dot_general3A_322 = arith.constant dense<0.000000e+00> : vector<10000x1xf32>
    %dot_general3A_323 = tpu.matmul %convert_element_type3A_10, %div3A_321, %dot_general3A_322 {dimension_numbers = #tpu.dot_dimension_numbers<[1], [0], [0], [1], [0, 0, 1, 1], [], []>, transpose_lhs_hint = false} : vector<10000x64xf32>, vector<64x1xf32>, vector<10000x1xf32> -> vector<10000x1xf32>
    %mul3A_324 = arith.mulf %exp3A_313, %dot_general3A_323 : vector<10000x1xf32>
    %mul3A_325 = vector.broadcast %mul3A_324 : vector<10000x1xf32> to vector<10000x32xf32>
    %mul3A_326 = arith.mulf %mul3A_325, %slice3A_5 : vector<10000x32xf32>
    %dot_general3A_327 = arith.constant dense<0.000000e+00> : vector<64x32xf32>
    %dot_general3A_328 = tpu.matmul %convert_element_type3A_10, %mul3A_326, %dot_general3A_327 {dimension_numbers = #tpu.dot_dimension_numbers<[0], [0], [1], [1], [0, 1, 1, 1], [], []>, transpose_lhs_hint = false} : vector<10000x64xf32>, vector<10000x32xf32>, vector<64x32xf32> -> vector<64x32xf32>
    %concatenate3A_329 = tpu.concatenate %mul3A_291, %dot_general3A_328 in 1 : vector<64x32xf32>, vector<64x32xf32> -> vector<64x64xf32>
    %dot_general3A_330 = arith.constant dense<0.000000e+00> : vector<64x128xf32>
    %dot_general3A_331 = tpu.matmul %concatenate3A_329, %get3A_239, %dot_general3A_330 {dimension_numbers = #tpu.dot_dimension_numbers<[1], [0], [0], [1], [0, 0, 1, 1], [], []>, transpose_lhs_hint = false} : vector<64x64xf32>, vector<64x128xf32>, vector<64x128xf32> -> vector<64x128xf32>
    %add3A_332 = vector.broadcast %get3A_242 : vector<1x128xf32> to vector<64x128xf32>
    %add3A_333 = arith.addf %dot_general3A_331, %add3A_332 : vector<64x128xf32>
    %dot_general3A_334 = arith.constant dense<0.000000e+00> : vector<64x128xf32>
    %dot_general3A_335 = tpu.matmul %mul3A_291, %get3A_245, %dot_general3A_334 {dimension_numbers = #tpu.dot_dimension_numbers<[1], [0], [0], [1], [0, 0, 1, 1], [], []>, transpose_lhs_hint = false} : vector<64x32xf32>, vector<32x128xf32>, vector<64x128xf32> -> vector<64x128xf32>
    %add3A_336 = arith.addf %add3A_333, %dot_general3A_335 : vector<64x128xf32>
    %add3A_337 = vector.broadcast %get3A_248 : vector<1x128xf32> to vector<64x128xf32>
    %add3A_338 = arith.addf %add3A_336, %add3A_337 : vector<64x128xf32>
    %slice3A_339 = vector.extract_strided_slice %add3A_338 {offsets = [0, 0], sizes = [64, 32], strides = [1, 1]} : vector<64x128xf32> to vector<64x32xf32>
    %slice3A_340 = vector.extract_strided_slice %add3A_338 {offsets = [0, 32], sizes = [64, 32], strides = [1, 1]} : vector<64x128xf32> to vector<64x32xf32>
    %slice3A_341 = vector.extract_strided_slice %add3A_338 {offsets = [0, 64], sizes = [64, 32], strides = [1, 1]} : vector<64x128xf32> to vector<64x32xf32>
    %slice3A_342 = vector.extract_strided_slice %add3A_338 {offsets = [0, 96], sizes = [64, 32], strides = [1, 1]} : vector<64x128xf32> to vector<64x32xf32>
    %logistic3A_343 = arith.negf %slice3A_340 : vector<64x32xf32>
    %logistic3A_344 = math.exp %logistic3A_343 : vector<64x32xf32>
    %logistic3A_345 = arith.constant 1.000000e+00 : f32
    %logistic3A_346 = vector.broadcast %logistic3A_345 : f32 to vector<64x32xf32>
    %logistic3A_347 = arith.addf %logistic3A_346, %logistic3A_344 : vector<64x32xf32>
    %logistic3A_348 = arith.divf %logistic3A_346, %logistic3A_347 : vector<64x32xf32>
    %mul3A_349 = arith.mulf %logistic3A_348, %add3A_283 : vector<64x32xf32>
    %logistic3A_350 = arith.negf %slice3A_339 : vector<64x32xf32>
    %logistic3A_351 = math.exp %logistic3A_350 : vector<64x32xf32>
    %logistic3A_352 = arith.constant 1.000000e+00 : f32
    %logistic3A_353 = vector.broadcast %logistic3A_352 : f32 to vector<64x32xf32>
    %logistic3A_354 = arith.addf %logistic3A_353, %logistic3A_351 : vector<64x32xf32>
    %logistic3A_355 = arith.divf %logistic3A_353, %logistic3A_354 : vector<64x32xf32>
    %tanh3A_356 = math.tanh %slice3A_341 : vector<64x32xf32>
    %mul3A_357 = arith.mulf %logistic3A_355, %tanh3A_356 : vector<64x32xf32>
    %add3A_358 = arith.addf %mul3A_349, %mul3A_357 : vector<64x32xf32>
    %logistic3A_359 = arith.negf %slice3A_342 : vector<64x32xf32>
    %logistic3A_360 = math.exp %logistic3A_359 : vector<64x32xf32>
    %logistic3A_361 = arith.constant 1.000000e+00 : f32
    %logistic3A_362 = vector.broadcast %logistic3A_361 : f32 to vector<64x32xf32>
    %logistic3A_363 = arith.addf %logistic3A_362, %logistic3A_360 : vector<64x32xf32>
    %logistic3A_364 = arith.divf %logistic3A_362, %logistic3A_363 : vector<64x32xf32>
    %tanh3A_365 = math.tanh %add3A_358 : vector<64x32xf32>
    %mul3A_366 = arith.mulf %logistic3A_364, %tanh3A_365 : vector<64x32xf32>
    %dot_general3A_367 = arith.constant dense<0.000000e+00> : vector<10000x32xf32>
    %dot_general3A_368 = tpu.matmul %convert_element_type3A_10, %mul3A_366, %dot_general3A_367 {dimension_numbers = #tpu.dot_dimension_numbers<[1], [0], [0], [1], [0, 0, 1, 1], [], []>, transpose_lhs_hint = false} : vector<10000x64xf32>, vector<64x32xf32>, vector<10000x32xf32> -> vector<10000x32xf32>
    %mul3A_369 = arith.mulf %slice3A_5, %dot_general3A_368 : vector<10000x32xf32>
    %reduce_sum3A_370 = arith.constant dense<0.000000e+00> : vector<10000xf32>
    %reduce_sum3A_371 = vector.multi_reduction <add>, %mul3A_369, %reduce_sum3A_370 [1] : vector<10000x32xf32> to vector<10000xf32>
    %broadcast_in_dim3A_372 = vector.shape_cast %reduce_sum3A_371 : vector<10000xf32> to vector<10000x1xf32>
    %gt3A_373 = arith.constant 0.000000e+00 : f32
    %gt3A_374 = vector.broadcast %gt3A_373 : f32 to vector<10000x64xf32>
    %gt3A_375 = arith.cmpf ogt, %convert_element_type3A_10, %gt3A_374 : vector<10000x64xf32>
    %jit3A_376 = arith.constant -1.000000e+30 : f32
    %broadcast_in_dim3A_377 = vector.shape_cast %broadcast_in_dim3A_372 : vector<10000x1xf32> to vector<10000x1xf32>
    %broadcast_in_dim3A_378 = vector.broadcast %broadcast_in_dim3A_377 : vector<10000x1xf32> to vector<10000x64xf32>
    %broadcast_in_dim3A_379 = vector.broadcast %jit3A_376 : f32 to vector<10000x64xf32>
    %select_n3A_380 = arith.select %gt3A_375, %broadcast_in_dim3A_378, %broadcast_in_dim3A_379 : vector<10000x64xi1>, vector<10000x64xf32>
    %reduce_max3A_381 = arith.constant dense<0xFF800000> : vector<64xf32>
    %reduce_max3A_382 = vector.multi_reduction <maximumf>, %select_n3A_380, %reduce_max3A_381 [0] : vector<10000x64xf32> to vector<64xf32>
    %broadcast_in_dim3A_383 = vector.shape_cast %reduce_max3A_382 : vector<64xf32> to vector<1x64xf32>
    %transpose3A_384 = tpu.transpose %broadcast_in_dim3A_383, [1, 0] : vector<1x64xf32> -> vector<64x1xf32>
    %dot_general3A_385 = arith.constant dense<0.000000e+00> : vector<10000x1xf32>
    %dot_general3A_386 = tpu.matmul %convert_element_type3A_10, %transpose3A_384, %dot_general3A_385 {dimension_numbers = #tpu.dot_dimension_numbers<[1], [0], [0], [1], [0, 0, 1, 1], [], []>, transpose_lhs_hint = false} : vector<10000x64xf32>, vector<64x1xf32>, vector<10000x1xf32> -> vector<10000x1xf32>
    %sub3A_387 = arith.subf %broadcast_in_dim3A_372, %dot_general3A_386 : vector<10000x1xf32>
    %exp3A_388 = math.exp %sub3A_387 : vector<10000x1xf32>
    %dot_general3A_389 = arith.constant dense<0.000000e+00> : vector<64x1xf32>
    %dot_general3A_390 = tpu.matmul %convert_element_type3A_10, %exp3A_388, %dot_general3A_389 {dimension_numbers = #tpu.dot_dimension_numbers<[0], [0], [1], [1], [0, 1, 1, 1], [], []>, transpose_lhs_hint = false} : vector<10000x64xf32>, vector<10000x1xf32>, vector<64x1xf32> -> vector<64x1xf32>
    %max3A_391 = arith.constant 1.000000e-30 : f32
    %max3A_392 = vector.broadcast %max3A_391 : f32 to vector<64x1xf32>
    %max3A_393 = arith.maximumf %dot_general3A_390, %max3A_392 : vector<64x1xf32>
    %div3A_394 = arith.constant 1.000000e+00 : f32
    %div3A_395 = vector.broadcast %div3A_394 : f32 to vector<64x1xf32>
    %div3A_396 = arith.divf %div3A_395, %max3A_393 : vector<64x1xf32>
    %dot_general3A_397 = arith.constant dense<0.000000e+00> : vector<10000x1xf32>
    %dot_general3A_398 = tpu.matmul %convert_element_type3A_10, %div3A_396, %dot_general3A_397 {dimension_numbers = #tpu.dot_dimension_numbers<[1], [0], [0], [1], [0, 0, 1, 1], [], []>, transpose_lhs_hint = false} : vector<10000x64xf32>, vector<64x1xf32>, vector<10000x1xf32> -> vector<10000x1xf32>
    %mul3A_399 = arith.mulf %exp3A_388, %dot_general3A_398 : vector<10000x1xf32>
    %mul3A_400 = vector.broadcast %mul3A_399 : vector<10000x1xf32> to vector<10000x32xf32>
    %mul3A_401 = arith.mulf %mul3A_400, %slice3A_5 : vector<10000x32xf32>
    %dot_general3A_402 = arith.constant dense<0.000000e+00> : vector<64x32xf32>
    %dot_general3A_403 = tpu.matmul %convert_element_type3A_10, %mul3A_401, %dot_general3A_402 {dimension_numbers = #tpu.dot_dimension_numbers<[0], [0], [1], [1], [0, 1, 1, 1], [], []>, transpose_lhs_hint = false} : vector<10000x64xf32>, vector<10000x32xf32>, vector<64x32xf32> -> vector<64x32xf32>
    %concatenate3A_404 = tpu.concatenate %mul3A_366, %dot_general3A_403 in 1 : vector<64x32xf32>, vector<64x32xf32> -> vector<64x64xf32>
    %dot_general3A_405 = arith.constant dense<0.000000e+00> : vector<64x128xf32>
    %dot_general3A_406 = tpu.matmul %concatenate3A_404, %get3A_239, %dot_general3A_405 {dimension_numbers = #tpu.dot_dimension_numbers<[1], [0], [0], [1], [0, 0, 1, 1], [], []>, transpose_lhs_hint = false} : vector<64x64xf32>, vector<64x128xf32>, vector<64x128xf32> -> vector<64x128xf32>
    %add3A_407 = vector.broadcast %get3A_242 : vector<1x128xf32> to vector<64x128xf32>
    %add3A_408 = arith.addf %dot_general3A_406, %add3A_407 : vector<64x128xf32>
    %dot_general3A_409 = arith.constant dense<0.000000e+00> : vector<64x128xf32>
    %dot_general3A_410 = tpu.matmul %mul3A_366, %get3A_245, %dot_general3A_409 {dimension_numbers = #tpu.dot_dimension_numbers<[1], [0], [0], [1], [0, 0, 1, 1], [], []>, transpose_lhs_hint = false} : vector<64x32xf32>, vector<32x128xf32>, vector<64x128xf32> -> vector<64x128xf32>
    %add3A_411 = arith.addf %add3A_408, %dot_general3A_410 : vector<64x128xf32>
    %add3A_412 = vector.broadcast %get3A_248 : vector<1x128xf32> to vector<64x128xf32>
    %add3A_413 = arith.addf %add3A_411, %add3A_412 : vector<64x128xf32>
    %slice3A_414 = vector.extract_strided_slice %add3A_413 {offsets = [0, 0], sizes = [64, 32], strides = [1, 1]} : vector<64x128xf32> to vector<64x32xf32>
    %slice3A_415 = vector.extract_strided_slice %add3A_413 {offsets = [0, 32], sizes = [64, 32], strides = [1, 1]} : vector<64x128xf32> to vector<64x32xf32>
    %slice3A_416 = vector.extract_strided_slice %add3A_413 {offsets = [0, 64], sizes = [64, 32], strides = [1, 1]} : vector<64x128xf32> to vector<64x32xf32>
    %slice3A_417 = vector.extract_strided_slice %add3A_413 {offsets = [0, 96], sizes = [64, 32], strides = [1, 1]} : vector<64x128xf32> to vector<64x32xf32>
    %logistic3A_418 = arith.negf %slice3A_415 : vector<64x32xf32>
    %logistic3A_419 = math.exp %logistic3A_418 : vector<64x32xf32>
    %logistic3A_420 = arith.constant 1.000000e+00 : f32
    %logistic3A_421 = vector.broadcast %logistic3A_420 : f32 to vector<64x32xf32>
    %logistic3A_422 = arith.addf %logistic3A_421, %logistic3A_419 : vector<64x32xf32>
    %logistic3A_423 = arith.divf %logistic3A_421, %logistic3A_422 : vector<64x32xf32>
    %mul3A_424 = arith.mulf %logistic3A_423, %add3A_358 : vector<64x32xf32>
    %logistic3A_425 = arith.negf %slice3A_414 : vector<64x32xf32>
    %logistic3A_426 = math.exp %logistic3A_425 : vector<64x32xf32>
    %logistic3A_427 = arith.constant 1.000000e+00 : f32
    %logistic3A_428 = vector.broadcast %logistic3A_427 : f32 to vector<64x32xf32>
    %logistic3A_429 = arith.addf %logistic3A_428, %logistic3A_426 : vector<64x32xf32>
    %logistic3A_430 = arith.divf %logistic3A_428, %logistic3A_429 : vector<64x32xf32>
    %tanh3A_431 = math.tanh %slice3A_416 : vector<64x32xf32>
    %mul3A_432 = arith.mulf %logistic3A_430, %tanh3A_431 : vector<64x32xf32>
    %add3A_433 = arith.addf %mul3A_424, %mul3A_432 : vector<64x32xf32>
    %logistic3A_434 = arith.negf %slice3A_417 : vector<64x32xf32>
    %logistic3A_435 = math.exp %logistic3A_434 : vector<64x32xf32>
    %logistic3A_436 = arith.constant 1.000000e+00 : f32
    %logistic3A_437 = vector.broadcast %logistic3A_436 : f32 to vector<64x32xf32>
    %logistic3A_438 = arith.addf %logistic3A_437, %logistic3A_435 : vector<64x32xf32>
    %logistic3A_439 = arith.divf %logistic3A_437, %logistic3A_438 : vector<64x32xf32>
    %tanh3A_440 = math.tanh %add3A_433 : vector<64x32xf32>
    %mul3A_441 = arith.mulf %logistic3A_439, %tanh3A_440 : vector<64x32xf32>
    %dot_general3A_442 = arith.constant dense<0.000000e+00> : vector<10000x32xf32>
    %dot_general3A_443 = tpu.matmul %convert_element_type3A_10, %mul3A_441, %dot_general3A_442 {dimension_numbers = #tpu.dot_dimension_numbers<[1], [0], [0], [1], [0, 0, 1, 1], [], []>, transpose_lhs_hint = false} : vector<10000x64xf32>, vector<64x32xf32>, vector<10000x32xf32> -> vector<10000x32xf32>
    %mul3A_444 = arith.mulf %slice3A_5, %dot_general3A_443 : vector<10000x32xf32>
    %reduce_sum3A_445 = arith.constant dense<0.000000e+00> : vector<10000xf32>
    %reduce_sum3A_446 = vector.multi_reduction <add>, %mul3A_444, %reduce_sum3A_445 [1] : vector<10000x32xf32> to vector<10000xf32>
    %broadcast_in_dim3A_447 = vector.shape_cast %reduce_sum3A_446 : vector<10000xf32> to vector<10000x1xf32>
    %gt3A_448 = arith.constant 0.000000e+00 : f32
    %gt3A_449 = vector.broadcast %gt3A_448 : f32 to vector<10000x64xf32>
    %gt3A_450 = arith.cmpf ogt, %convert_element_type3A_10, %gt3A_449 : vector<10000x64xf32>
    %jit3A_451 = arith.constant -1.000000e+30 : f32
    %broadcast_in_dim3A_452 = vector.shape_cast %broadcast_in_dim3A_447 : vector<10000x1xf32> to vector<10000x1xf32>
    %broadcast_in_dim3A_453 = vector.broadcast %broadcast_in_dim3A_452 : vector<10000x1xf32> to vector<10000x64xf32>
    %broadcast_in_dim3A_454 = vector.broadcast %jit3A_451 : f32 to vector<10000x64xf32>
    %select_n3A_455 = arith.select %gt3A_450, %broadcast_in_dim3A_453, %broadcast_in_dim3A_454 : vector<10000x64xi1>, vector<10000x64xf32>
    %reduce_max3A_456 = arith.constant dense<0xFF800000> : vector<64xf32>
    %reduce_max3A_457 = vector.multi_reduction <maximumf>, %select_n3A_455, %reduce_max3A_456 [0] : vector<10000x64xf32> to vector<64xf32>
    %broadcast_in_dim3A_458 = vector.shape_cast %reduce_max3A_457 : vector<64xf32> to vector<1x64xf32>
    %transpose3A_459 = tpu.transpose %broadcast_in_dim3A_458, [1, 0] : vector<1x64xf32> -> vector<64x1xf32>
    %dot_general3A_460 = arith.constant dense<0.000000e+00> : vector<10000x1xf32>
    %dot_general3A_461 = tpu.matmul %convert_element_type3A_10, %transpose3A_459, %dot_general3A_460 {dimension_numbers = #tpu.dot_dimension_numbers<[1], [0], [0], [1], [0, 0, 1, 1], [], []>, transpose_lhs_hint = false} : vector<10000x64xf32>, vector<64x1xf32>, vector<10000x1xf32> -> vector<10000x1xf32>
    %sub3A_462 = arith.subf %broadcast_in_dim3A_447, %dot_general3A_461 : vector<10000x1xf32>
    %exp3A_463 = math.exp %sub3A_462 : vector<10000x1xf32>
    %dot_general3A_464 = arith.constant dense<0.000000e+00> : vector<64x1xf32>
    %dot_general3A_465 = tpu.matmul %convert_element_type3A_10, %exp3A_463, %dot_general3A_464 {dimension_numbers = #tpu.dot_dimension_numbers<[0], [0], [1], [1], [0, 1, 1, 1], [], []>, transpose_lhs_hint = false} : vector<10000x64xf32>, vector<10000x1xf32>, vector<64x1xf32> -> vector<64x1xf32>
    %max3A_466 = arith.constant 1.000000e-30 : f32
    %max3A_467 = vector.broadcast %max3A_466 : f32 to vector<64x1xf32>
    %max3A_468 = arith.maximumf %dot_general3A_465, %max3A_467 : vector<64x1xf32>
    %div3A_469 = arith.constant 1.000000e+00 : f32
    %div3A_470 = vector.broadcast %div3A_469 : f32 to vector<64x1xf32>
    %div3A_471 = arith.divf %div3A_470, %max3A_468 : vector<64x1xf32>
    %dot_general3A_472 = arith.constant dense<0.000000e+00> : vector<10000x1xf32>
    %dot_general3A_473 = tpu.matmul %convert_element_type3A_10, %div3A_471, %dot_general3A_472 {dimension_numbers = #tpu.dot_dimension_numbers<[1], [0], [0], [1], [0, 0, 1, 1], [], []>, transpose_lhs_hint = false} : vector<10000x64xf32>, vector<64x1xf32>, vector<10000x1xf32> -> vector<10000x1xf32>
    %mul3A_474 = arith.mulf %exp3A_463, %dot_general3A_473 : vector<10000x1xf32>
    %mul3A_475 = vector.broadcast %mul3A_474 : vector<10000x1xf32> to vector<10000x32xf32>
    %mul3A_476 = arith.mulf %mul3A_475, %slice3A_5 : vector<10000x32xf32>
    %dot_general3A_477 = arith.constant dense<0.000000e+00> : vector<64x32xf32>
    %dot_general3A_478 = tpu.matmul %convert_element_type3A_10, %mul3A_476, %dot_general3A_477 {dimension_numbers = #tpu.dot_dimension_numbers<[0], [0], [1], [1], [0, 1, 1, 1], [], []>, transpose_lhs_hint = false} : vector<10000x64xf32>, vector<10000x32xf32>, vector<64x32xf32> -> vector<64x32xf32>
    %concatenate3A_479 = tpu.concatenate %mul3A_441, %dot_general3A_478 in 1 : vector<64x32xf32>, vector<64x32xf32> -> vector<64x64xf32>
    %get3A_480 = arith.constant 0 : index
    %get3A_481 = arith.constant 0 : index
    %get3A_482 = vector.load %arg10[%get3A_480, %get3A_481] : memref<64x32xf32, #tpu.memory_space<vmem>>, vector<64x32xf32>
    %get3A_483 = arith.constant 0 : index
    %get3A_484 = arith.constant 0 : index
    %get3A_485 = vector.load %arg11[%get3A_483, %get3A_484] : memref<1x32xf32, #tpu.memory_space<vmem>>, vector<1x32xf32>
    %get3A_486 = arith.constant 0 : index
    %get3A_487 = arith.constant 0 : index
    %get3A_488 = vector.load %arg12[%get3A_486, %get3A_487] : memref<32x1xf32, #tpu.memory_space<vmem>>, vector<32x1xf32>
    %get3A_489 = arith.constant 0 : index
    %get3A_490 = arith.constant 0 : index
    %get3A_491 = vector.load %arg13[%get3A_489, %get3A_490] : memref<1x1xf32, #tpu.memory_space<vmem>>, vector<1x1xf32>
    %dot_general3A_492 = arith.constant dense<0.000000e+00> : vector<64x32xf32>
    %dot_general3A_493 = tpu.matmul %concatenate3A_236, %get3A_482, %dot_general3A_492 {dimension_numbers = #tpu.dot_dimension_numbers<[1], [0], [0], [1], [0, 0, 1, 1], [], []>, transpose_lhs_hint = false} : vector<64x64xf32>, vector<64x32xf32>, vector<64x32xf32> -> vector<64x32xf32>
    %add3A_494 = vector.broadcast %get3A_485 : vector<1x32xf32> to vector<64x32xf32>
    %add3A_495 = arith.addf %dot_general3A_493, %add3A_494 : vector<64x32xf32>
    %max3A_496 = arith.constant 0.000000e+00 : f32
    %max3A_497 = vector.broadcast %max3A_496 : f32 to vector<64x32xf32>
    %max3A_498 = arith.maximumf %add3A_495, %max3A_497 : vector<64x32xf32>
    %dot_general3A_499 = arith.constant dense<0.000000e+00> : vector<64x1xf32>
    %dot_general3A_500 = tpu.matmul %max3A_498, %get3A_488, %dot_general3A_499 {dimension_numbers = #tpu.dot_dimension_numbers<[1], [0], [0], [1], [0, 0, 1, 1], [], []>, transpose_lhs_hint = false} : vector<64x32xf32>, vector<32x1xf32>, vector<64x1xf32> -> vector<64x1xf32>
    %add3A_501 = vector.broadcast %get3A_491 : vector<1x1xf32> to vector<64x1xf32>
    %add3A_502 = arith.addf %dot_general3A_500, %add3A_501 : vector<64x1xf32>
    %swap3A = arith.constant 0 : index
    %swap3A_503 = arith.constant 0 : index
    %swap3A_504 = vector.load %arg46[%swap3A, %swap3A_503] : memref<64x1xf32, #tpu.memory_space<vmem>>, vector<64x1xf32>
    tpu.vector_store %arg46[%swap3A, %swap3A_503], %add3A_502 {strides = array<i32>} : memref<64x1xf32, #tpu.memory_space<vmem>>, vector<64x1xf32>,
    %get3A_505 = arith.constant 0 : index
    %get3A_506 = arith.constant 0 : index
    %get3A_507 = vector.load %arg14[%get3A_505, %get3A_506] : memref<64x32xf32, #tpu.memory_space<vmem>>, vector<64x32xf32>
    %get3A_508 = arith.constant 0 : index
    %get3A_509 = arith.constant 0 : index
    %get3A_510 = vector.load %arg15[%get3A_508, %get3A_509] : memref<1x32xf32, #tpu.memory_space<vmem>>, vector<1x32xf32>
    %get3A_511 = arith.constant 0 : index
    %get3A_512 = arith.constant 0 : index
    %get3A_513 = vector.load %arg16[%get3A_511, %get3A_512] : memref<32x32xf32, #tpu.memory_space<vmem>>, vector<32x32xf32>
    %get3A_514 = arith.constant 0 : index
    %get3A_515 = arith.constant 0 : index
    %get3A_516 = vector.load %arg17[%get3A_514, %get3A_515] : memref<1x32xf32, #tpu.memory_space<vmem>>, vector<1x32xf32>
    %get3A_517 = arith.constant 0 : index
    %get3A_518 = arith.constant 0 : index
    %get3A_519 = vector.load %arg18[%get3A_517, %get3A_518] : memref<32x32xf32, #tpu.memory_space<vmem>>, vector<32x32xf32>
    %get3A_520 = arith.constant 0 : index
    %get3A_521 = arith.constant 0 : index
    %get3A_522 = vector.load %arg19[%get3A_520, %get3A_521] : memref<1x32xf32, #tpu.memory_space<vmem>>, vector<1x32xf32>
    %get3A_523 = arith.constant 0 : index
    %get3A_524 = arith.constant 0 : index
    %get3A_525 = vector.load %arg20[%get3A_523, %get3A_524] : memref<64x32xf32, #tpu.memory_space<vmem>>, vector<64x32xf32>
    %get3A_526 = arith.constant 0 : index
    %get3A_527 = arith.constant 0 : index
    %get3A_528 = vector.load %arg21[%get3A_526, %get3A_527] : memref<1x32xf32, #tpu.memory_space<vmem>>, vector<1x32xf32>
    %dot_general3A_529 = arith.constant dense<0.000000e+00> : vector<64x32xf32>
    %dot_general3A_530 = tpu.matmul %concatenate3A_479, %get3A_507, %dot_general3A_529 {dimension_numbers = #tpu.dot_dimension_numbers<[1], [0], [0], [1], [0, 0, 1, 1], [], []>, transpose_lhs_hint = false} : vector<64x64xf32>, vector<64x32xf32>, vector<64x32xf32> -> vector<64x32xf32>
    %add3A_531 = vector.broadcast %get3A_510 : vector<1x32xf32> to vector<64x32xf32>
    %add3A_532 = arith.addf %dot_general3A_530, %add3A_531 : vector<64x32xf32>
    %max3A_533 = arith.constant 0.000000e+00 : f32
    %max3A_534 = vector.broadcast %max3A_533 : f32 to vector<64x32xf32>
    %max3A_535 = arith.maximumf %add3A_532, %max3A_534 : vector<64x32xf32>
    %dot_general3A_536 = arith.constant dense<0.000000e+00> : vector<64x32xf32>
    %dot_general3A_537 = tpu.matmul %max3A_535, %get3A_513, %dot_general3A_536 {dimension_numbers = #tpu.dot_dimension_numbers<[1], [0], [0], [1], [0, 0, 1, 1], [], []>, transpose_lhs_hint = false} : vector<64x32xf32>, vector<32x32xf32>, vector<64x32xf32> -> vector<64x32xf32>
    %add3A_538 = vector.broadcast %get3A_516 : vector<1x32xf32> to vector<64x32xf32>
    %add3A_539 = arith.addf %dot_general3A_537, %add3A_538 : vector<64x32xf32>
    %max3A_540 = arith.constant 0.000000e+00 : f32
    %max3A_541 = vector.broadcast %max3A_540 : f32 to vector<64x32xf32>
    %max3A_542 = arith.maximumf %add3A_539, %max3A_541 : vector<64x32xf32>
    %dot_general3A_543 = arith.constant dense<0.000000e+00> : vector<64x32xf32>
    %dot_general3A_544 = tpu.matmul %max3A_542, %get3A_519, %dot_general3A_543 {dimension_numbers = #tpu.dot_dimension_numbers<[1], [0], [0], [1], [0, 0, 1, 1], [], []>, transpose_lhs_hint = false} : vector<64x32xf32>, vector<32x32xf32>, vector<64x32xf32> -> vector<64x32xf32>
    %add3A_545 = vector.broadcast %get3A_522 : vector<1x32xf32> to vector<64x32xf32>
    %add3A_546 = arith.addf %dot_general3A_544, %add3A_545 : vector<64x32xf32>
    %max3A_547 = arith.constant 0.000000e+00 : f32
    %max3A_548 = vector.broadcast %max3A_547 : f32 to vector<64x32xf32>
    %max3A_549 = arith.maximumf %add3A_546, %max3A_548 : vector<64x32xf32>
    %dot_general3A_550 = arith.constant dense<0.000000e+00> : vector<64x32xf32>
    %dot_general3A_551 = tpu.matmul %concatenate3A_479, %get3A_525, %dot_general3A_550 {dimension_numbers = #tpu.dot_dimension_numbers<[1], [0], [0], [1], [0, 0, 1, 1], [], []>, transpose_lhs_hint = false} : vector<64x64xf32>, vector<64x32xf32>, vector<64x32xf32> -> vector<64x32xf32>
    %add3A_552 = arith.addf %max3A_549, %dot_general3A_551 : vector<64x32xf32>
    %add3A_553 = vector.broadcast %get3A_528 : vector<1x32xf32> to vector<64x32xf32>
    %add3A_554 = arith.addf %add3A_552, %add3A_553 : vector<64x32xf32>
    %get3A_555 = arith.constant 0 : index
    %get3A_556 = arith.constant 0 : index
    %get3A_557 = vector.load %arg22[%get3A_555, %get3A_556] : memref<32x32xf32, #tpu.memory_space<vmem>>, vector<32x32xf32>
    %get3A_558 = arith.constant 0 : index
    %get3A_559 = arith.constant 0 : index
    %get3A_560 = vector.load %arg23[%get3A_558, %get3A_559] : memref<1x32xf32, #tpu.memory_space<vmem>>, vector<1x32xf32>
    %get3A_561 = arith.constant 0 : index
    %get3A_562 = arith.constant 0 : index
    %get3A_563 = vector.load %arg24[%get3A_561, %get3A_562] : memref<32x32xf32, #tpu.memory_space<vmem>>, vector<32x32xf32>
    %get3A_564 = arith.constant 0 : index
    %get3A_565 = arith.constant 0 : index
    %get3A_566 = vector.load %arg25[%get3A_564, %get3A_565] : memref<1x32xf32, #tpu.memory_space<vmem>>, vector<1x32xf32>
    %get3A_567 = arith.constant 0 : index
    %get3A_568 = arith.constant 0 : index
    %get3A_569 = vector.load %arg26[%get3A_567, %get3A_568] : memref<32x32xf32, #tpu.memory_space<vmem>>, vector<32x32xf32>
    %get3A_570 = arith.constant 0 : index
    %get3A_571 = arith.constant 0 : index
    %get3A_572 = vector.load %arg27[%get3A_570, %get3A_571] : memref<1x32xf32, #tpu.memory_space<vmem>>, vector<1x32xf32>
    %get3A_573 = arith.constant 0 : index
    %get3A_574 = arith.constant 0 : index
    %get3A_575 = vector.load %arg28[%get3A_573, %get3A_574] : memref<32x32xf32, #tpu.memory_space<vmem>>, vector<32x32xf32>
    %get3A_576 = arith.constant 0 : index
    %get3A_577 = arith.constant 0 : index
    %get3A_578 = vector.load %arg29[%get3A_576, %get3A_577] : memref<1x32xf32, #tpu.memory_space<vmem>>, vector<1x32xf32>
    %dot_general3A_579 = arith.constant dense<0.000000e+00> : vector<10000x32xf32>
    %dot_general3A_580 = tpu.matmul %slice3A_5, %get3A_557, %dot_general3A_579 {dimension_numbers = #tpu.dot_dimension_numbers<[1], [0], [0], [1], [0, 0, 1, 1], [], []>, transpose_lhs_hint = false} : vector<10000x32xf32>, vector<32x32xf32>, vector<10000x32xf32> -> vector<10000x32xf32>
    %add3A_581 = vector.broadcast %get3A_560 : vector<1x32xf32> to vector<10000x32xf32>
    %add3A_582 = arith.addf %dot_general3A_580, %add3A_581 : vector<10000x32xf32>
    %max3A_583 = arith.constant 0.000000e+00 : f32
    %max3A_584 = vector.broadcast %max3A_583 : f32 to vector<10000x32xf32>
    %max3A_585 = arith.maximumf %add3A_582, %max3A_584 : vector<10000x32xf32>
    %dot_general3A_586 = arith.constant dense<0.000000e+00> : vector<10000x32xf32>
    %dot_general3A_587 = tpu.matmul %max3A_585, %get3A_563, %dot_general3A_586 {dimension_numbers = #tpu.dot_dimension_numbers<[1], [0], [0], [1], [0, 0, 1, 1], [], []>, transpose_lhs_hint = false} : vector<10000x32xf32>, vector<32x32xf32>, vector<10000x32xf32> -> vector<10000x32xf32>
    %add3A_588 = vector.broadcast %get3A_566 : vector<1x32xf32> to vector<10000x32xf32>
    %add3A_589 = arith.addf %dot_general3A_587, %add3A_588 : vector<10000x32xf32>
    %max3A_590 = arith.constant 0.000000e+00 : f32
    %max3A_591 = vector.broadcast %max3A_590 : f32 to vector<10000x32xf32>
    %max3A_592 = arith.maximumf %add3A_589, %max3A_591 : vector<10000x32xf32>
    %dot_general3A_593 = arith.constant dense<0.000000e+00> : vector<10000x32xf32>
    %dot_general3A_594 = tpu.matmul %max3A_592, %get3A_569, %dot_general3A_593 {dimension_numbers = #tpu.dot_dimension_numbers<[1], [0], [0], [1], [0, 0, 1, 1], [], []>, transpose_lhs_hint = false} : vector<10000x32xf32>, vector<32x32xf32>, vector<10000x32xf32> -> vector<10000x32xf32>
    %add3A_595 = vector.broadcast %get3A_572 : vector<1x32xf32> to vector<10000x32xf32>
    %add3A_596 = arith.addf %dot_general3A_594, %add3A_595 : vector<10000x32xf32>
    %max3A_597 = arith.constant 0.000000e+00 : f32
    %max3A_598 = vector.broadcast %max3A_597 : f32 to vector<10000x32xf32>
    %max3A_599 = arith.maximumf %add3A_596, %max3A_598 : vector<10000x32xf32>
    %dot_general3A_600 = arith.constant dense<0.000000e+00> : vector<10000x32xf32>
    %dot_general3A_601 = tpu.matmul %slice3A_5, %get3A_575, %dot_general3A_600 {dimension_numbers = #tpu.dot_dimension_numbers<[1], [0], [0], [1], [0, 0, 1, 1], [], []>, transpose_lhs_hint = false} : vector<10000x32xf32>, vector<32x32xf32>, vector<10000x32xf32> -> vector<10000x32xf32>
    %add3A_602 = arith.addf %max3A_599, %dot_general3A_601 : vector<10000x32xf32>
    %add3A_603 = vector.broadcast %get3A_578 : vector<1x32xf32> to vector<10000x32xf32>
    %add3A_604 = arith.addf %add3A_602, %add3A_603 : vector<10000x32xf32>
    %get3A_605 = arith.constant 0 : index
    %get3A_606 = arith.constant 0 : index
    %get3A_607 = vector.load %arg30[%get3A_605, %get3A_606] : memref<64x32xf32, #tpu.memory_space<vmem>>, vector<64x32xf32>
    %get3A_608 = arith.constant 0 : index
    %get3A_609 = arith.constant 0 : index
    %get3A_610 = vector.load %arg31[%get3A_608, %get3A_609] : memref<1x32xf32, #tpu.memory_space<vmem>>, vector<1x32xf32>
    %get3A_611 = arith.constant 0 : index
    %get3A_612 = arith.constant 0 : index
    %get3A_613 = vector.load %arg32[%get3A_611, %get3A_612] : memref<32x32xf32, #tpu.memory_space<vmem>>, vector<32x32xf32>
    %get3A_614 = arith.constant 0 : index
    %get3A_615 = arith.constant 0 : index
    %get3A_616 = vector.load %arg33[%get3A_614, %get3A_615] : memref<1x32xf32, #tpu.memory_space<vmem>>, vector<1x32xf32>
    %get3A_617 = arith.constant 0 : index
    %get3A_618 = arith.constant 0 : index
    %get3A_619 = vector.load %arg34[%get3A_617, %get3A_618] : memref<32x32xf32, #tpu.memory_space<vmem>>, vector<32x32xf32>
    %get3A_620 = arith.constant 0 : index
    %get3A_621 = arith.constant 0 : index
    %get3A_622 = vector.load %arg35[%get3A_620, %get3A_621] : memref<1x32xf32, #tpu.memory_space<vmem>>, vector<1x32xf32>
    %get3A_623 = arith.constant 0 : index
    %get3A_624 = arith.constant 0 : index
    %get3A_625 = vector.load %arg36[%get3A_623, %get3A_624] : memref<64x32xf32, #tpu.memory_space<vmem>>, vector<64x32xf32>
    %get3A_626 = arith.constant 0 : index
    %get3A_627 = arith.constant 0 : index
    %get3A_628 = vector.load %arg37[%get3A_626, %get3A_627] : memref<1x32xf32, #tpu.memory_space<vmem>>, vector<1x32xf32>
    %dot_general3A_629 = arith.constant dense<0.000000e+00> : vector<64x32xf32>
    %dot_general3A_630 = tpu.matmul %concatenate3A_236, %get3A_607, %dot_general3A_629 {dimension_numbers = #tpu.dot_dimension_numbers<[1], [0], [0], [1], [0, 0, 1, 1], [], []>, transpose_lhs_hint = false} : vector<64x64xf32>, vector<64x32xf32>, vector<64x32xf32> -> vector<64x32xf32>
    %add3A_631 = vector.broadcast %get3A_610 : vector<1x32xf32> to vector<64x32xf32>
    %add3A_632 = arith.addf %dot_general3A_630, %add3A_631 : vector<64x32xf32>
    %max3A_633 = arith.constant 0.000000e+00 : f32
    %max3A_634 = vector.broadcast %max3A_633 : f32 to vector<64x32xf32>
    %max3A_635 = arith.maximumf %add3A_632, %max3A_634 : vector<64x32xf32>
    %dot_general3A_636 = arith.constant dense<0.000000e+00> : vector<64x32xf32>
    %dot_general3A_637 = tpu.matmul %max3A_635, %get3A_613, %dot_general3A_636 {dimension_numbers = #tpu.dot_dimension_numbers<[1], [0], [0], [1], [0, 0, 1, 1], [], []>, transpose_lhs_hint = false} : vector<64x32xf32>, vector<32x32xf32>, vector<64x32xf32> -> vector<64x32xf32>
    %add3A_638 = vector.broadcast %get3A_616 : vector<1x32xf32> to vector<64x32xf32>
    %add3A_639 = arith.addf %dot_general3A_637, %add3A_638 : vector<64x32xf32>
    %max3A_640 = arith.constant 0.000000e+00 : f32
    %max3A_641 = vector.broadcast %max3A_640 : f32 to vector<64x32xf32>
    %max3A_642 = arith.maximumf %add3A_639, %max3A_641 : vector<64x32xf32>
    %dot_general3A_643 = arith.constant dense<0.000000e+00> : vector<64x32xf32>
    %dot_general3A_644 = tpu.matmul %max3A_642, %get3A_619, %dot_general3A_643 {dimension_numbers = #tpu.dot_dimension_numbers<[1], [0], [0], [1], [0, 0, 1, 1], [], []>, transpose_lhs_hint = false} : vector<64x32xf32>, vector<32x32xf32>, vector<64x32xf32> -> vector<64x32xf32>
    %add3A_645 = vector.broadcast %get3A_622 : vector<1x32xf32> to vector<64x32xf32>
    %add3A_646 = arith.addf %dot_general3A_644, %add3A_645 : vector<64x32xf32>
    %max3A_647 = arith.constant 0.000000e+00 : f32
    %max3A_648 = vector.broadcast %max3A_647 : f32 to vector<64x32xf32>
    %max3A_649 = arith.maximumf %add3A_646, %max3A_648 : vector<64x32xf32>
    %dot_general3A_650 = arith.constant dense<0.000000e+00> : vector<64x32xf32>
    %dot_general3A_651 = tpu.matmul %concatenate3A_236, %get3A_625, %dot_general3A_650 {dimension_numbers = #tpu.dot_dimension_numbers<[1], [0], [0], [1], [0, 0, 1, 1], [], []>, transpose_lhs_hint = false} : vector<64x64xf32>, vector<64x32xf32>, vector<64x32xf32> -> vector<64x32xf32>
    %add3A_652 = arith.addf %max3A_649, %dot_general3A_651 : vector<64x32xf32>
    %add3A_653 = vector.broadcast %get3A_628 : vector<1x32xf32> to vector<64x32xf32>
    %add3A_654 = arith.addf %add3A_652, %add3A_653 : vector<64x32xf32>
    %get3A_655 = arith.constant 0 : index
    %get3A_656 = arith.constant 0 : index
    %get3A_657 = vector.load %arg38[%get3A_655, %get3A_656] : memref<64x32xf32, #tpu.memory_space<vmem>>, vector<64x32xf32>
    %get3A_658 = arith.constant 0 : index
    %get3A_659 = arith.constant 0 : index
    %get3A_660 = vector.load %arg39[%get3A_658, %get3A_659] : memref<1x32xf32, #tpu.memory_space<vmem>>, vector<1x32xf32>
    %get3A_661 = arith.constant 0 : index
    %get3A_662 = arith.constant 0 : index
    %get3A_663 = vector.load %arg40[%get3A_661, %get3A_662] : memref<32x32xf32, #tpu.memory_space<vmem>>, vector<32x32xf32>
    %get3A_664 = arith.constant 0 : index
    %get3A_665 = arith.constant 0 : index
    %get3A_666 = vector.load %arg41[%get3A_664, %get3A_665] : memref<1x32xf32, #tpu.memory_space<vmem>>, vector<1x32xf32>
    %get3A_667 = arith.constant 0 : index
    %get3A_668 = arith.constant 0 : index
    %get3A_669 = vector.load %arg42[%get3A_667, %get3A_668] : memref<32x32xf32, #tpu.memory_space<vmem>>, vector<32x32xf32>
    %get3A_670 = arith.constant 0 : index
    %get3A_671 = arith.constant 0 : index
    %get3A_672 = vector.load %arg43[%get3A_670, %get3A_671] : memref<1x32xf32, #tpu.memory_space<vmem>>, vector<1x32xf32>
    %get3A_673 = arith.constant 0 : index
    %get3A_674 = arith.constant 0 : index
    %get3A_675 = vector.load %arg44[%get3A_673, %get3A_674] : memref<64x32xf32, #tpu.memory_space<vmem>>, vector<64x32xf32>
    %get3A_676 = arith.constant 0 : index
    %get3A_677 = arith.constant 0 : index
    %get3A_678 = vector.load %arg45[%get3A_676, %get3A_677] : memref<1x32xf32, #tpu.memory_space<vmem>>, vector<1x32xf32>
    %dot_general3A_679 = arith.constant dense<0.000000e+00> : vector<64x32xf32>
    %dot_general3A_680 = tpu.matmul %concatenate3A_479, %get3A_657, %dot_general3A_679 {dimension_numbers = #tpu.dot_dimension_numbers<[1], [0], [0], [1], [0, 0, 1, 1], [], []>, transpose_lhs_hint = false} : vector<64x64xf32>, vector<64x32xf32>, vector<64x32xf32> -> vector<64x32xf32>
    %add3A_681 = vector.broadcast %get3A_660 : vector<1x32xf32> to vector<64x32xf32>
    %add3A_682 = arith.addf %dot_general3A_680, %add3A_681 : vector<64x32xf32>
    %max3A_683 = arith.constant 0.000000e+00 : f32
    %max3A_684 = vector.broadcast %max3A_683 : f32 to vector<64x32xf32>
    %max3A_685 = arith.maximumf %add3A_682, %max3A_684 : vector<64x32xf32>
    %dot_general3A_686 = arith.constant dense<0.000000e+00> : vector<64x32xf32>
    %dot_general3A_687 = tpu.matmul %max3A_685, %get3A_663, %dot_general3A_686 {dimension_numbers = #tpu.dot_dimension_numbers<[1], [0], [0], [1], [0, 0, 1, 1], [], []>, transpose_lhs_hint = false} : vector<64x32xf32>, vector<32x32xf32>, vector<64x32xf32> -> vector<64x32xf32>
    %add3A_688 = vector.broadcast %get3A_666 : vector<1x32xf32> to vector<64x32xf32>
    %add3A_689 = arith.addf %dot_general3A_687, %add3A_688 : vector<64x32xf32>
    %max3A_690 = arith.constant 0.000000e+00 : f32
    %max3A_691 = vector.broadcast %max3A_690 : f32 to vector<64x32xf32>
    %max3A_692 = arith.maximumf %add3A_689, %max3A_691 : vector<64x32xf32>
    %dot_general3A_693 = arith.constant dense<0.000000e+00> : vector<64x32xf32>
    %dot_general3A_694 = tpu.matmul %max3A_692, %get3A_669, %dot_general3A_693 {dimension_numbers = #tpu.dot_dimension_numbers<[1], [0], [0], [1], [0, 0, 1, 1], [], []>, transpose_lhs_hint = false} : vector<64x32xf32>, vector<32x32xf32>, vector<64x32xf32> -> vector<64x32xf32>
    %add3A_695 = vector.broadcast %get3A_672 : vector<1x32xf32> to vector<64x32xf32>
    %add3A_696 = arith.addf %dot_general3A_694, %add3A_695 : vector<64x32xf32>
    %max3A_697 = arith.constant 0.000000e+00 : f32
    %max3A_698 = vector.broadcast %max3A_697 : f32 to vector<64x32xf32>
    %max3A_699 = arith.maximumf %add3A_696, %max3A_698 : vector<64x32xf32>
    %dot_general3A_700 = arith.constant dense<0.000000e+00> : vector<64x32xf32>
    %dot_general3A_701 = tpu.matmul %concatenate3A_479, %get3A_675, %dot_general3A_700 {dimension_numbers = #tpu.dot_dimension_numbers<[1], [0], [0], [1], [0, 0, 1, 1], [], []>, transpose_lhs_hint = false} : vector<64x64xf32>, vector<64x32xf32>, vector<64x32xf32> -> vector<64x32xf32>
    %add3A_702 = arith.addf %max3A_699, %dot_general3A_701 : vector<64x32xf32>
    %add3A_703 = vector.broadcast %get3A_678 : vector<1x32xf32> to vector<64x32xf32>
    %add3A_704 = arith.addf %add3A_702, %add3A_703 : vector<64x32xf32>
    %dot_general3A_705 = arith.constant dense<0.000000e+00> : vector<10000x64xf32>
    %dot_general3A_706 = tpu.matmul %add3A_604, %add3A_554, %dot_general3A_705 {dimension_numbers = #tpu.dot_dimension_numbers<[1], [1], [0], [0], [0, 0, 1, 0], [], []>, transpose_lhs_hint = false} : vector<10000x32xf32>, vector<64x32xf32>, vector<10000x64xf32> -> vector<10000x64xf32>
    %mul3A_707 = arith.mulf %dot_general3A_706, %convert_element_type3A_10 : vector<10000x64xf32>
    %neg3A = arith.constant 0.000000e+00 : f32
    %neg3A_708 = vector.broadcast %neg3A : f32 to vector<10000x64xf32>
    %neg3A_709 = arith.subf %neg3A_708, %mul3A_707 : vector<10000x64xf32>
    %custom_jvp_call3A = arith.constant 0.000000e+00 : f32
    %max3A_710 = vector.broadcast %custom_jvp_call3A : f32 to vector<10000x64xf32>
    %max3A_711 = arith.maximumf %neg3A_709, %max3A_710 : vector<10000x64xf32>
    %sub3A_712 = vector.broadcast %custom_jvp_call3A : f32 to vector<10000x64xf32>
    %sub3A_713 = arith.subf %neg3A_709, %sub3A_712 : vector<10000x64xf32>
    %ne3A = arith.cmpf one, %sub3A_713, %sub3A_713 : vector<10000x64xf32>
    %add3A_714 = vector.broadcast %custom_jvp_call3A : f32 to vector<10000x64xf32>
    %add3A_715 = arith.addf %neg3A_709, %add3A_714 : vector<10000x64xf32>
    %abs3A = math.absf %sub3A_713 : vector<10000x64xf32>
    %neg3A_716 = arith.constant 0.000000e+00 : f32
    %neg3A_717 = vector.broadcast %neg3A_716 : f32 to vector<10000x64xf32>
    %neg3A_718 = arith.subf %neg3A_717, %abs3A : vector<10000x64xf32>
    %exp3A_719 = math.exp %neg3A_718 : vector<10000x64xf32>
    %log1p3A = math.log1p %exp3A_719 : vector<10000x64xf32>
    %add3A_720 = arith.addf %max3A_711, %log1p3A : vector<10000x64xf32>
    %select_n3A_721 = arith.select %ne3A, %add3A_715, %add3A_720 : vector<10000x64xi1>, vector<10000x64xf32>
    %sub3A_722 = arith.constant 0.693147182 : f32
    %sub3A_723 = vector.broadcast %sub3A_722 : f32 to vector<10000x64xf32>
    %sub3A_724 = arith.subf %sub3A_723, %select_n3A_721 : vector<10000x64xf32>
    %reduce_sum3A_725 = vector.shape_cast %sub3A_724 : vector<10000x64xf32> to vector<1x10000x64xf32>
    %reduce_sum3A_726 = arith.constant dense<0.000000e+00> : vector<1xf32>
    %reduce_sum3A_727 = vector.multi_reduction <add>, %reduce_sum3A_725, %reduce_sum3A_726 [1, 2] : vector<1x10000x64xf32> to vector<1xf32>
    %reduce_sum3A_728 = vector.shape_cast %reduce_sum3A_727 : vector<1xf32> to vector<1x1x1xf32>
    %reduce_sum3A_729 = vector.extract %reduce_sum3A_728[0, 0, 0] : f32 from vector<1x1x1xf32>
    %div3A_730 = arith.constant 1.000000e+04 : f32
    %div3A_731 = arith.divf %reduce_sum3A_729, %div3A_730 : f32
    %sub3A_732 = arith.constant 1.000000e+00 : f32
    %sub3A_733 = vector.broadcast %sub3A_732 : f32 to vector<10000x64xf32>
    %sub3A_734 = arith.subf %sub3A_733, %convert_element_type3A_10 : vector<10000x64xf32>
    %mul3A_735 = arith.mulf %dot_general3A_706, %sub3A_734 : vector<10000x64xf32>
    %neg3A_736 = arith.constant 0.000000e+00 : f32
    %neg3A_737 = vector.broadcast %neg3A_736 : f32 to vector<10000x64xf32>
    %neg3A_738 = arith.subf %neg3A_737, %mul3A_735 : vector<10000x64xf32>
    %custom_jvp_call3A_739 = arith.constant 0.000000e+00 : f32
    %max3A_740 = vector.broadcast %custom_jvp_call3A_739 : f32 to vector<10000x64xf32>
    %max3A_741 = arith.maximumf %neg3A_738, %max3A_740 : vector<10000x64xf32>
    %sub3A_742 = vector.broadcast %custom_jvp_call3A_739 : f32 to vector<10000x64xf32>
    %sub3A_743 = arith.subf %neg3A_738, %sub3A_742 : vector<10000x64xf32>
    %ne3A_744 = arith.cmpf one, %sub3A_743, %sub3A_743 : vector<10000x64xf32>
    %add3A_745 = vector.broadcast %custom_jvp_call3A_739 : f32 to vector<10000x64xf32>
    %add3A_746 = arith.addf %neg3A_738, %add3A_745 : vector<10000x64xf32>
    %abs3A_747 = math.absf %sub3A_743 : vector<10000x64xf32>
    %neg3A_748 = arith.constant 0.000000e+00 : f32
    %neg3A_749 = vector.broadcast %neg3A_748 : f32 to vector<10000x64xf32>
    %neg3A_750 = arith.subf %neg3A_749, %abs3A_747 : vector<10000x64xf32>
    %exp3A_751 = math.exp %neg3A_750 : vector<10000x64xf32>
    %log1p3A_752 = math.log1p %exp3A_751 : vector<10000x64xf32>
    %add3A_753 = arith.addf %max3A_741, %log1p3A_752 : vector<10000x64xf32>
    %select_n3A_754 = arith.select %ne3A_744, %add3A_746, %add3A_753 : vector<10000x64xi1>, vector<10000x64xf32>
    %add3A_755 = arith.addf %select_n3A_754, %mul3A_735 : vector<10000x64xf32>
    %sub3A_756 = arith.constant 0.693147182 : f32
    %sub3A_757 = vector.broadcast %sub3A_756 : f32 to vector<10000x64xf32>
    %sub3A_758 = arith.subf %add3A_755, %sub3A_757 : vector<10000x64xf32>
    %reduce_sum3A_759 = vector.shape_cast %sub3A_758 : vector<10000x64xf32> to vector<1x10000x64xf32>
    %reduce_sum3A_760 = arith.constant dense<0.000000e+00> : vector<1xf32>
    %reduce_sum3A_761 = vector.multi_reduction <add>, %reduce_sum3A_759, %reduce_sum3A_760 [1, 2] : vector<1x10000x64xf32> to vector<1xf32>
    %reduce_sum3A_762 = vector.shape_cast %reduce_sum3A_761 : vector<1xf32> to vector<1x1x1xf32>
    %reduce_sum3A_763 = vector.extract %reduce_sum3A_762[0, 0, 0] : f32 from vector<1x1x1xf32>
    %div3A_764 = arith.constant 6.300000e+05 : f32
    %div3A_765 = arith.divf %reduce_sum3A_763, %div3A_764 : f32
    %sub3A_766 = arith.subf %div3A_765, %div3A_731 : f32
    %broadcast_in_dim3A_767 = vector.broadcast %sub3A_766 : f32 to vector<1x1xf32>
    %swap3A_768 = arith.constant 0 : index
    %swap3A_769 = arith.constant 0 : index
    %swap3A_770 = vector.load %arg47[%swap3A_768, %swap3A_769] : memref<1x1xf32, #tpu.memory_space<vmem>>, vector<1x1xf32>
    tpu.vector_store %arg47[%swap3A_768, %swap3A_769], %broadcast_in_dim3A_767 {strides = array<i32>} : memref<1x1xf32, #tpu.memory_space<vmem>>, vector<1x1xf32>,
    %dot_general3A_771 = arith.constant dense<0.000000e+00> : vector<64x64xf32>
    %dot_general3A_772 = tpu.matmul %add3A_654, %add3A_704, %dot_general3A_771 {dimension_numbers = #tpu.dot_dimension_numbers<[1], [1], [0], [0], [0, 0, 1, 0], [], []>, transpose_lhs_hint = false} : vector<64x32xf32>, vector<64x32xf32>, vector<64x64xf32> -> vector<64x64xf32>
    %iota3A_773 = tpu.iota {dimensions = array<i32: 0>} : vector<64x64xi32>
    %iota3A_774 = tpu.iota {dimensions = array<i32: 1>} : vector<64x64xi32>
    %eq3A_775 = arith.cmpi eq, %iota3A_773, %iota3A_774 : vector<64x64xi32>
    %convert_element_type3A_776 = arith.extui %eq3A_775 : vector<64x64xi1> to vector<64x64xi32>
    %convert_element_type3A_777 = arith.sitofp %convert_element_type3A_776 : vector<64x64xi32> to vector<64x64xf32>
    %mul3A_778 = arith.mulf %dot_general3A_772, %convert_element_type3A_777 : vector<64x64xf32>
    %neg3A_779 = arith.constant 0.000000e+00 : f32
    %neg3A_780 = vector.broadcast %neg3A_779 : f32 to vector<64x64xf32>
    %neg3A_781 = arith.subf %neg3A_780, %mul3A_778 : vector<64x64xf32>
    %custom_jvp_call3A_782 = arith.constant 0.000000e+00 : f32
    %max3A_783 = vector.broadcast %custom_jvp_call3A_782 : f32 to vector<64x64xf32>
    %max3A_784 = arith.maximumf %neg3A_781, %max3A_783 : vector<64x64xf32>
    %sub3A_785 = vector.broadcast %custom_jvp_call3A_782 : f32 to vector<64x64xf32>
    %sub3A_786 = arith.subf %neg3A_781, %sub3A_785 : vector<64x64xf32>
    %ne3A_787 = arith.cmpf one, %sub3A_786, %sub3A_786 : vector<64x64xf32>
    %add3A_788 = vector.broadcast %custom_jvp_call3A_782 : f32 to vector<64x64xf32>
    %add3A_789 = arith.addf %neg3A_781, %add3A_788 : vector<64x64xf32>
    %abs3A_790 = math.absf %sub3A_786 : vector<64x64xf32>
    %neg3A_791 = arith.constant 0.000000e+00 : f32
    %neg3A_792 = vector.broadcast %neg3A_791 : f32 to vector<64x64xf32>
    %neg3A_793 = arith.subf %neg3A_792, %abs3A_790 : vector<64x64xf32>
    %exp3A_794 = math.exp %neg3A_793 : vector<64x64xf32>
    %log1p3A_795 = math.log1p %exp3A_794 : vector<64x64xf32>
    %add3A_796 = arith.addf %max3A_784, %log1p3A_795 : vector<64x64xf32>
    %select_n3A_797 = arith.select %ne3A_787, %add3A_789, %add3A_796 : vector<64x64xi1>, vector<64x64xf32>
    %sub3A_798 = arith.constant 0.693147182 : f32
    %sub3A_799 = vector.broadcast %sub3A_798 : f32 to vector<64x64xf32>
    %sub3A_800 = arith.subf %sub3A_799, %select_n3A_797 : vector<64x64xf32>
    %reduce_sum3A_801 = vector.shape_cast %sub3A_800 : vector<64x64xf32> to vector<1x64x64xf32>
    %reduce_sum3A_802 = arith.constant dense<0.000000e+00> : vector<1xf32>
    %reduce_sum3A_803 = vector.multi_reduction <add>, %reduce_sum3A_801, %reduce_sum3A_802 [1, 2] : vector<1x64x64xf32> to vector<1xf32>
    %reduce_sum3A_804 = vector.shape_cast %reduce_sum3A_803 : vector<1xf32> to vector<1x1x1xf32>
    %reduce_sum3A_805 = vector.extract %reduce_sum3A_804[0, 0, 0] : f32 from vector<1x1x1xf32>
    %div3A_806 = arith.constant 6.400000e+01 : f32
    %div3A_807 = arith.divf %reduce_sum3A_805, %div3A_806 : f32
    %sub3A_808 = arith.constant 1.000000e+00 : f32
    %sub3A_809 = vector.broadcast %sub3A_808 : f32 to vector<64x64xf32>
    %sub3A_810 = arith.subf %sub3A_809, %convert_element_type3A_777 : vector<64x64xf32>
    %mul3A_811 = arith.mulf %dot_general3A_772, %sub3A_810 : vector<64x64xf32>
    %neg3A_812 = arith.constant 0.000000e+00 : f32
    %neg3A_813 = vector.broadcast %neg3A_812 : f32 to vector<64x64xf32>
    %neg3A_814 = arith.subf %neg3A_813, %mul3A_811 : vector<64x64xf32>
    %custom_jvp_call3A_815 = arith.constant 0.000000e+00 : f32
    %max3A_816 = vector.broadcast %custom_jvp_call3A_815 : f32 to vector<64x64xf32>
    %max3A_817 = arith.maximumf %neg3A_814, %max3A_816 : vector<64x64xf32>
    %sub3A_818 = vector.broadcast %custom_jvp_call3A_815 : f32 to vector<64x64xf32>
    %sub3A_819 = arith.subf %neg3A_814, %sub3A_818 : vector<64x64xf32>
    %ne3A_820 = arith.cmpf one, %sub3A_819, %sub3A_819 : vector<64x64xf32>
    %add3A_821 = vector.broadcast %custom_jvp_call3A_815 : f32 to vector<64x64xf32>
    %add3A_822 = arith.addf %neg3A_814, %add3A_821 : vector<64x64xf32>
    %abs3A_823 = math.absf %sub3A_819 : vector<64x64xf32>
    %neg3A_824 = arith.constant 0.000000e+00 : f32
    %neg3A_825 = vector.broadcast %neg3A_824 : f32 to vector<64x64xf32>
    %neg3A_826 = arith.subf %neg3A_825, %abs3A_823 : vector<64x64xf32>
    %exp3A_827 = math.exp %neg3A_826 : vector<64x64xf32>
    %log1p3A_828 = math.log1p %exp3A_827 : vector<64x64xf32>
    %add3A_829 = arith.addf %max3A_817, %log1p3A_828 : vector<64x64xf32>
    %select_n3A_830 = arith.select %ne3A_820, %add3A_822, %add3A_829 : vector<64x64xi1>, vector<64x64xf32>
    %add3A_831 = arith.addf %select_n3A_830, %mul3A_811 : vector<64x64xf32>
    %sub3A_832 = arith.constant 0.693147182 : f32
    %sub3A_833 = vector.broadcast %sub3A_832 : f32 to vector<64x64xf32>
    %sub3A_834 = arith.subf %add3A_831, %sub3A_833 : vector<64x64xf32>
    %reduce_sum3A_835 = vector.shape_cast %sub3A_834 : vector<64x64xf32> to vector<1x64x64xf32>
    %reduce_sum3A_836 = arith.constant dense<0.000000e+00> : vector<1xf32>
    %reduce_sum3A_837 = vector.multi_reduction <add>, %reduce_sum3A_835, %reduce_sum3A_836 [1, 2] : vector<1x64x64xf32> to vector<1xf32>
    %reduce_sum3A_838 = vector.shape_cast %reduce_sum3A_837 : vector<1xf32> to vector<1x1x1xf32>
    %reduce_sum3A_839 = vector.extract %reduce_sum3A_838[0, 0, 0] : f32 from vector<1x1x1xf32>
    %div3A_840 = arith.constant 4.032000e+03 : f32
    %div3A_841 = arith.divf %reduce_sum3A_839, %div3A_840 : f32
    %sub3A_842 = arith.subf %div3A_841, %div3A_807 : f32
    %broadcast_in_dim3A_843 = vector.broadcast %sub3A_842 : f32 to vector<1x1xf32>
    %swap3A_844 = arith.constant 0 : index
    %swap3A_845 = arith.constant 0 : index
    %swap3A_846 = vector.load %arg48[%swap3A_844, %swap3A_845] : memref<1x1xf32, #tpu.memory_space<vmem>>, vector<1x1xf32>
    tpu.vector_store %arg48[%swap3A_844, %swap3A_845], %broadcast_in_dim3A_843 {strides = array<i32>} : memref<1x1xf32, #tpu.memory_space<vmem>>, vector<1x1xf32>,
    return
  }
}

</mosaic_0001>

<sc_bundles>
// kernel: kernel.17.cloned.1.call-start
scs
__scs_entry_jumppad:
0x0: {  	(pc) =	sbr.rel $0x88, $3  }
0x1: {  	(tag) =	ssettag $0x0;
	lr =	simm.s32 $0x1  }
0x2: {  	[smem:$0x3F5B] =	sst lr;
	_ =	strace $0xD0000000  }
0x3: {  	_ = 	snop  }
0x4: {  	_ = 	snop  }
0x5: {  	_ = 	snop  }
0x6: {  	_ = 	snop  }
0x7: {  	_ = 	snop  }
__scs_overlays_trampoline_lowered:
0x8: {  	[smem:$0x3F6A] =	sst s0  }
0x9: {  	[smem:$0x3F6B] =	sst s1  }
0xa: {  	[smem:$0x3F6C] =	sst s2  }
0xb: {  	[smem:$0x3F6D] =	sst s3  }
0xc: {  	[smem:$0x3F6E] =	sst s4  }
0xd: {  	[smem:$0x3F6F] =	sst s5  }
0xe: {  	[smem:$0x3F70] =	sst s6  }
0xf: {  	[smem:$0x3F71] =	sst s7  }
0x10: {  	[smem:$0x3F72] =	sst s8  }
0x11: {  	[smem:$0x3F73] =	sst s9;
	s0 =	simm.s32 @!p0 $0x0  }
0x12: {  	s1 =	sld [smem:$0x3F59];
	s0 =	simm.s32 @p0 $0x1  }
0x13: {  	[smem:$0x3F74] =	sst s0;
	s0 =	simm.s32 @!p1 $0x0  }
0x14: {  	s2 =	sld [smem:$0x3F58];
	s0 =	simm.s32 @p1 $0x1  }
0x15: {  	[smem:$0x3F75] =	sst s0;
	s0 =	simm.s32 @!p2 $0x0  }
0x16: {  	s3 =	sld [smem:$0x3FDB];
	s0 =	simm.s32 @p2 $0x1  }
0x17: {  	s4 =	simm.s32 $0x1BF5;
	[smem:$0x3F77] =	sst s0  }
0x18: {  	s0 =	sld [smem:$0x3F5A];
	_ =	swait.ge [sflag:s4], $0x0  }
0x19: {  	s7 =	sld [smem:$0x3F5B]  }
0x1a: {  	s8 =	sadd.s32 $0xFFFFE003, lr  }
0x1b: {  	s9 =	sadd.s32 $0xFFFFFEF7, lr;
	s5 =	simm.s32 $0xFFFFFFFF;
	p2 =	slt.u32 s8, $0xFFFFF086  }
0x1c: {  	p1 =	slt.u32 s9, $0xF7A;
	s5 =	simm.s32 @!p2 $0x0  }
0x1d: {  	s5 =	simm.s32 @p1 $0x1;
	p0 =	seq.s32 s7, s2  }
0x1e: {  	s7 =	smul.u32 @!p0 $0xF7A, s2;
	p2 =	seq.s32 @!p0 s5, $0x0  }
0x1f: {  	s9 =	smul.u32 $0xF7A, s1;
	s8 =	simm.s32 @!p0 $0x1BF5;
	p2 =	por !p2, p0  }
0x20: {  	[sflag:s8] =	ssyncset.s32 @!p0 $0xFFFFF086;
	s6 =	sadd.s32 @!p0 s3, s7;
	s7 =	simm.s32 @!p0 $0x108  }
0x21: {  	s3 =	sadd.s32 s3, s9;
	s6 =	sadd.s32 @!p0 $0x88, s6;
	s7 =	simm.s32 @p2 $0x1082  }
0x22: {  	[simem:s7], [sflag:s8] =	dma.local @!p0 [hbm:s6], $0xF7A  }
0x23: {  	s9 =	sor.u32 $0xD0000000, s2;
	s6 =	simm.s32 $0x108;
	_ =	swait.ge @!p0 [sflag:s8], $0x0  }
0x24: {  	s3 =	sadd.s32 $0x88, s3;
	s6 =	simm.s32 @!p1 $0x1082;
	[sflag:s4] =	ssyncset.s32 $0xFFFFF086  }
0x25: {  	[simem:s6], [sflag:s4] =	dma.local [hbm:s3], $0xF7A  }
0x26: {  	[smem:$0x3F5B] =	sst s1;
	(tag) =	ssettag s2;
	_ =	strace s9  }
0x27: {  	s1 =	sld [smem:$0x3F6B]  }
0x28: {  	s2 =	sld [smem:$0x3F6C]  }
0x29: {  	s4 =	sld [smem:$0x3F6E]  }
0x2a: {  	p0 =	seq.s32 s5, $0x0;
	s5 =	sld [smem:$0x3F6F]  }
0x2b: {  	s6 =	sld [smem:$0x3F70]  }
0x2c: {  	s7 =	sld [smem:$0x3F71]  }
0x2d: {  	s3 =	simm.s32 $0x108;
	s8 =	sld [smem:$0x3F72]  }
0x2e: {  	s3 =	simm.s32 @!p0 $0x1082;
	s9 =	sld [smem:$0x3F73]  }
0x2f: {  	lr =	sadd.s32 s0, s3;
	s0 =	sld [smem:$0x3F6A]  }
0x30: {  	s3 =	sld [smem:$0x3F6D]  }
0x31: {  	[smem:$0x3F76] =	sst s10  }
0x32: {  	s10 =	sld [smem:$0x3F74];
	_ =	sdelay $0x3  }
0x33: {  	p0 =	seq.s32 s10, $0x1;
	s10 =	sld [smem:$0x3F76];
	_ =	sdelay $0x3  }
0x34: {  	[smem:$0x3F76] =	sst s10  }
0x35: {  	s10 =	sld [smem:$0x3F75];
	_ =	sdelay $0x3  }
0x36: {  	p1 =	seq.s32 s10, $0x1;
	s10 =	sld [smem:$0x3F76];
	_ =	sdelay $0x3  }
0x37: {  	[smem:$0x3F76] =	sst s10  }
0x38: {  	s10 =	sld [smem:$0x3F77]  }
0x39: {  	_ = 	snop;
	(pc) =	sbr.ind lr, $3  }
0x3a: {  	_ = 	snop  }
0x3b: {  	_ = 	snop  }
0x3c: {  	p2 =	seq.s32 s10, $0x1;
	s10 =	sld [smem:$0x3F76]  }
0x3d: {  	_ =	shalt  }
0x3e: {  	_ =	shalt  }
0x3f: {  	_ =	shalt  }
0x40: {  	_ =	shalt  }
0x41: {  	_ =	shalt  }
0x42: {  	_ =	shalt  }
0x43: {  	_ =	shalt  }
0x44: {  	_ =	shalt  }
0x45: {  	_ =	shalt  }
0x46: {  	_ =	shalt  }
0x47: {  	_ =	shalt  }
0x48: {  	_ =	shalt  }
0x49: {  	_ =	shalt  }
0x4a: {  	_ =	shalt  }
0x4b: {  	_ =	shalt  }
0x4c: {  	_ =	shalt  }
0x4d: {  	_ =	shalt  }
0x4e: {  	_ =	shalt  }
0x4f: {  	_ =	shalt  }
0x50: {  	_ =	shalt  }
0x51: {  	_ =	shalt  }
0x52: {  	_ =	shalt  }
0x53: {  	_ =	shalt  }
0x54: {  	_ =	shalt  }
0x55: {  	_ =	shalt  }
0x56: {  	_ =	shalt  }
0x57: {  	_ =	shalt  }
0x58: {  	_ =	shalt  }
0x59: {  	_ =	shalt  }
0x5a: {  	_ =	shalt  }
0x5b: {  	_ =	shalt  }
0x5c: {  	_ =	shalt  }
0x5d: {  	_ =	shalt  }
0x5e: {  	_ =	shalt  }
0x5f: {  	_ =	shalt  }
0x60: {  	_ =	shalt  }
0x61: {  	_ =	shalt  }
0x62: {  	_ =	shalt  }
0x63: {  	_ =	shalt  }
0x64: {  	_ =	shalt  }
0x65: {  	_ =	shalt  }
0x66: {  	_ =	shalt  }
0x67: {  	_ =	shalt  }
0x68: {  	_ =	shalt  }
0x69: {  	_ =	shalt  }
0x6a: {  	_ =	shalt  }
0x6b: {  	_ =	shalt  }
0x6c: {  	_ =	shalt  }
0x6d: {  	_ =	shalt  }
0x6e: {  	_ =	shalt  }
0x6f: {  	_ =	shalt  }
0x70: {  	_ =	shalt  }
0x71: {  	_ =	shalt  }
0x72: {  	_ =	shalt  }
0x73: {  	_ =	shalt  }
0x74: {  	_ =	shalt  }
0x75: {  	_ =	shalt  }
0x76: {  	_ =	shalt  }
0x77: {  	_ =	shalt  }
0x78: {  	_ =	shalt  }
0x79: {  	_ =	shalt  }
0x7a: {  	_ =	shalt  }
0x7b: {  	_ =	shalt  }
0x7c: {  	_ =	shalt  }
0x7d: {  	_ =	shalt  }
0x7e: {  	_ =	shalt  }
0x7f: {  	_ =	shalt  }
0x80: {  	_ =	shalt  }
0x81: {  	_ =	shalt  }
0x82: {  	_ =	shalt  }
0x83: {  	_ =	shalt  }
0x84: {  	_ =	shalt  }
0x85: {  	_ =	shalt  }
0x86: {  	_ =	shalt  }
0x87: {  	_ =	shalt  }
.Lfunc_end0:
.L_simem_size_0:
called_computation_lowered:
.L_overlay_start_0:
0x88: {  	s2 =	sld [smem:$0x3FD9]  }
0x89: {  	s3 =	sld [smem:$0x3FFE];
	_ =	sdelay $0x1  }
0x8a: {  	s1 =	srdreg.scid  }
0x8b: {  	s0 =	sand.u32 $0x1, s1  }
0x8c: {  	s17 =	sshll.u32 s0, $0xA;
	s2 =	sadd.s32 s3, s2  }
0x8d: {  	s2 =	sadd.s32 s2, s17  }
0x8e: {  	[smem:$0x3F82] =	sst s2  }
0x8f: {  	_ = 	snop  }
0x90: {  	(tm) =	ssettm $0x1  }
0x91: {  	s18 =	sld [smem:$0x3FFB];
	_ =	sdelay $0x3  }
0x92: {  	_ =	strace s18  }
0x93: {  	s2 =	sld [smem:$0x3FFC];
	_ =	sdelay $0x3  }
0x94: {  	_ =	strace s2  }
0x95: {  	s2 =	sld [smem:$0x3FFD];
	_ =	sdelay $0x3  }
0x96: {  	_ =	strace s2  }
0x97: {  	_ =	strace $0x8FFFFFFF  }
0x98: {  	s19 =	sld [smem:$0x3FDB];
	_ =	sdelay $0x1  }
0x99: {  	s20 =	simm.s32 $_scs_section_size  }
0x9a: {  	s4 =	simm.s32 $_size__tile_overlayer_lowered;
	s5 =	simm.s32 $_tile_overlayer_lowered  }
0x9b: {  	s6 =	simm.s32 $0x1BFF;
	s21 =	sshll.u32 s5, $0x1;
	s3 =	sadd.s32 s20, s19  }
0x9c: {  	s22 =	simm.s32 $0x0;
	s4 =	sshll.u32 s4, $0x1;
	s5 =	sadd.s32 s21, s3  }
0x9d: {  	[timem:s22], [sflag:s6] =	dma.local [hbm:s5], s4  }
0x9e: {  	_ =	swait.ge [sflag:s6], s4  }
0x9f: {  	s4 =	ssub.s32 $0x0, s4;
	[sflag:s6] =	ssyncset.done $0x0  }
0xa0: {  	[sflag:s6] =	ssyncadd.s32 s4;
	_ =	sdelay $0x1  }
0xa1: {  	s23 =	simm.s32 $0x1B8B  }
0xa2: {  	_ =	swait.ge [sflag:s23], $0x1  }
0xa3: {  	[sflag:s23] =	ssyncset.done $0x0  }
0xa4: {  	[sflag:s23] =	ssyncadd.s32 $0xFFFFFFFF  }
0xa5: {  	s4 =	sld [smem:$0x0]  }
0xa6: {  	s5 =	sand.u32 $0xFFFFFFFE, s1  }
0xa7: {  	p0 =	sne.s32 s1, s5  }
0xa8: {  	s5 =	sshll.u32 @p0 s5, $0xE  }
0xa9: {  	s5 =	sadd.s32 @p0 $0x11B8D, s5;
	s6 =	sshll.u32 @p0 s4, $0x11  }
0xaa: {  	s5 =	sor.u32 @p0 s6, s5  }
0xab: {  	[sflag:s5] =	ssyncadd.remote.s32 @p0 $0x1;
	_ =	sdelay $0x1  }
0xac: {  	s5 =	simm.s32 @p0 $0x1B8D  }
0xad: {  	_ =	swait.eq @p0 [sflag:s5], $0x1  }
0xae: {  	[sflag:s5] =	ssyncadd.s32 @p0 $0xFFFFFFFF  }
0xaf: {  	s6 =	sshll.u32 @!p0 s1, $0xE  }
0xb0: {  	s6 =	sor.u32 @!p0 $0x4000, s6;
	s5 =	simm.s32 @!p0 $0x1B8D  }
0xb1: {  	s4 =	sshll.u32 @!p0 s4, $0x11;
	s6 =	sadd.s32 @!p0 $0x11B8D, s6;
	_ =	swait.eq @!p0 [sflag:s5], $0x1  }
0xb2: {  	s4 =	sor.u32 @!p0 s4, s6;
	[sflag:s5] =	ssyncadd.s32 @!p0 $0xFFFFFFFF  }
0xb3: {  	s25 =	simm.s32 $0x1B8E;
	s24 =	sld [smem:$0x3FFE];
	[sflag:s4] =	ssyncadd.remote.s32 @!p0 $0x1  }
0xb4: {  	s26 =	simm.s32 $execute0_lowered;
	[smem:$0x3FD2] =	sst s25  }
0xb5: {  	s5 =	sshll.u32 s26, $0x1;
	_ =	strace $0x80000049;
	[dreg:$0x1] =	wrdreg $0xFFFFFFFF  }
0xb6: {  	s28 =	simm.s32 $_size_execute0_lowered;
	s3 =	sadd.s32 s3, s5;
	[dreg:$0x0] =	wrdreg $0x0  }
0xb7: {  	s5 =	sshll.u32 s28, $0x1;
	[dreg:$0x2] =	wrdreg s3  }
0xb8: {  	[dreg:$0x3] =	wrdreg s5  }
0xb9: {  	[dreg:$0x4] =	wrdreg $0xC0  }
0xba: {  	_ =	task [dreg:s22], $0x5FFFF  }
0xbb: {  	[dreg:$0x1] =	wrdreg $0xFFFFFFFF  }
0xbc: {  	[dreg:$0x0] =	wrdreg $0x60  }
0xbd: {  	[dreg:$0x2] =	wrdreg s24  }
0xbe: {  	[dreg:$0x3] =	wrdreg $0x1C000  }
0xbf: {  	[dreg:$0x4] =	wrdreg $0x9  }
0xc0: {  	_ =	task.clear_ibuf [dreg:s22], $0x5FFFF;
	_ =	strace $0x90000049  }
0xc1: {  	s29 =	simm.s32 $0x9;
	_ =	strace $0x8000004B  }
0xc2: {  	_ =	swait.ge [sflag:s29], $0x1  }
0xc3: {  	[sflag:s29] =	ssyncadd.s32 $0xFFFFFFFF  }
0xc4: {  	_ =	strace $0x9000004B  }
0xc5: {  	_ =	sfence  }
0xc6: {  	s30 =	sld [smem:$0x0];
	_ =	sdelay $0x2  }
0xc7: {  	s31 =	sshll.u32 s1, $0xD;
	s1 =	sshrl.u32 s1, $0x2  }
0xc8: {  	s4 =	sand.u32 $0x4000, s31;
	s1 =	sadd.s32 s1, s30  }
0xc9: {  	s0 =	sor.u32 s4, s0;
	s1 =	sshll.u32 s1, $0x11  }
0xca: {  	s0 =	sor.u32 s1, s0  }
0xcb: {  	s0 =	sadd.s32 $0x8F2B, s0  }
0xcc: {  	[sflag:s0] =	ssyncadd.remote.s32 $0x1  }
0xcd: {  	_ =	sfence.sel $0xFFFF  }
0xce: {  	[dreg:$0x0] =	wrdreg $0xFFFFFFFF;
	(pc) =	sbr.abs _section_cstart, $3  }
0xcf: {  	[dreg:$0x1] =	wrdreg $0xFFFFFFFF  }
0xd0: {  	_ =	task.clear_ibuf [dreg:s22], $0x2FFFF;
	_ =	strace $0x9FFFFFFF  }
0xd1: {  	(tm) =	ssettm $0x7FFFFFFF  }
tec
execute0_lowered:
.L_overlay_start_1:
0x0: {  	(tag) =	ssettag $0x1  }
0x1: {  	s1 =	srdreg.scid;
	s7 =	rddreg [dreg:$0x0]  }
0x2: {  	s0 =	stileid.u32;
	s2 =	rddreg [dreg:$0x1]  }
0x3: {  	s3 =	simm.s32 $0x0;
	s13 =	simm.s32 $0x80;
	s14 =	simm.s32 $0x0  }
0x4: {  	s6 =	sand.u32 $0x1, s1;
	s30 =	sshll.u32 s0, $0x1;
	s8 =	smul.u32 $0x2800, s0  }
0x5: {  	[smem:$0x7FF] =	sst s3;
	s5 =	sadd.s32 $0x195800, s7;
	s12 =	sshll.u32 s0, $0x6  }
0x6: {  	s1 =	sor.u32 s6, s30;
	s9 =	smul.u32 $0x28000, s6;
	s6 =	ssub.s32 $0x2, s6  }
0x7: {  	s4 =	smul.u32 $0x280, s1;
	s1 =	rddreg [dreg:$0x2];
	_ =	strace $0x8000004A  }
0x8: {  	s11 =	sshrl.u32 s6, $0x1;
	s31 =	sadd.s32 s8, s2;
	s9 =	sadd.s32 s8, s9  }
0x9: {  	s11 =	ssub.s32 s6, s11;
	s6 =	sor.u32 $0x1C01, s12;
	s12 =	simm.s32 $0x1400  }
0xa: {  	s10 =	sadd.s32 s4, s7;
	s4 =	sadd.s32 $0x195200, s7;
	s9 =	sshrl.u32 s9, $0x3  }
0xb: {  	s9 =	sadd.s32 s9, s7;
	s7 =	sadd.s32 $0x190200, s10;
	s10 =	sshrl.u32 s31, $0x3  }
0xc: {  	s8 =	sadd.s32 $0x195A00, s9;
	s9 =	smax.u32 s11, $0x1;
	s11 =	simm.s32 $0x1  }
.LBB2_1:
0xd: {  	[spmem:s10], [sflag:s6] =	dma.local [hbm:s4], $0x500  }
0xe: {  	_ =	swait.ge [sflag:s11], $0x500  }
0xf: {  	[sflag:s11] =	ssyncset.done $0x0  }
0x10: {  	[sflag:s11] =	ssyncadd.s32 $0xFFFFFB00  }
0x11: {  	[tilespmem:s3], [sflag:$0x1] =	stream.linear.gather [hbm4b:s7+s3], $0x1400, $0x38;
	[tilespmem:$0x4400] =	vst v63  }
0x12: {  	_ =	swait.ge [sflag:s11], $0x1400  }
0x13: {  	[sflag:s11] =	ssyncset.done $0x0  }
0x14: {  	[sflag:s11] =	ssyncadd.s32 $0xFFFFEC00  }
0x15: {  	[tilespmem:s12], [sflag:$0x1] =	stream.linear.gather [hbm4b:s5+s3], $0x800, $0x38;
	[tilespmem:$0x4400] =	vst v63  }
0x16: {  	_ =	swait.ge [sflag:s11], $0x800  }
0x17: {  	[sflag:s11] =	ssyncset.done $0x0  }
0x18: {  	[sflag:s11] =	ssyncadd.s32 $0xFFFFF800  }
0x19: {  	s15 =	simm.s32 $0x0;
	[bflag:$0x0] =	sbarrier.arrive $0xFFFF  }
0x1a: {  	[spmem:s2] =	stream.indirect.scatter.add.f32 [tilespmem:s12], [sflag:$0x1], $0x10, s15, s13, $0xb8;
	[tilespmem:$0x4400] =	vst v63  }
0x1b: {  	_ =	swait.ge [sflag:s11], $0x800  }
0x1c: {  	s15 =	simm.s32 $0x200;
	[sflag:s11] =	ssyncset.done $0x0  }
.LBB2_2:
0x1d: {  	s16 =	sshra.s32 s15, $0x2;
	[sflag:s11] =	ssyncadd.s32 $0xFFFFF800;
	p0 =	sne.s32 s15, $0x4E00  }
0x1e: {  	[spmem:s2] =	stream.indirect.scatter.add.f32 [tilespmem:s12], [sflag:$0x1], $0x10, s16, s13, $0xb8;
	[tilespmem:$0x4400] =	vst v63  }
.Ltmp0:
0x1f: {  	_ = 	snop;
	(pc) =	sbr.rel @p0 .LBB2_2-.Ltmp0, $4  }
0x20: {  	_ = 	snop  }
0x21: {  	s15 =	sadd.s32 $0x200, s15  }
0x22: {  	_ =	swait.ge [sflag:s11], $0x800  }
0x23: {  	[sflag:s11] =	ssyncset.done $0x0  }
0x24: {  	s14 =	sadd.s32 $0x1, s14  }
0x25: {  	[sflag:s11] =	ssyncadd.s32 $0xFFFFF800;
	p0 =	sne.s32 s14, s9  }
.Ltmp1:
0x26: {  	[bflag:$0x0] =	sbarrier.arrive $0xFFFF;
	(pc) =	sbr.rel @p0 .LBB2_1-.Ltmp1, $4  }
0x27: {  	[hbm:s8], [sflag:s6] =	dma.local [spmem:s10], $0x500  }
0x28: {  	_ =	swait.ge [sflag:s11], $0x500  }
0x29: {  	[sflag:s11] =	ssyncset.done $0x0  }
0x2a: {  	[sflag:s11] =	ssyncadd.s32 $0xFFFFFB00  }
0x2b: {  	_ =	sfence.sel $0x180000  }
0x2c: {  	[bflag:$0x0] =	sbarrier.arrive $0xFFFF  }
0x2d: {  	p0 =	sne.s32 s0, $0x0;
	_ =	strace $0x9000004A  }
0x2e: {  	s0 =	sadd.s32 @!p0 $0x100000, s1;
	[bflag:$0x2] =	sbarrier.arrive $0xFFFF  }
0x2f: {  	[sflag:s0] =	ssyncadd.tile.s32 @!p0 $0x1;
	_ =	shalt  }
.Lfunc_end2:
_tile_overlayer_lowered:
.L_overlay_start_2:
0x30: {  	(tag) =	ssettag $0x2  }
0x31: {  	s0 =	rddreg [dreg:$0x0];
	s2 =	stileid.u32  }
0x32: {  	s1 =	rddreg [dreg:$0x1];
	p0 =	sne.s32 s2, $0x0  }
0x33: {  	s3 =	rddreg [dreg:$0x2];
	[bflag:$0x3] =	sbarrier.arrive $0xFFFF;
	s2 =	simm.s32 @!p0 $0x1C01  }
0x34: {  	[timem:s3], [sflag:s2] =	dma.local @!p0 [hbm:s0], s1  }
0x35: {  	s0 =	simm.s32 @!p0 $0x1  }
0x36: {  	_ =	swait.ge @!p0 [sflag:s0], s1  }
0x37: {  	s1 =	ssub.s32 @!p0 $0x0, s1;
	[sflag:s0] =	ssyncset.done @!p0 $0x0  }
0x38: {  	[sflag:s0] =	ssyncadd.s32 @!p0 s1  }
0x39: {  	[bflag:$0x3] =	sbarrier.arrive $0xFFFF  }
0x3a: {  	_ =	shalt  }

// kernel: kernel.20.cloned.1.call-start
scs
__scs_entry_jumppad:
0x0: {  	(pc) =	sbr.rel $0x88, $3  }
0x1: {  	(tag) =	ssettag $0x0;
	lr =	simm.s32 $0x1  }
0x2: {  	[smem:$0x3F5B] =	sst lr;
	_ =	strace $0xD0000000  }
0x3: {  	_ = 	snop  }
0x4: {  	_ = 	snop  }
0x5: {  	_ = 	snop  }
0x6: {  	_ = 	snop  }
0x7: {  	_ = 	snop  }
__scs_overlays_trampoline_lowered:
0x8: {  	[smem:$0x3F6A] =	sst s0  }
0x9: {  	[smem:$0x3F6B] =	sst s1  }
0xa: {  	[smem:$0x3F6C] =	sst s2  }
0xb: {  	[smem:$0x3F6D] =	sst s3  }
0xc: {  	[smem:$0x3F6E] =	sst s4  }
0xd: {  	[smem:$0x3F6F] =	sst s5  }
0xe: {  	[smem:$0x3F70] =	sst s6  }
0xf: {  	[smem:$0x3F71] =	sst s7  }
0x10: {  	[smem:$0x3F72] =	sst s8  }
0x11: {  	[smem:$0x3F73] =	sst s9;
	s0 =	simm.s32 @!p0 $0x0  }
0x12: {  	s1 =	sld [smem:$0x3F59];
	s0 =	simm.s32 @p0 $0x1  }
0x13: {  	[smem:$0x3F74] =	sst s0;
	s0 =	simm.s32 @!p1 $0x0  }
0x14: {  	s2 =	sld [smem:$0x3F58];
	s0 =	simm.s32 @p1 $0x1  }
0x15: {  	[smem:$0x3F75] =	sst s0;
	s0 =	simm.s32 @!p2 $0x0  }
0x16: {  	s3 =	sld [smem:$0x3FDB];
	s0 =	simm.s32 @p2 $0x1  }
0x17: {  	s4 =	simm.s32 $0x1BF5;
	[smem:$0x3F77] =	sst s0  }
0x18: {  	s0 =	sld [smem:$0x3F5A];
	_ =	swait.ge [sflag:s4], $0x0  }
0x19: {  	s7 =	sld [smem:$0x3F5B]  }
0x1a: {  	s8 =	sadd.s32 $0xFFFFE003, lr  }
0x1b: {  	s9 =	sadd.s32 $0xFFFFFEF7, lr;
	s5 =	simm.s32 $0xFFFFFFFF;
	p2 =	slt.u32 s8, $0xFFFFF086  }
0x1c: {  	p1 =	slt.u32 s9, $0xF7A;
	s5 =	simm.s32 @!p2 $0x0  }
0x1d: {  	s5 =	simm.s32 @p1 $0x1;
	p0 =	seq.s32 s7, s2  }
0x1e: {  	s7 =	smul.u32 @!p0 $0xF7A, s2;
	p2 =	seq.s32 @!p0 s5, $0x0  }
0x1f: {  	s9 =	smul.u32 $0xF7A, s1;
	s8 =	simm.s32 @!p0 $0x1BF5;
	p2 =	por !p2, p0  }
0x20: {  	[sflag:s8] =	ssyncset.s32 @!p0 $0xFFFFF086;
	s6 =	sadd.s32 @!p0 s3, s7;
	s7 =	simm.s32 @!p0 $0x108  }
0x21: {  	s3 =	sadd.s32 s3, s9;
	s6 =	sadd.s32 @!p0 $0x88, s6;
	s7 =	simm.s32 @p2 $0x1082  }
0x22: {  	[simem:s7], [sflag:s8] =	dma.local @!p0 [hbm:s6], $0xF7A  }
0x23: {  	s9 =	sor.u32 $0xD0000000, s2;
	s6 =	simm.s32 $0x108;
	_ =	swait.ge @!p0 [sflag:s8], $0x0  }
0x24: {  	s3 =	sadd.s32 $0x88, s3;
	s6 =	simm.s32 @!p1 $0x1082;
	[sflag:s4] =	ssyncset.s32 $0xFFFFF086  }
0x25: {  	[simem:s6], [sflag:s4] =	dma.local [hbm:s3], $0xF7A  }
0x26: {  	[smem:$0x3F5B] =	sst s1;
	(tag) =	ssettag s2;
	_ =	strace s9  }
0x27: {  	s1 =	sld [smem:$0x3F6B]  }
0x28: {  	s2 =	sld [smem:$0x3F6C]  }
0x29: {  	s4 =	sld [smem:$0x3F6E]  }
0x2a: {  	p0 =	seq.s32 s5, $0x0;
	s5 =	sld [smem:$0x3F6F]  }
0x2b: {  	s6 =	sld [smem:$0x3F70]  }
0x2c: {  	s7 =	sld [smem:$0x3F71]  }
0x2d: {  	s3 =	simm.s32 $0x108;
	s8 =	sld [smem:$0x3F72]  }
0x2e: {  	s3 =	simm.s32 @!p0 $0x1082;
	s9 =	sld [smem:$0x3F73]  }
0x2f: {  	lr =	sadd.s32 s0, s3;
	s0 =	sld [smem:$0x3F6A]  }
0x30: {  	s3 =	sld [smem:$0x3F6D]  }
0x31: {  	[smem:$0x3F76] =	sst s10  }
0x32: {  	s10 =	sld [smem:$0x3F74];
	_ =	sdelay $0x3  }
0x33: {  	p0 =	seq.s32 s10, $0x1;
	s10 =	sld [smem:$0x3F76];
	_ =	sdelay $0x3  }
0x34: {  	[smem:$0x3F76] =	sst s10  }
0x35: {  	s10 =	sld [smem:$0x3F75];
	_ =	sdelay $0x3  }
0x36: {  	p1 =	seq.s32 s10, $0x1;
	s10 =	sld [smem:$0x3F76];
	_ =	sdelay $0x3  }
0x37: {  	[smem:$0x3F76] =	sst s10  }
0x38: {  	s10 =	sld [smem:$0x3F77]  }
0x39: {  	_ = 	snop;
	(pc) =	sbr.ind lr, $3  }
0x3a: {  	_ = 	snop  }
0x3b: {  	_ = 	snop  }
0x3c: {  	p2 =	seq.s32 s10, $0x1;
	s10 =	sld [smem:$0x3F76]  }
0x3d: {  	_ =	shalt  }
0x3e: {  	_ =	shalt  }
0x3f: {  	_ =	shalt  }
0x40: {  	_ =	shalt  }
0x41: {  	_ =	shalt  }
0x42: {  	_ =	shalt  }
0x43: {  	_ =	shalt  }
0x44: {  	_ =	shalt  }
0x45: {  	_ =	shalt  }
0x46: {  	_ =	shalt  }
0x47: {  	_ =	shalt  }
0x48: {  	_ =	shalt  }
0x49: {  	_ =	shalt  }
0x4a: {  	_ =	shalt  }
0x4b: {  	_ =	shalt  }
0x4c: {  	_ =	shalt  }
0x4d: {  	_ =	shalt  }
0x4e: {  	_ =	shalt  }
0x4f: {  	_ =	shalt  }
0x50: {  	_ =	shalt  }
0x51: {  	_ =	shalt  }
0x52: {  	_ =	shalt  }
0x53: {  	_ =	shalt  }
0x54: {  	_ =	shalt  }
0x55: {  	_ =	shalt  }
0x56: {  	_ =	shalt  }
0x57: {  	_ =	shalt  }
0x58: {  	_ =	shalt  }
0x59: {  	_ =	shalt  }
0x5a: {  	_ =	shalt  }
0x5b: {  	_ =	shalt  }
0x5c: {  	_ =	shalt  }
0x5d: {  	_ =	shalt  }
0x5e: {  	_ =	shalt  }
0x5f: {  	_ =	shalt  }
0x60: {  	_ =	shalt  }
0x61: {  	_ =	shalt  }
0x62: {  	_ =	shalt  }
0x63: {  	_ =	shalt  }
0x64: {  	_ =	shalt  }
0x65: {  	_ =	shalt  }
0x66: {  	_ =	shalt  }
0x67: {  	_ =	shalt  }
0x68: {  	_ =	shalt  }
0x69: {  	_ =	shalt  }
0x6a: {  	_ =	shalt  }
0x6b: {  	_ =	shalt  }
0x6c: {  	_ =	shalt  }
0x6d: {  	_ =	shalt  }
0x6e: {  	_ =	shalt  }
0x6f: {  	_ =	shalt  }
0x70: {  	_ =	shalt  }
0x71: {  	_ =	shalt  }
0x72: {  	_ =	shalt  }
0x73: {  	_ =	shalt  }
0x74: {  	_ =	shalt  }
0x75: {  	_ =	shalt  }
0x76: {  	_ =	shalt  }
0x77: {  	_ =	shalt  }
0x78: {  	_ =	shalt  }
0x79: {  	_ =	shalt  }
0x7a: {  	_ =	shalt  }
0x7b: {  	_ =	shalt  }
0x7c: {  	_ =	shalt  }
0x7d: {  	_ =	shalt  }
0x7e: {  	_ =	shalt  }
0x7f: {  	_ =	shalt  }
0x80: {  	_ =	shalt  }
0x81: {  	_ =	shalt  }
0x82: {  	_ =	shalt  }
0x83: {  	_ =	shalt  }
0x84: {  	_ =	shalt  }
0x85: {  	_ =	shalt  }
0x86: {  	_ =	shalt  }
0x87: {  	_ =	shalt  }
.Lfunc_end0:
.L_simem_size_0:
called_computation.1_lowered:
.L_overlay_start_0:
0x88: {  	s2 =	sld [smem:$0x3FD9]  }
0x89: {  	s3 =	sld [smem:$0x3FFE];
	_ =	sdelay $0x1  }
0x8a: {  	s1 =	srdreg.scid  }
0x8b: {  	s0 =	sand.u32 $0x1, s1  }
0x8c: {  	s16 =	sshll.u32 s0, $0xA;
	s2 =	sadd.s32 s3, s2  }
0x8d: {  	s2 =	sadd.s32 s2, s16  }
0x8e: {  	[smem:$0x3F82] =	sst s2  }
0x8f: {  	_ = 	snop  }
0x90: {  	(tm) =	ssettm $0x1  }
0x91: {  	s17 =	sld [smem:$0x3FFB];
	_ =	sdelay $0x3  }
0x92: {  	_ =	strace s17  }
0x93: {  	s2 =	sld [smem:$0x3FFC];
	_ =	sdelay $0x3  }
0x94: {  	_ =	strace s2  }
0x95: {  	s2 =	sld [smem:$0x3FFD];
	_ =	sdelay $0x3  }
0x96: {  	_ =	strace s2  }
0x97: {  	_ =	strace $0x8FFFFFFF  }
0x98: {  	s18 =	sld [smem:$0x3FDB];
	_ =	sdelay $0x1  }
0x99: {  	s19 =	simm.s32 $_scs_section_size  }
0x9a: {  	s4 =	simm.s32 $_size__tile_overlayer_lowered;
	s5 =	simm.s32 $_tile_overlayer_lowered  }
0x9b: {  	s22 =	simm.s32 $0x1BFF;
	s21 =	sshll.u32 s5, $0x1;
	s2 =	sadd.s32 s19, s18  }
0x9c: {  	s6 =	simm.s32 $0x0;
	s20 =	sshll.u32 s4, $0x1;
	s4 =	sadd.s32 s21, s2  }
0x9d: {  	[timem:s6], [sflag:s22] =	dma.local [hbm:s4], s20  }
0x9e: {  	_ =	swait.ge [sflag:s22], s20  }
0x9f: {  	s3 =	ssub.s32 $0x0, s20;
	[sflag:s22] =	ssyncset.done $0x0  }
0xa0: {  	[sflag:s22] =	ssyncadd.s32 s3;
	_ =	sdelay $0x1  }
0xa1: {  	s23 =	simm.s32 $0x1B8B  }
0xa2: {  	_ =	swait.ge [sflag:s23], $0x1  }
0xa3: {  	[sflag:s23] =	ssyncset.done $0x0  }
0xa4: {  	s25 =	simm.s32 $0x1B8E;
	s24 =	sld [smem:$0x3FFE];
	[sflag:s23] =	ssyncadd.s32 $0xFFFFFFFF  }
0xa5: {  	s26 =	simm.s32 $execute0_lowered;
	[smem:$0x3FD2] =	sst s25  }
0xa6: {  	s4 =	sshll.u32 s26, $0x1;
	_ =	strace $0x80000046;
	[dreg:$0x1] =	wrdreg $0xFFFFFFFF  }
0xa7: {  	s28 =	simm.s32 $_size_execute0_lowered;
	s2 =	sadd.s32 s2, s4;
	[dreg:$0x0] =	wrdreg $0x0  }
0xa8: {  	s4 =	sshll.u32 s28, $0x1;
	[dreg:$0x2] =	wrdreg s2  }
0xa9: {  	[dreg:$0x3] =	wrdreg s4  }
0xaa: {  	[dreg:$0x4] =	wrdreg $0xC0  }
0xab: {  	_ =	task [dreg:s6], $0x5FFFF  }
0xac: {  	[dreg:$0x1] =	wrdreg $0xFFFFFFFF  }
0xad: {  	[dreg:$0x0] =	wrdreg $0x60  }
0xae: {  	[dreg:$0x2] =	wrdreg s24  }
0xaf: {  	[dreg:$0x3] =	wrdreg $0xA  }
0xb0: {  	_ =	task.clear_ibuf [dreg:s6], $0x4FFFF;
	_ =	strace $0x90000046  }
0xb1: {  	s29 =	simm.s32 $0xA;
	_ =	strace $0x80000048  }
0xb2: {  	_ =	swait.ge [sflag:s29], $0x1  }
0xb3: {  	[sflag:s29] =	ssyncadd.s32 $0xFFFFFFFF  }
0xb4: {  	_ =	strace $0x90000048  }
0xb5: {  	_ =	sfence  }
0xb6: {  	s30 =	sld [smem:$0x0];
	_ =	sdelay $0x2  }
0xb7: {  	s31 =	sshll.u32 s1, $0xD;
	s1 =	sshrl.u32 s1, $0x2  }
0xb8: {  	s3 =	sand.u32 $0x4000, s31;
	s1 =	sadd.s32 s1, s30  }
0xb9: {  	s0 =	sor.u32 s3, s0;
	s1 =	sshll.u32 s1, $0x11  }
0xba: {  	s0 =	sor.u32 s1, s0  }
0xbb: {  	s0 =	sadd.s32 $0x8F2B, s0  }
0xbc: {  	[sflag:s0] =	ssyncadd.remote.s32 $0x1  }
0xbd: {  	_ =	sfence.sel $0xFFFF  }
0xbe: {  	[dreg:$0x0] =	wrdreg $0xFFFFFFFF;
	(pc) =	sbr.abs _section_cstart, $3  }
0xbf: {  	[dreg:$0x1] =	wrdreg $0xFFFFFFFF  }
0xc0: {  	_ =	task.clear_ibuf [dreg:s6], $0x2FFFF;
	_ =	strace $0x9FFFFFFF  }
0xc1: {  	(tm) =	ssettm $0x7FFFFFFF  }
tec
execute0_lowered:
.L_overlay_start_1:
0x0: {  	(tag) =	ssettag $0x1  }
0x1: {  	s1 =	srdreg.scid  }
0x2: {  	s0 =	stileid.u32;
	s4 =	rddreg [dreg:$0x0];
	s2 =	simm.s32 $0x0  }
0x3: {  	s11 =	simm.s32 $0x0;
	s5 =	sand.u32 $0x1, s1;
	s1 =	rddreg [dreg:$0x1]  }
0x4: {  	s3 =	sshll.u32 s0, $0x1;
	[smem:$0x7FF] =	sst s2;
	s7 =	smul.u32 $0x14000, s0  }
0x5: {  	s3 =	sor.u32 s5, s3;
	_ =	strace $0x80000047;
	s10 =	smul.u32 $0xA000, s5  }
0x6: {  	s8 =	ssub.s32 $0x2, s5;
	s6 =	smul.u32 $0x280, s3;
	s3 =	sadd.s32 $0x37800, s4  }
0x7: {  	s9 =	sshrl.u32 s8, $0x1;
	s30 =	sadd.s32 s7, s4;
	s7 =	simm.s32 $0x2  }
0x8: {  	s31 =	ssub.s32 s8, s9;
	s8 =	simm.s32 $0x80;
	s9 =	simm.s32 $0x1400  }
0x9: {  	s29 =	sadd.s32 s6, s4;
	s5 =	smax.u32 s31, $0x1;
	s6 =	sadd.s32 s10, s30  }
0xa: {  	s10 =	simm.s32 $0x1;
	s4 =	sadd.s32 $0x4B200, s29;
	s6 =	sadd.s32 $0x50200, s6  }
.LBB2_1:
0xb: {  	[tilespmem:s2], [sflag:$0x2] =	stream.linear.gather [hbm4b:s4+s2], $0x1400, $0x38;
	[tilespmem:$0x3400] =	vst v63  }
0xc: {  	_ =	swait.ge [sflag:s7], $0x1400  }
0xd: {  	[sflag:s7] =	ssyncset.done $0x0  }
0xe: {  	s12 =	simm.s32 $0x0;
	[sflag:s7] =	ssyncadd.s32 $0xFFFFEC00  }
0xf: {  	[tilespmem:s9], [sflag:$0x1] =	stream.indirect.gather [hbm4b:s3+s8], $0x40, s12, s8, $0xb8;
	[tilespmem:$0x3400] =	vst v63  }
0x10: {  	_ =	swait.ge [sflag:s10], $0x2000  }
0x11: {  	[sflag:s10] =	ssyncset.done $0x0  }
0x12: {  	[sflag:s10] =	ssyncadd.s32 $0xFFFFE000  }
0x13: {  	[hbm4b:s6+s2] =	stream.linear.scatter [tilespmem:s9], [sflag:$0x2], $0x2000, $0x38;
	[tilespmem:$0x3400] =	vst v63  }
0x14: {  	s13 =	simm.s32 $0x200;
	_ =	swait.ge [sflag:s7], $0x2000  }
0x15: {  	s14 =	simm.s32 $0x400;
	s12 =	sadd.s32 $0x400, s6;
	[sflag:s7] =	ssyncset.done $0x0  }
.LBB2_2:
0x16: {  	s15 =	sshra.s32 s13, $0x2  }
0x17: {  	[sflag:s7] =	ssyncadd.s32 $0xFFFFE000;
	s13 =	smov.u32 s14;
	s16 =	sadd.s32 $0x200, s14  }
0x18: {  	[tilespmem:s9], [sflag:$0x1] =	stream.indirect.gather [hbm4b:s3+s8], $0x40, s15, s8, $0xb8;
	[tilespmem:$0x3400] =	vst v63  }
0x19: {  	p0 =	sne.s32 s14, $0x4E00;
	_ =	swait.ge [sflag:s10], $0x2000  }
.Ltmp0:
0x1a: {  	[sflag:s10] =	ssyncset.done $0x0;
	(pc) =	sbr.rel @p0 .LBB2_2-.Ltmp0, $4  }
0x1b: {  	[sflag:s10] =	ssyncadd.s32 $0xFFFFE000  }
0x1c: {  	[hbm4b:s12+s2] =	stream.linear.scatter [tilespmem:s9], [sflag:$0x2], $0x2000, $0x38;
	[tilespmem:$0x3400] =	vst v63  }
0x1d: {  	_ =	swait.ge [sflag:s7], $0x2000  }
0x1e: {  	s14 =	smov.u32 s16;
	s12 =	sadd.s32 $0x400, s12;
	[sflag:s7] =	ssyncset.done $0x0  }
0x1f: {  	s13 =	sshra.s32 s13, $0x2;
	[sflag:s7] =	ssyncadd.s32 $0xFFFFE000  }
0x20: {  	[tilespmem:s9], [sflag:$0x1] =	stream.indirect.gather [hbm4b:s3+s8], $0x40, s13, s8, $0xb8;
	[tilespmem:$0x3400] =	vst v63  }
0x21: {  	s11 =	sadd.s32 $0x1, s11;
	_ =	swait.ge [sflag:s10], $0x2000  }
0x22: {  	p0 =	sne.s32 s11, s5;
	[sflag:s10] =	ssyncset.done $0x0  }
.Ltmp1:
0x23: {  	[sflag:s10] =	ssyncadd.s32 $0xFFFFE000;
	(pc) =	sbr.rel @p0 .LBB2_1-.Ltmp1, $4  }
0x24: {  	[hbm4b:s12+s2] =	stream.linear.scatter [tilespmem:s9], [sflag:$0x2], $0x2000, $0x38;
	[tilespmem:$0x3400] =	vst v63  }
0x25: {  	_ =	swait.ge [sflag:s7], $0x2000  }
0x26: {  	[sflag:s7] =	ssyncset.done $0x0  }
0x27: {  	[sflag:s7] =	ssyncadd.s32 $0xFFFFE000  }
0x28: {  	_ =	sfence.sel $0x180000  }
0x29: {  	[bflag:$0x0] =	sbarrier.arrive $0xFFFF  }
0x2a: {  	p0 =	sne.s32 s0, $0x0;
	_ =	strace $0x90000047  }
0x2b: {  	s0 =	sadd.s32 @!p0 $0x100000, s1;
	[bflag:$0x2] =	sbarrier.arrive $0xFFFF  }
0x2c: {  	[sflag:s0] =	ssyncadd.tile.s32 @!p0 $0x1;
	_ =	shalt  }
.Lfunc_end2:
_tile_overlayer_lowered:
.L_overlay_start_2:
0x2d: {  	(tag) =	ssettag $0x2  }
0x2e: {  	s0 =	rddreg [dreg:$0x0];
	s2 =	stileid.u32  }
0x2f: {  	s1 =	rddreg [dreg:$0x1];
	p0 =	sne.s32 s2, $0x0  }
0x30: {  	s3 =	rddreg [dreg:$0x2];
	[bflag:$0x3] =	sbarrier.arrive $0xFFFF;
	s2 =	simm.s32 @!p0 $0x1C02  }
0x31: {  	[timem:s3], [sflag:s2] =	dma.local @!p0 [hbm:s0], s1  }
0x32: {  	s0 =	simm.s32 @!p0 $0x2  }
0x33: {  	_ =	swait.ge @!p0 [sflag:s0], s1  }
0x34: {  	s1 =	ssub.s32 @!p0 $0x0, s1;
	[sflag:s0] =	ssyncset.done @!p0 $0x0  }
0x35: {  	[sflag:s0] =	ssyncadd.s32 @!p0 s1  }
0x36: {  	[bflag:$0x3] =	sbarrier.arrive $0xFFFF  }
0x37: {  	_ =	shalt  }

// kernel: kernel.23.cloned.1.call-start
scs
__scs_entry_jumppad:
0x0: {  	(pc) =	sbr.rel $0x88, $3  }
0x1: {  	(tag) =	ssettag $0x0;
	lr =	simm.s32 $0x1  }
0x2: {  	[smem:$0x3F5B] =	sst lr;
	_ =	strace $0xD0000000  }
0x3: {  	_ = 	snop  }
0x4: {  	_ = 	snop  }
0x5: {  	_ = 	snop  }
0x6: {  	_ = 	snop  }
0x7: {  	_ = 	snop  }
__scs_overlays_trampoline_lowered:
0x8: {  	[smem:$0x3F6A] =	sst s0  }
0x9: {  	[smem:$0x3F6B] =	sst s1  }
0xa: {  	[smem:$0x3F6C] =	sst s2  }
0xb: {  	[smem:$0x3F6D] =	sst s3  }
0xc: {  	[smem:$0x3F6E] =	sst s4  }
0xd: {  	[smem:$0x3F6F] =	sst s5  }
0xe: {  	[smem:$0x3F70] =	sst s6  }
0xf: {  	[smem:$0x3F71] =	sst s7  }
0x10: {  	[smem:$0x3F72] =	sst s8  }
0x11: {  	[smem:$0x3F73] =	sst s9;
	s0 =	simm.s32 @!p0 $0x0  }
0x12: {  	s1 =	sld [smem:$0x3F59];
	s0 =	simm.s32 @p0 $0x1  }
0x13: {  	[smem:$0x3F74] =	sst s0;
	s0 =	simm.s32 @!p1 $0x0  }
0x14: {  	s2 =	sld [smem:$0x3F58];
	s0 =	simm.s32 @p1 $0x1  }
0x15: {  	[smem:$0x3F75] =	sst s0;
	s0 =	simm.s32 @!p2 $0x0  }
0x16: {  	s3 =	sld [smem:$0x3FDB];
	s0 =	simm.s32 @p2 $0x1  }
0x17: {  	s4 =	simm.s32 $0x1BF5;
	[smem:$0x3F77] =	sst s0  }
0x18: {  	s0 =	sld [smem:$0x3F5A];
	_ =	swait.ge [sflag:s4], $0x0  }
0x19: {  	s7 =	sld [smem:$0x3F5B]  }
0x1a: {  	s8 =	sadd.s32 $0xFFFFE003, lr  }
0x1b: {  	s9 =	sadd.s32 $0xFFFFFEF7, lr;
	s5 =	simm.s32 $0xFFFFFFFF;
	p2 =	slt.u32 s8, $0xFFFFF086  }
0x1c: {  	p1 =	slt.u32 s9, $0xF7A;
	s5 =	simm.s32 @!p2 $0x0  }
0x1d: {  	s5 =	simm.s32 @p1 $0x1;
	p0 =	seq.s32 s7, s2  }
0x1e: {  	s7 =	smul.u32 @!p0 $0xF7A, s2;
	p2 =	seq.s32 @!p0 s5, $0x0  }
0x1f: {  	s9 =	smul.u32 $0xF7A, s1;
	s8 =	simm.s32 @!p0 $0x1BF5;
	p2 =	por !p2, p0  }
0x20: {  	[sflag:s8] =	ssyncset.s32 @!p0 $0xFFFFF086;
	s6 =	sadd.s32 @!p0 s3, s7;
	s7 =	simm.s32 @!p0 $0x108  }
0x21: {  	s3 =	sadd.s32 s3, s9;
	s6 =	sadd.s32 @!p0 $0x88, s6;
	s7 =	simm.s32 @p2 $0x1082  }
0x22: {  	[simem:s7], [sflag:s8] =	dma.local @!p0 [hbm:s6], $0xF7A  }
0x23: {  	s9 =	sor.u32 $0xD0000000, s2;
	s6 =	simm.s32 $0x108;
	_ =	swait.ge @!p0 [sflag:s8], $0x0  }
0x24: {  	s3 =	sadd.s32 $0x88, s3;
	s6 =	simm.s32 @!p1 $0x1082;
	[sflag:s4] =	ssyncset.s32 $0xFFFFF086  }
0x25: {  	[simem:s6], [sflag:s4] =	dma.local [hbm:s3], $0xF7A  }
0x26: {  	[smem:$0x3F5B] =	sst s1;
	(tag) =	ssettag s2;
	_ =	strace s9  }
0x27: {  	s1 =	sld [smem:$0x3F6B]  }
0x28: {  	s2 =	sld [smem:$0x3F6C]  }
0x29: {  	s4 =	sld [smem:$0x3F6E]  }
0x2a: {  	p0 =	seq.s32 s5, $0x0;
	s5 =	sld [smem:$0x3F6F]  }
0x2b: {  	s6 =	sld [smem:$0x3F70]  }
0x2c: {  	s7 =	sld [smem:$0x3F71]  }
0x2d: {  	s3 =	simm.s32 $0x108;
	s8 =	sld [smem:$0x3F72]  }
0x2e: {  	s3 =	simm.s32 @!p0 $0x1082;
	s9 =	sld [smem:$0x3F73]  }
0x2f: {  	lr =	sadd.s32 s0, s3;
	s0 =	sld [smem:$0x3F6A]  }
0x30: {  	s3 =	sld [smem:$0x3F6D]  }
0x31: {  	[smem:$0x3F76] =	sst s10  }
0x32: {  	s10 =	sld [smem:$0x3F74];
	_ =	sdelay $0x3  }
0x33: {  	p0 =	seq.s32 s10, $0x1;
	s10 =	sld [smem:$0x3F76];
	_ =	sdelay $0x3  }
0x34: {  	[smem:$0x3F76] =	sst s10  }
0x35: {  	s10 =	sld [smem:$0x3F75];
	_ =	sdelay $0x3  }
0x36: {  	p1 =	seq.s32 s10, $0x1;
	s10 =	sld [smem:$0x3F76];
	_ =	sdelay $0x3  }
0x37: {  	[smem:$0x3F76] =	sst s10  }
0x38: {  	s10 =	sld [smem:$0x3F77]  }
0x39: {  	_ = 	snop;
	(pc) =	sbr.ind lr, $3  }
0x3a: {  	_ = 	snop  }
0x3b: {  	_ = 	snop  }
0x3c: {  	p2 =	seq.s32 s10, $0x1;
	s10 =	sld [smem:$0x3F76]  }
0x3d: {  	_ =	shalt  }
0x3e: {  	_ =	shalt  }
0x3f: {  	_ =	shalt  }
0x40: {  	_ =	shalt  }
0x41: {  	_ =	shalt  }
0x42: {  	_ =	shalt  }
0x43: {  	_ =	shalt  }
0x44: {  	_ =	shalt  }
0x45: {  	_ =	shalt  }
0x46: {  	_ =	shalt  }
0x47: {  	_ =	shalt  }
0x48: {  	_ =	shalt  }
0x49: {  	_ =	shalt  }
0x4a: {  	_ =	shalt  }
0x4b: {  	_ =	shalt  }
0x4c: {  	_ =	shalt  }
0x4d: {  	_ =	shalt  }
0x4e: {  	_ =	shalt  }
0x4f: {  	_ =	shalt  }
0x50: {  	_ =	shalt  }
0x51: {  	_ =	shalt  }
0x52: {  	_ =	shalt  }
0x53: {  	_ =	shalt  }
0x54: {  	_ =	shalt  }
0x55: {  	_ =	shalt  }
0x56: {  	_ =	shalt  }
0x57: {  	_ =	shalt  }
0x58: {  	_ =	shalt  }
0x59: {  	_ =	shalt  }
0x5a: {  	_ =	shalt  }
0x5b: {  	_ =	shalt  }
0x5c: {  	_ =	shalt  }
0x5d: {  	_ =	shalt  }
0x5e: {  	_ =	shalt  }
0x5f: {  	_ =	shalt  }
0x60: {  	_ =	shalt  }
0x61: {  	_ =	shalt  }
0x62: {  	_ =	shalt  }
0x63: {  	_ =	shalt  }
0x64: {  	_ =	shalt  }
0x65: {  	_ =	shalt  }
0x66: {  	_ =	shalt  }
0x67: {  	_ =	shalt  }
0x68: {  	_ =	shalt  }
0x69: {  	_ =	shalt  }
0x6a: {  	_ =	shalt  }
0x6b: {  	_ =	shalt  }
0x6c: {  	_ =	shalt  }
0x6d: {  	_ =	shalt  }
0x6e: {  	_ =	shalt  }
0x6f: {  	_ =	shalt  }
0x70: {  	_ =	shalt  }
0x71: {  	_ =	shalt  }
0x72: {  	_ =	shalt  }
0x73: {  	_ =	shalt  }
0x74: {  	_ =	shalt  }
0x75: {  	_ =	shalt  }
0x76: {  	_ =	shalt  }
0x77: {  	_ =	shalt  }
0x78: {  	_ =	shalt  }
0x79: {  	_ =	shalt  }
0x7a: {  	_ =	shalt  }
0x7b: {  	_ =	shalt  }
0x7c: {  	_ =	shalt  }
0x7d: {  	_ =	shalt  }
0x7e: {  	_ =	shalt  }
0x7f: {  	_ =	shalt  }
0x80: {  	_ =	shalt  }
0x81: {  	_ =	shalt  }
0x82: {  	_ =	shalt  }
0x83: {  	_ =	shalt  }
0x84: {  	_ =	shalt  }
0x85: {  	_ =	shalt  }
0x86: {  	_ =	shalt  }
0x87: {  	_ =	shalt  }
.Lfunc_end0:
.L_simem_size_0:
called_computation.2_lowered:
.L_overlay_start_0:
0x88: {  	s2 =	sld [smem:$0x3FD9]  }
0x89: {  	s3 =	sld [smem:$0x3FFE];
	_ =	sdelay $0x1  }
0x8a: {  	s1 =	srdreg.scid  }
0x8b: {  	s0 =	sand.u32 $0x1, s1  }
0x8c: {  	s17 =	sshll.u32 s0, $0xA;
	s2 =	sadd.s32 s3, s2  }
0x8d: {  	s2 =	sadd.s32 s2, s17  }
0x8e: {  	[smem:$0x3F82] =	sst s2  }
0x8f: {  	_ = 	snop  }
0x90: {  	(tm) =	ssettm $0x1  }
0x91: {  	s18 =	sld [smem:$0x3FFB];
	_ =	sdelay $0x3  }
0x92: {  	_ =	strace s18  }
0x93: {  	s2 =	sld [smem:$0x3FFC];
	_ =	sdelay $0x3  }
0x94: {  	_ =	strace s2  }
0x95: {  	s2 =	sld [smem:$0x3FFD];
	_ =	sdelay $0x3  }
0x96: {  	_ =	strace s2  }
0x97: {  	_ =	strace $0x8FFFFFFF  }
0x98: {  	s19 =	sld [smem:$0x3FDB];
	_ =	sdelay $0x1  }
0x99: {  	s20 =	simm.s32 $_scs_section_size  }
0x9a: {  	s4 =	simm.s32 $_size__tile_overlayer_lowered;
	s5 =	simm.s32 $_tile_overlayer_lowered  }
0x9b: {  	s6 =	simm.s32 $0x1BFF;
	s21 =	sshll.u32 s5, $0x1;
	s3 =	sadd.s32 s20, s19  }
0x9c: {  	s22 =	simm.s32 $0x0;
	s4 =	sshll.u32 s4, $0x1;
	s5 =	sadd.s32 s21, s3  }
0x9d: {  	[timem:s22], [sflag:s6] =	dma.local [hbm:s5], s4  }
0x9e: {  	_ =	swait.ge [sflag:s6], s4  }
0x9f: {  	s4 =	ssub.s32 $0x0, s4;
	[sflag:s6] =	ssyncset.done $0x0  }
0xa0: {  	[sflag:s6] =	ssyncadd.s32 s4;
	_ =	sdelay $0x1  }
0xa1: {  	s23 =	simm.s32 $0x1B8B  }
0xa2: {  	_ =	swait.ge [sflag:s23], $0x1  }
0xa3: {  	[sflag:s23] =	ssyncset.done $0x0  }
0xa4: {  	[sflag:s23] =	ssyncadd.s32 $0xFFFFFFFF  }
0xa5: {  	s4 =	sld [smem:$0x0]  }
0xa6: {  	s5 =	sand.u32 $0xFFFFFFFE, s1  }
0xa7: {  	p0 =	sne.s32 s1, s5  }
0xa8: {  	s5 =	sshll.u32 @p0 s5, $0xE  }
0xa9: {  	s5 =	sadd.s32 @p0 $0x11B8D, s5;
	s6 =	sshll.u32 @p0 s4, $0x11  }
0xaa: {  	s5 =	sor.u32 @p0 s6, s5  }
0xab: {  	[sflag:s5] =	ssyncadd.remote.s32 @p0 $0x1;
	_ =	sdelay $0x1  }
0xac: {  	s5 =	simm.s32 @p0 $0x1B8D  }
0xad: {  	_ =	swait.eq @p0 [sflag:s5], $0x1  }
0xae: {  	[sflag:s5] =	ssyncadd.s32 @p0 $0xFFFFFFFF  }
0xaf: {  	s6 =	sshll.u32 @!p0 s1, $0xE  }
0xb0: {  	s6 =	sor.u32 @!p0 $0x4000, s6;
	s5 =	simm.s32 @!p0 $0x1B8D  }
0xb1: {  	s4 =	sshll.u32 @!p0 s4, $0x11;
	s6 =	sadd.s32 @!p0 $0x11B8D, s6;
	_ =	swait.eq @!p0 [sflag:s5], $0x1  }
0xb2: {  	s4 =	sor.u32 @!p0 s4, s6;
	[sflag:s5] =	ssyncadd.s32 @!p0 $0xFFFFFFFF  }
0xb3: {  	s25 =	simm.s32 $0x1B8E;
	s24 =	sld [smem:$0x3FFE];
	[sflag:s4] =	ssyncadd.remote.s32 @!p0 $0x1  }
0xb4: {  	s26 =	simm.s32 $execute0_lowered;
	[smem:$0x3FD2] =	sst s25  }
0xb5: {  	s5 =	sshll.u32 s26, $0x1;
	_ =	strace $0x8000004C;
	[dreg:$0x1] =	wrdreg $0xFFFFFFFF  }
0xb6: {  	s28 =	simm.s32 $_size_execute0_lowered;
	s3 =	sadd.s32 s3, s5;
	[dreg:$0x0] =	wrdreg $0x0  }
0xb7: {  	s5 =	sshll.u32 s28, $0x1;
	[dreg:$0x2] =	wrdreg s3  }
0xb8: {  	[dreg:$0x3] =	wrdreg s5  }
0xb9: {  	[dreg:$0x4] =	wrdreg $0xC0  }
0xba: {  	_ =	task [dreg:s22], $0x5FFFF  }
0xbb: {  	[dreg:$0x1] =	wrdreg $0xFFFFFFFF  }
0xbc: {  	[dreg:$0x0] =	wrdreg $0x60  }
0xbd: {  	[dreg:$0x2] =	wrdreg s24  }
0xbe: {  	[dreg:$0x3] =	wrdreg $0x34000  }
0xbf: {  	[dreg:$0x4] =	wrdreg $0xA  }
0xc0: {  	_ =	task.clear_ibuf [dreg:s22], $0x5FFFF;
	_ =	strace $0x9000004C  }
0xc1: {  	s29 =	simm.s32 $0xA;
	_ =	strace $0x8000004E  }
0xc2: {  	_ =	swait.ge [sflag:s29], $0x1  }
0xc3: {  	[sflag:s29] =	ssyncadd.s32 $0xFFFFFFFF  }
0xc4: {  	_ =	strace $0x9000004E  }
0xc5: {  	_ =	sfence  }
0xc6: {  	s30 =	sld [smem:$0x0];
	_ =	sdelay $0x2  }
0xc7: {  	s31 =	sshll.u32 s1, $0xD;
	s1 =	sshrl.u32 s1, $0x2  }
0xc8: {  	s4 =	sand.u32 $0x4000, s31;
	s1 =	sadd.s32 s1, s30  }
0xc9: {  	s0 =	sor.u32 s4, s0;
	s1 =	sshll.u32 s1, $0x11  }
0xca: {  	s0 =	sor.u32 s1, s0  }
0xcb: {  	s0 =	sadd.s32 $0x8F2B, s0  }
0xcc: {  	[sflag:s0] =	ssyncadd.remote.s32 $0x1  }
0xcd: {  	_ =	sfence.sel $0xFFFF  }
0xce: {  	[dreg:$0x0] =	wrdreg $0xFFFFFFFF;
	(pc) =	sbr.abs _section_cstart, $3  }
0xcf: {  	[dreg:$0x1] =	wrdreg $0xFFFFFFFF  }
0xd0: {  	_ =	task.clear_ibuf [dreg:s22], $0x2FFFF;
	_ =	strace $0x9FFFFFFF  }
0xd1: {  	(tm) =	ssettm $0x7FFFFFFF  }
tec
execute0_lowered:
.L_overlay_start_1:
0x0: {  	(tag) =	ssettag $0x1  }
0x1: {  	s5 =	rddreg [dreg:$0x0]  }
0x2: {  	s2 =	rddreg [dreg:$0x1]  }
0x3: {  	s0 =	rddreg [dreg:$0x2]  }
0x4: {  	s1 =	stileid.u32;
	s3 =	srdreg.scid  }
0x5: {  	s14 =	simm.s32 $0x0;
	s4 =	smul.u32 $0x14000, s1;
	s6 =	sand.u32 $0x1, s3  }
0x6: {  	s7 =	sshll.u32 s1, $0x1;
	s8 =	smul.u32 $0xA000, s1;
	s3 =	simm.s32 $0x0  }
0x7: {  	s30 =	sshll.u32 s1, $0x6;
	s7 =	sor.u32 s6, s7;
	s9 =	smul.u32 $0xA0000, s6  }
0x8: {  	[smem:$0x7FF] =	sst s3;
	s11 =	ssub.s32 $0x2, s6;
	s12 =	smul.u32 $0xA000, s6  }
0x9: {  	s7 =	smul.u32 $0x280, s7;
	_ =	strace $0x8000004D;
	s10 =	sadd.s32 s4, s5  }
0xa: {  	s4 =	sadd.s32 $0x37800, s5;
	s29 =	sshrl.u32 s11, $0x1;
	s13 =	sadd.s32 s8, s2  }
0xb: {  	s28 =	sadd.s32 s8, s9;
	s11 =	ssub.s32 s11, s29;
	s31 =	sadd.s32 s12, s10  }
0xc: {  	s10 =	sshrl.u32 s13, $0x3;
	s12 =	simm.s32 $0x1400;
	s13 =	simm.s32 $0x80  }
0xd: {  	s7 =	sadd.s32 s7, s5;
	s9 =	sshrl.u32 s28, $0x3;
	s8 =	smax.u32 s11, $0x1  }
0xe: {  	s11 =	simm.s32 $0x1;
	s9 =	sadd.s32 s9, s5;
	s6 =	sadd.s32 $0x190200, s7  }
0xf: {  	s5 =	sor.u32 $0x1C01, s30;
	s7 =	sadd.s32 $0x1A0A00, s9;
	s9 =	sadd.s32 $0x50200, s31  }
.LBB2_1:
0x10: {  	[spmem:s10], [sflag:s5] =	dma.local [hbm:s4], $0x1400  }
0x11: {  	_ =	swait.ge [sflag:s11], $0x1400  }
0x12: {  	[sflag:s11] =	ssyncset.done $0x0  }
0x13: {  	[sflag:s11] =	ssyncadd.s32 $0xFFFFEC00  }
0x14: {  	[tilespmem:s3], [sflag:$0x1] =	stream.linear.gather [hbm4b:s6+s3], $0x1400, $0x38;
	[tilespmem:$0xD400] =	vst v63  }
0x15: {  	_ =	swait.ge [sflag:s11], $0x1400  }
0x16: {  	[sflag:s11] =	ssyncset.done $0x0  }
0x17: {  	[sflag:s11] =	ssyncadd.s32 $0xFFFFEC00  }
0x18: {  	[bflag:$0x0] =	sbarrier.arrive $0xFFFF  }
0x19: {  	[tilespmem:s12], [sflag:$0x1] =	stream.linear.gather [hbm4b:s9+s3], $0x2000, $0x38;
	[tilespmem:$0xD400] =	vst v63  }
0x1a: {  	_ =	swait.ge [sflag:s11], $0x2000  }
0x1b: {  	[sflag:s11] =	ssyncset.done $0x0  }
0x1c: {  	s15 =	simm.s32 $0x0;
	[sflag:s11] =	ssyncadd.s32 $0xFFFFE000  }
0x1d: {  	[spmem:s2] =	stream.indirect.scatter.add.f32 [tilespmem:s12], [sflag:$0x1], $0x40, s15, s13, $0xb8;
	[tilespmem:$0xD400] =	vst v63  }
0x1e: {  	_ =	swait.ge [sflag:s11], $0x2000  }
0x1f: {  	s16 =	smov.u32 s9;
	s15 =	simm.s32 $0x200;
	[sflag:s11] =	ssyncset.done $0x0  }
.LBB2_2:
0x20: {  	p0 =	sne.s32 s15, $0x4E00;
	[sflag:s11] =	ssyncadd.s32 $0xFFFFE000;
	s16 =	sadd.s32 $0x400, s16  }
0x21: {  	[tilespmem:s12], [sflag:$0x1] =	stream.linear.gather [hbm4b:s16+s3], $0x2000, $0x38;
	[tilespmem:$0xD400] =	vst v63  }
0x22: {  	s17 =	smov.u32 s15;
	s15 =	sadd.s32 $0x200, s15;
	_ =	swait.ge [sflag:s11], $0x2000  }
.Ltmp0:
0x23: {  	[sflag:s11] =	ssyncset.done $0x0;
	(pc) =	sbr.rel @p0 .LBB2_2-.Ltmp0, $4  }
0x24: {  	s17 =	sshra.s32 s17, $0x2;
	[sflag:s11] =	ssyncadd.s32 $0xFFFFE000  }
0x25: {  	[spmem:s2] =	stream.indirect.scatter.add.f32 [tilespmem:s12], [sflag:$0x1], $0x40, s17, s13, $0xb8;
	[tilespmem:$0xD400] =	vst v63  }
0x26: {  	_ =	swait.ge [sflag:s11], $0x2000  }
0x27: {  	[sflag:s11] =	ssyncset.done $0x0  }
0x28: {  	s14 =	sadd.s32 $0x1, s14  }
0x29: {  	[sflag:s11] =	ssyncadd.s32 $0xFFFFE000;
	p0 =	sne.s32 s14, s8  }
.Ltmp1:
0x2a: {  	[bflag:$0x0] =	sbarrier.arrive $0xFFFF;
	(pc) =	sbr.rel @p0 .LBB2_1-.Ltmp1, $4  }
0x2b: {  	[hbm:s7], [sflag:s5] =	dma.local [spmem:s10], $0x1400  }
0x2c: {  	_ =	swait.ge [sflag:s11], $0x1400  }
0x2d: {  	[sflag:s11] =	ssyncset.done $0x0  }
0x2e: {  	[sflag:s11] =	ssyncadd.s32 $0xFFFFEC00  }
0x2f: {  	_ =	sfence.sel $0x180000  }
0x30: {  	[bflag:$0x0] =	sbarrier.arrive $0xFFFF  }
0x31: {  	p0 =	sne.s32 s1, $0x0;
	_ =	strace $0x9000004D  }
0x32: {  	s0 =	sadd.s32 @!p0 $0x100000, s0;
	[bflag:$0x2] =	sbarrier.arrive $0xFFFF  }
0x33: {  	[sflag:s0] =	ssyncadd.tile.s32 @!p0 $0x1;
	_ =	shalt  }
.Lfunc_end2:
_tile_overlayer_lowered:
.L_overlay_start_2:
0x34: {  	(tag) =	ssettag $0x2  }
0x35: {  	s0 =	rddreg [dreg:$0x0];
	s2 =	stileid.u32  }
0x36: {  	s1 =	rddreg [dreg:$0x1];
	p0 =	sne.s32 s2, $0x0  }
0x37: {  	s3 =	rddreg [dreg:$0x2];
	[bflag:$0x3] =	sbarrier.arrive $0xFFFF;
	s2 =	simm.s32 @!p0 $0x1C01  }
0x38: {  	[timem:s3], [sflag:s2] =	dma.local @!p0 [hbm:s0], s1  }
0x39: {  	s0 =	simm.s32 @!p0 $0x1  }
0x3a: {  	_ =	swait.ge @!p0 [sflag:s0], s1  }
0x3b: {  	s1 =	ssub.s32 @!p0 $0x0, s1;
	[sflag:s0] =	ssyncset.done @!p0 $0x0  }
0x3c: {  	[sflag:s0] =	ssyncadd.s32 @!p0 s1  }
0x3d: {  	[bflag:$0x3] =	sbarrier.arrive $0xFFFF  }
0x3e: {  	_ =	shalt  }

// kernel: kernel.26.cloned.1.call-start
scs
__scs_entry_jumppad:
0x0: {  	(pc) =	sbr.rel $0x88, $3  }
0x1: {  	(tag) =	ssettag $0x0;
	lr =	simm.s32 $0x1  }
0x2: {  	[smem:$0x3F5B] =	sst lr;
	_ =	strace $0xD0000000  }
0x3: {  	_ = 	snop  }
0x4: {  	_ = 	snop  }
0x5: {  	_ = 	snop  }
0x6: {  	_ = 	snop  }
0x7: {  	_ = 	snop  }
__scs_overlays_trampoline_lowered:
0x8: {  	[smem:$0x3F6A] =	sst s0  }
0x9: {  	[smem:$0x3F6B] =	sst s1  }
0xa: {  	[smem:$0x3F6C] =	sst s2  }
0xb: {  	[smem:$0x3F6D] =	sst s3  }
0xc: {  	[smem:$0x3F6E] =	sst s4  }
0xd: {  	[smem:$0x3F6F] =	sst s5  }
0xe: {  	[smem:$0x3F70] =	sst s6  }
0xf: {  	[smem:$0x3F71] =	sst s7  }
0x10: {  	[smem:$0x3F72] =	sst s8  }
0x11: {  	[smem:$0x3F73] =	sst s9;
	s0 =	simm.s32 @!p0 $0x0  }
0x12: {  	s1 =	sld [smem:$0x3F59];
	s0 =	simm.s32 @p0 $0x1  }
0x13: {  	[smem:$0x3F74] =	sst s0;
	s0 =	simm.s32 @!p1 $0x0  }
0x14: {  	s2 =	sld [smem:$0x3F58];
	s0 =	simm.s32 @p1 $0x1  }
0x15: {  	[smem:$0x3F75] =	sst s0;
	s0 =	simm.s32 @!p2 $0x0  }
0x16: {  	s3 =	sld [smem:$0x3FDB];
	s0 =	simm.s32 @p2 $0x1  }
0x17: {  	s4 =	simm.s32 $0x1BF5;
	[smem:$0x3F77] =	sst s0  }
0x18: {  	s0 =	sld [smem:$0x3F5A];
	_ =	swait.ge [sflag:s4], $0x0  }
0x19: {  	s7 =	sld [smem:$0x3F5B]  }
0x1a: {  	s8 =	sadd.s32 $0xFFFFE003, lr  }
0x1b: {  	s9 =	sadd.s32 $0xFFFFFEF7, lr;
	s5 =	simm.s32 $0xFFFFFFFF;
	p2 =	slt.u32 s8, $0xFFFFF086  }
0x1c: {  	p1 =	slt.u32 s9, $0xF7A;
	s5 =	simm.s32 @!p2 $0x0  }
0x1d: {  	s5 =	simm.s32 @p1 $0x1;
	p0 =	seq.s32 s7, s2  }
0x1e: {  	s7 =	smul.u32 @!p0 $0xF7A, s2;
	p2 =	seq.s32 @!p0 s5, $0x0  }
0x1f: {  	s9 =	smul.u32 $0xF7A, s1;
	s8 =	simm.s32 @!p0 $0x1BF5;
	p2 =	por !p2, p0  }
0x20: {  	[sflag:s8] =	ssyncset.s32 @!p0 $0xFFFFF086;
	s6 =	sadd.s32 @!p0 s3, s7;
	s7 =	simm.s32 @!p0 $0x108  }
0x21: {  	s3 =	sadd.s32 s3, s9;
	s6 =	sadd.s32 @!p0 $0x88, s6;
	s7 =	simm.s32 @p2 $0x1082  }
0x22: {  	[simem:s7], [sflag:s8] =	dma.local @!p0 [hbm:s6], $0xF7A  }
0x23: {  	s9 =	sor.u32 $0xD0000000, s2;
	s6 =	simm.s32 $0x108;
	_ =	swait.ge @!p0 [sflag:s8], $0x0  }
0x24: {  	s3 =	sadd.s32 $0x88, s3;
	s6 =	simm.s32 @!p1 $0x1082;
	[sflag:s4] =	ssyncset.s32 $0xFFFFF086  }
0x25: {  	[simem:s6], [sflag:s4] =	dma.local [hbm:s3], $0xF7A  }
0x26: {  	[smem:$0x3F5B] =	sst s1;
	(tag) =	ssettag s2;
	_ =	strace s9  }
0x27: {  	s1 =	sld [smem:$0x3F6B]  }
0x28: {  	s2 =	sld [smem:$0x3F6C]  }
0x29: {  	s4 =	sld [smem:$0x3F6E]  }
0x2a: {  	p0 =	seq.s32 s5, $0x0;
	s5 =	sld [smem:$0x3F6F]  }
0x2b: {  	s6 =	sld [smem:$0x3F70]  }
0x2c: {  	s7 =	sld [smem:$0x3F71]  }
0x2d: {  	s3 =	simm.s32 $0x108;
	s8 =	sld [smem:$0x3F72]  }
0x2e: {  	s3 =	simm.s32 @!p0 $0x1082;
	s9 =	sld [smem:$0x3F73]  }
0x2f: {  	lr =	sadd.s32 s0, s3;
	s0 =	sld [smem:$0x3F6A]  }
0x30: {  	s3 =	sld [smem:$0x3F6D]  }
0x31: {  	[smem:$0x3F76] =	sst s10  }
0x32: {  	s10 =	sld [smem:$0x3F74];
	_ =	sdelay $0x3  }
0x33: {  	p0 =	seq.s32 s10, $0x1;
	s10 =	sld [smem:$0x3F76];
	_ =	sdelay $0x3  }
0x34: {  	[smem:$0x3F76] =	sst s10  }
0x35: {  	s10 =	sld [smem:$0x3F75];
	_ =	sdelay $0x3  }
0x36: {  	p1 =	seq.s32 s10, $0x1;
	s10 =	sld [smem:$0x3F76];
	_ =	sdelay $0x3  }
0x37: {  	[smem:$0x3F76] =	sst s10  }
0x38: {  	s10 =	sld [smem:$0x3F77]  }
0x39: {  	_ = 	snop;
	(pc) =	sbr.ind lr, $3  }
0x3a: {  	_ = 	snop  }
0x3b: {  	_ = 	snop  }
0x3c: {  	p2 =	seq.s32 s10, $0x1;
	s10 =	sld [smem:$0x3F76]  }
0x3d: {  	_ =	shalt  }
0x3e: {  	_ =	shalt  }
0x3f: {  	_ =	shalt  }
0x40: {  	_ =	shalt  }
0x41: {  	_ =	shalt  }
0x42: {  	_ =	shalt  }
0x43: {  	_ =	shalt  }
0x44: {  	_ =	shalt  }
0x45: {  	_ =	shalt  }
0x46: {  	_ =	shalt  }
0x47: {  	_ =	shalt  }
0x48: {  	_ =	shalt  }
0x49: {  	_ =	shalt  }
0x4a: {  	_ =	shalt  }
0x4b: {  	_ =	shalt  }
0x4c: {  	_ =	shalt  }
0x4d: {  	_ =	shalt  }
0x4e: {  	_ =	shalt  }
0x4f: {  	_ =	shalt  }
0x50: {  	_ =	shalt  }
0x51: {  	_ =	shalt  }
0x52: {  	_ =	shalt  }
0x53: {  	_ =	shalt  }
0x54: {  	_ =	shalt  }
0x55: {  	_ =	shalt  }
0x56: {  	_ =	shalt  }
0x57: {  	_ =	shalt  }
0x58: {  	_ =	shalt  }
0x59: {  	_ =	shalt  }
0x5a: {  	_ =	shalt  }
0x5b: {  	_ =	shalt  }
0x5c: {  	_ =	shalt  }
0x5d: {  	_ =	shalt  }
0x5e: {  	_ =	shalt  }
0x5f: {  	_ =	shalt  }
0x60: {  	_ =	shalt  }
0x61: {  	_ =	shalt  }
0x62: {  	_ =	shalt  }
0x63: {  	_ =	shalt  }
0x64: {  	_ =	shalt  }
0x65: {  	_ =	shalt  }
0x66: {  	_ =	shalt  }
0x67: {  	_ =	shalt  }
0x68: {  	_ =	shalt  }
0x69: {  	_ =	shalt  }
0x6a: {  	_ =	shalt  }
0x6b: {  	_ =	shalt  }
0x6c: {  	_ =	shalt  }
0x6d: {  	_ =	shalt  }
0x6e: {  	_ =	shalt  }
0x6f: {  	_ =	shalt  }
0x70: {  	_ =	shalt  }
0x71: {  	_ =	shalt  }
0x72: {  	_ =	shalt  }
0x73: {  	_ =	shalt  }
0x74: {  	_ =	shalt  }
0x75: {  	_ =	shalt  }
0x76: {  	_ =	shalt  }
0x77: {  	_ =	shalt  }
0x78: {  	_ =	shalt  }
0x79: {  	_ =	shalt  }
0x7a: {  	_ =	shalt  }
0x7b: {  	_ =	shalt  }
0x7c: {  	_ =	shalt  }
0x7d: {  	_ =	shalt  }
0x7e: {  	_ =	shalt  }
0x7f: {  	_ =	shalt  }
0x80: {  	_ =	shalt  }
0x81: {  	_ =	shalt  }
0x82: {  	_ =	shalt  }
0x83: {  	_ =	shalt  }
0x84: {  	_ =	shalt  }
0x85: {  	_ =	shalt  }
0x86: {  	_ =	shalt  }
0x87: {  	_ =	shalt  }
.Lfunc_end0:
.L_simem_size_0:
called_computation.3_lowered:
.L_overlay_start_0:
0x88: {  	s2 =	sld [smem:$0x3FD9]  }
0x89: {  	s3 =	sld [smem:$0x3FFE];
	_ =	sdelay $0x1  }
0x8a: {  	s1 =	srdreg.scid  }
0x8b: {  	s0 =	sand.u32 $0x1, s1  }
0x8c: {  	s16 =	sshll.u32 s0, $0xA;
	s2 =	sadd.s32 s3, s2  }
0x8d: {  	s2 =	sadd.s32 s2, s16  }
0x8e: {  	[smem:$0x3F82] =	sst s2  }
0x8f: {  	_ = 	snop  }
0x90: {  	(tm) =	ssettm $0x1  }
0x91: {  	s17 =	sld [smem:$0x3FFB];
	_ =	sdelay $0x3  }
0x92: {  	_ =	strace s17  }
0x93: {  	s2 =	sld [smem:$0x3FFC];
	_ =	sdelay $0x3  }
0x94: {  	_ =	strace s2  }
0x95: {  	s2 =	sld [smem:$0x3FFD];
	_ =	sdelay $0x3  }
0x96: {  	_ =	strace s2  }
0x97: {  	_ =	strace $0x8FFFFFFF  }
0x98: {  	s18 =	sld [smem:$0x3FDB];
	_ =	sdelay $0x1  }
0x99: {  	s19 =	simm.s32 $_scs_section_size  }
0x9a: {  	s4 =	simm.s32 $_size__tile_overlayer_lowered;
	s5 =	simm.s32 $_tile_overlayer_lowered  }
0x9b: {  	s22 =	simm.s32 $0x1BFF;
	s21 =	sshll.u32 s5, $0x1;
	s2 =	sadd.s32 s19, s18  }
0x9c: {  	s6 =	simm.s32 $0x0;
	s20 =	sshll.u32 s4, $0x1;
	s4 =	sadd.s32 s21, s2  }
0x9d: {  	[timem:s6], [sflag:s22] =	dma.local [hbm:s4], s20  }
0x9e: {  	_ =	swait.ge [sflag:s22], s20  }
0x9f: {  	s3 =	ssub.s32 $0x0, s20;
	[sflag:s22] =	ssyncset.done $0x0  }
0xa0: {  	[sflag:s22] =	ssyncadd.s32 s3;
	_ =	sdelay $0x1  }
0xa1: {  	s23 =	simm.s32 $0x1B8B  }
0xa2: {  	_ =	swait.ge [sflag:s23], $0x1  }
0xa3: {  	[sflag:s23] =	ssyncset.done $0x0  }
0xa4: {  	s25 =	simm.s32 $0x1B8E;
	s24 =	sld [smem:$0x3FFE];
	[sflag:s23] =	ssyncadd.s32 $0xFFFFFFFF  }
0xa5: {  	s26 =	simm.s32 $execute0_lowered;
	[smem:$0x3FD2] =	sst s25  }
0xa6: {  	s4 =	sshll.u32 s26, $0x1;
	_ =	strace $0x8000004F;
	[dreg:$0x1] =	wrdreg $0xFFFFFFFF  }
0xa7: {  	s28 =	simm.s32 $_size_execute0_lowered;
	s2 =	sadd.s32 s2, s4;
	[dreg:$0x0] =	wrdreg $0x0  }
0xa8: {  	s4 =	sshll.u32 s28, $0x1;
	[dreg:$0x2] =	wrdreg s2  }
0xa9: {  	[dreg:$0x3] =	wrdreg s4  }
0xaa: {  	[dreg:$0x4] =	wrdreg $0xC0  }
0xab: {  	_ =	task [dreg:s6], $0x5FFFF  }
0xac: {  	[dreg:$0x1] =	wrdreg $0xFFFFFFFF  }
0xad: {  	[dreg:$0x0] =	wrdreg $0x60  }
0xae: {  	[dreg:$0x2] =	wrdreg s24  }
0xaf: {  	[dreg:$0x3] =	wrdreg $0x9  }
0xb0: {  	_ =	task.clear_ibuf [dreg:s6], $0x4FFFF;
	_ =	strace $0x9000004F  }
0xb1: {  	s29 =	simm.s32 $0x9;
	_ =	strace $0x80000051  }
0xb2: {  	_ =	swait.ge [sflag:s29], $0x1  }
0xb3: {  	[sflag:s29] =	ssyncadd.s32 $0xFFFFFFFF  }
0xb4: {  	_ =	strace $0x90000051  }
0xb5: {  	_ =	sfence  }
0xb6: {  	s30 =	sld [smem:$0x0];
	_ =	sdelay $0x2  }
0xb7: {  	s31 =	sshll.u32 s1, $0xD;
	s1 =	sshrl.u32 s1, $0x2  }
0xb8: {  	s3 =	sand.u32 $0x4000, s31;
	s1 =	sadd.s32 s1, s30  }
0xb9: {  	s0 =	sor.u32 s3, s0;
	s1 =	sshll.u32 s1, $0x11  }
0xba: {  	s0 =	sor.u32 s1, s0  }
0xbb: {  	s0 =	sadd.s32 $0x8F2B, s0  }
0xbc: {  	[sflag:s0] =	ssyncadd.remote.s32 $0x1  }
0xbd: {  	_ =	sfence.sel $0xFFFF  }
0xbe: {  	[dreg:$0x0] =	wrdreg $0xFFFFFFFF;
	(pc) =	sbr.abs _section_cstart, $3  }
0xbf: {  	[dreg:$0x1] =	wrdreg $0xFFFFFFFF  }
0xc0: {  	_ =	task.clear_ibuf [dreg:s6], $0x2FFFF;
	_ =	strace $0x9FFFFFFF  }
0xc1: {  	(tm) =	ssettm $0x7FFFFFFF  }
tec
execute0_lowered:
.L_overlay_start_1:
0x0: {  	(tag) =	ssettag $0x1  }
0x1: {  	s1 =	srdreg.scid  }
0x2: {  	s0 =	stileid.u32;
	s4 =	rddreg [dreg:$0x0];
	s2 =	simm.s32 $0x0  }
0x3: {  	s11 =	simm.s32 $0x0;
	s5 =	sand.u32 $0x1, s1;
	s1 =	rddreg [dreg:$0x1]  }
0x4: {  	s3 =	sshll.u32 s0, $0x1;
	[smem:$0x7FF] =	sst s2;
	s7 =	smul.u32 $0x14000, s0  }
0x5: {  	s3 =	sor.u32 s5, s3;
	_ =	strace $0x80000050;
	s10 =	smul.u32 $0xA000, s5  }
0x6: {  	s8 =	ssub.s32 $0x2, s5;
	s6 =	smul.u32 $0x280, s3;
	s3 =	sadd.s32 $0x1A0A00, s4  }
0x7: {  	s9 =	sshrl.u32 s8, $0x1;
	s30 =	sadd.s32 s7, s4;
	s7 =	simm.s32 $0x2  }
0x8: {  	s31 =	ssub.s32 s8, s9;
	s8 =	simm.s32 $0x80;
	s9 =	simm.s32 $0x1400  }
0x9: {  	s29 =	sadd.s32 s6, s4;
	s5 =	smax.u32 s31, $0x1;
	s6 =	sadd.s32 s10, s30  }
0xa: {  	s10 =	simm.s32 $0x1;
	s4 =	sadd.s32 $0x4B200, s29;
	s6 =	sadd.s32 $0x50200, s6  }
.LBB2_1:
0xb: {  	[tilespmem:s2], [sflag:$0x2] =	stream.linear.gather [hbm4b:s4+s2], $0x1400, $0x38;
	[tilespmem:$0x3400] =	vst v63  }
0xc: {  	_ =	swait.ge [sflag:s7], $0x1400  }
0xd: {  	[sflag:s7] =	ssyncset.done $0x0  }
0xe: {  	s12 =	simm.s32 $0x0;
	[sflag:s7] =	ssyncadd.s32 $0xFFFFEC00  }
0xf: {  	[tilespmem:s9], [sflag:$0x1] =	stream.indirect.gather [hbm4b:s3+s8], $0x40, s12, s8, $0xb8;
	[tilespmem:$0x3400] =	vst v63  }
0x10: {  	_ =	swait.ge [sflag:s10], $0x2000  }
0x11: {  	[sflag:s10] =	ssyncset.done $0x0  }
0x12: {  	[sflag:s10] =	ssyncadd.s32 $0xFFFFE000  }
0x13: {  	[hbm4b:s6+s2] =	stream.linear.scatter [tilespmem:s9], [sflag:$0x2], $0x2000, $0x38;
	[tilespmem:$0x3400] =	vst v63  }
0x14: {  	s13 =	simm.s32 $0x200;
	_ =	swait.ge [sflag:s7], $0x2000  }
0x15: {  	s14 =	simm.s32 $0x400;
	s12 =	sadd.s32 $0x400, s6;
	[sflag:s7] =	ssyncset.done $0x0  }
.LBB2_2:
0x16: {  	s15 =	sshra.s32 s13, $0x2  }
0x17: {  	[sflag:s7] =	ssyncadd.s32 $0xFFFFE000;
	s13 =	smov.u32 s14;
	s16 =	sadd.s32 $0x200, s14  }
0x18: {  	[tilespmem:s9], [sflag:$0x1] =	stream.indirect.gather [hbm4b:s3+s8], $0x40, s15, s8, $0xb8;
	[tilespmem:$0x3400] =	vst v63  }
0x19: {  	p0 =	sne.s32 s14, $0x4E00;
	_ =	swait.ge [sflag:s10], $0x2000  }
.Ltmp0:
0x1a: {  	[sflag:s10] =	ssyncset.done $0x0;
	(pc) =	sbr.rel @p0 .LBB2_2-.Ltmp0, $4  }
0x1b: {  	[sflag:s10] =	ssyncadd.s32 $0xFFFFE000  }
0x1c: {  	[hbm4b:s12+s2] =	stream.linear.scatter [tilespmem:s9], [sflag:$0x2], $0x2000, $0x38;
	[tilespmem:$0x3400] =	vst v63  }
0x1d: {  	_ =	swait.ge [sflag:s7], $0x2000  }
0x1e: {  	s14 =	smov.u32 s16;
	s12 =	sadd.s32 $0x400, s12;
	[sflag:s7] =	ssyncset.done $0x0  }
0x1f: {  	s13 =	sshra.s32 s13, $0x2;
	[sflag:s7] =	ssyncadd.s32 $0xFFFFE000  }
0x20: {  	[tilespmem:s9], [sflag:$0x1] =	stream.indirect.gather [hbm4b:s3+s8], $0x40, s13, s8, $0xb8;
	[tilespmem:$0x3400] =	vst v63  }
0x21: {  	s11 =	sadd.s32 $0x1, s11;
	_ =	swait.ge [sflag:s10], $0x2000  }
0x22: {  	p0 =	sne.s32 s11, s5;
	[sflag:s10] =	ssyncset.done $0x0  }
.Ltmp1:
0x23: {  	[sflag:s10] =	ssyncadd.s32 $0xFFFFE000;
	(pc) =	sbr.rel @p0 .LBB2_1-.Ltmp1, $4  }
0x24: {  	[hbm4b:s12+s2] =	stream.linear.scatter [tilespmem:s9], [sflag:$0x2], $0x2000, $0x38;
	[tilespmem:$0x3400] =	vst v63  }
0x25: {  	_ =	swait.ge [sflag:s7], $0x2000  }
0x26: {  	[sflag:s7] =	ssyncset.done $0x0  }
0x27: {  	[sflag:s7] =	ssyncadd.s32 $0xFFFFE000  }
0x28: {  	_ =	sfence.sel $0x180000  }
0x29: {  	[bflag:$0x0] =	sbarrier.arrive $0xFFFF  }
0x2a: {  	p0 =	sne.s32 s0, $0x0;
	_ =	strace $0x90000050  }
0x2b: {  	s0 =	sadd.s32 @!p0 $0x100000, s1;
	[bflag:$0x2] =	sbarrier.arrive $0xFFFF  }
0x2c: {  	[sflag:s0] =	ssyncadd.tile.s32 @!p0 $0x1;
	_ =	shalt  }
.Lfunc_end2:
_tile_overlayer_lowered:
.L_overlay_start_2:
0x2d: {  	(tag) =	ssettag $0x2  }
0x2e: {  	s0 =	rddreg [dreg:$0x0];
	s2 =	stileid.u32  }
0x2f: {  	s1 =	rddreg [dreg:$0x1];
	p0 =	sne.s32 s2, $0x0  }
0x30: {  	s3 =	rddreg [dreg:$0x2];
	[bflag:$0x3] =	sbarrier.arrive $0xFFFF;
	s2 =	simm.s32 @!p0 $0x1C02  }
0x31: {  	[timem:s3], [sflag:s2] =	dma.local @!p0 [hbm:s0], s1  }
0x32: {  	s0 =	simm.s32 @!p0 $0x2  }
0x33: {  	_ =	swait.ge @!p0 [sflag:s0], s1  }
0x34: {  	s1 =	ssub.s32 @!p0 $0x0, s1;
	[sflag:s0] =	ssyncset.done @!p0 $0x0  }
0x35: {  	[sflag:s0] =	ssyncadd.s32 @!p0 s1  }
0x36: {  	[bflag:$0x3] =	sbarrier.arrive $0xFFFF  }
0x37: {  	_ =	shalt  }

// kernel: kernel.29.cloned.1.call-start
scs
__scs_entry_jumppad:
0x0: {  	(pc) =	sbr.rel $0x88, $3  }
0x1: {  	(tag) =	ssettag $0x0;
	lr =	simm.s32 $0x1  }
0x2: {  	[smem:$0x3F5B] =	sst lr;
	_ =	strace $0xD0000000  }
0x3: {  	_ = 	snop  }
0x4: {  	_ = 	snop  }
0x5: {  	_ = 	snop  }
0x6: {  	_ = 	snop  }
0x7: {  	_ = 	snop  }
__scs_overlays_trampoline_lowered:
0x8: {  	[smem:$0x3F6A] =	sst s0  }
0x9: {  	[smem:$0x3F6B] =	sst s1  }
0xa: {  	[smem:$0x3F6C] =	sst s2  }
0xb: {  	[smem:$0x3F6D] =	sst s3  }
0xc: {  	[smem:$0x3F6E] =	sst s4  }
0xd: {  	[smem:$0x3F6F] =	sst s5  }
0xe: {  	[smem:$0x3F70] =	sst s6  }
0xf: {  	[smem:$0x3F71] =	sst s7  }
0x10: {  	[smem:$0x3F72] =	sst s8  }
0x11: {  	[smem:$0x3F73] =	sst s9;
	s0 =	simm.s32 @!p0 $0x0  }
0x12: {  	s1 =	sld [smem:$0x3F59];
	s0 =	simm.s32 @p0 $0x1  }
0x13: {  	[smem:$0x3F74] =	sst s0;
	s0 =	simm.s32 @!p1 $0x0  }
0x14: {  	s2 =	sld [smem:$0x3F58];
	s0 =	simm.s32 @p1 $0x1  }
0x15: {  	[smem:$0x3F75] =	sst s0;
	s0 =	simm.s32 @!p2 $0x0  }
0x16: {  	s3 =	sld [smem:$0x3FDB];
	s0 =	simm.s32 @p2 $0x1  }
0x17: {  	s4 =	simm.s32 $0x1BF5;
	[smem:$0x3F77] =	sst s0  }
0x18: {  	s0 =	sld [smem:$0x3F5A];
	_ =	swait.ge [sflag:s4], $0x0  }
0x19: {  	s7 =	sld [smem:$0x3F5B]  }
0x1a: {  	s8 =	sadd.s32 $0xFFFFE003, lr  }
0x1b: {  	s9 =	sadd.s32 $0xFFFFFEF7, lr;
	s5 =	simm.s32 $0xFFFFFFFF;
	p2 =	slt.u32 s8, $0xFFFFF086  }
0x1c: {  	p1 =	slt.u32 s9, $0xF7A;
	s5 =	simm.s32 @!p2 $0x0  }
0x1d: {  	s5 =	simm.s32 @p1 $0x1;
	p0 =	seq.s32 s7, s2  }
0x1e: {  	s7 =	smul.u32 @!p0 $0xF7A, s2;
	p2 =	seq.s32 @!p0 s5, $0x0  }
0x1f: {  	s9 =	smul.u32 $0xF7A, s1;
	s8 =	simm.s32 @!p0 $0x1BF5;
	p2 =	por !p2, p0  }
0x20: {  	[sflag:s8] =	ssyncset.s32 @!p0 $0xFFFFF086;
	s6 =	sadd.s32 @!p0 s3, s7;
	s7 =	simm.s32 @!p0 $0x108  }
0x21: {  	s3 =	sadd.s32 s3, s9;
	s6 =	sadd.s32 @!p0 $0x88, s6;
	s7 =	simm.s32 @p2 $0x1082  }
0x22: {  	[simem:s7], [sflag:s8] =	dma.local @!p0 [hbm:s6], $0xF7A  }
0x23: {  	s9 =	sor.u32 $0xD0000000, s2;
	s6 =	simm.s32 $0x108;
	_ =	swait.ge @!p0 [sflag:s8], $0x0  }
0x24: {  	s3 =	sadd.s32 $0x88, s3;
	s6 =	simm.s32 @!p1 $0x1082;
	[sflag:s4] =	ssyncset.s32 $0xFFFFF086  }
0x25: {  	[simem:s6], [sflag:s4] =	dma.local [hbm:s3], $0xF7A  }
0x26: {  	[smem:$0x3F5B] =	sst s1;
	(tag) =	ssettag s2;
	_ =	strace s9  }
0x27: {  	s1 =	sld [smem:$0x3F6B]  }
0x28: {  	s2 =	sld [smem:$0x3F6C]  }
0x29: {  	s4 =	sld [smem:$0x3F6E]  }
0x2a: {  	p0 =	seq.s32 s5, $0x0;
	s5 =	sld [smem:$0x3F6F]  }
0x2b: {  	s6 =	sld [smem:$0x3F70]  }
0x2c: {  	s7 =	sld [smem:$0x3F71]  }
0x2d: {  	s3 =	simm.s32 $0x108;
	s8 =	sld [smem:$0x3F72]  }
0x2e: {  	s3 =	simm.s32 @!p0 $0x1082;
	s9 =	sld [smem:$0x3F73]  }
0x2f: {  	lr =	sadd.s32 s0, s3;
	s0 =	sld [smem:$0x3F6A]  }
0x30: {  	s3 =	sld [smem:$0x3F6D]  }
0x31: {  	[smem:$0x3F76] =	sst s10  }
0x32: {  	s10 =	sld [smem:$0x3F74];
	_ =	sdelay $0x3  }
0x33: {  	p0 =	seq.s32 s10, $0x1;
	s10 =	sld [smem:$0x3F76];
	_ =	sdelay $0x3  }
0x34: {  	[smem:$0x3F76] =	sst s10  }
0x35: {  	s10 =	sld [smem:$0x3F75];
	_ =	sdelay $0x3  }
0x36: {  	p1 =	seq.s32 s10, $0x1;
	s10 =	sld [smem:$0x3F76];
	_ =	sdelay $0x3  }
0x37: {  	[smem:$0x3F76] =	sst s10  }
0x38: {  	s10 =	sld [smem:$0x3F77]  }
0x39: {  	_ = 	snop;
	(pc) =	sbr.ind lr, $3  }
0x3a: {  	_ = 	snop  }
0x3b: {  	_ = 	snop  }
0x3c: {  	p2 =	seq.s32 s10, $0x1;
	s10 =	sld [smem:$0x3F76]  }
0x3d: {  	_ =	shalt  }
0x3e: {  	_ =	shalt  }
0x3f: {  	_ =	shalt  }
0x40: {  	_ =	shalt  }
0x41: {  	_ =	shalt  }
0x42: {  	_ =	shalt  }
0x43: {  	_ =	shalt  }
0x44: {  	_ =	shalt  }
0x45: {  	_ =	shalt  }
0x46: {  	_ =	shalt  }
0x47: {  	_ =	shalt  }
0x48: {  	_ =	shalt  }
0x49: {  	_ =	shalt  }
0x4a: {  	_ =	shalt  }
0x4b: {  	_ =	shalt  }
0x4c: {  	_ =	shalt  }
0x4d: {  	_ =	shalt  }
0x4e: {  	_ =	shalt  }
0x4f: {  	_ =	shalt  }
0x50: {  	_ =	shalt  }
0x51: {  	_ =	shalt  }
0x52: {  	_ =	shalt  }
0x53: {  	_ =	shalt  }
0x54: {  	_ =	shalt  }
0x55: {  	_ =	shalt  }
0x56: {  	_ =	shalt  }
0x57: {  	_ =	shalt  }
0x58: {  	_ =	shalt  }
0x59: {  	_ =	shalt  }
0x5a: {  	_ =	shalt  }
0x5b: {  	_ =	shalt  }
0x5c: {  	_ =	shalt  }
0x5d: {  	_ =	shalt  }
0x5e: {  	_ =	shalt  }
0x5f: {  	_ =	shalt  }
0x60: {  	_ =	shalt  }
0x61: {  	_ =	shalt  }
0x62: {  	_ =	shalt  }
0x63: {  	_ =	shalt  }
0x64: {  	_ =	shalt  }
0x65: {  	_ =	shalt  }
0x66: {  	_ =	shalt  }
0x67: {  	_ =	shalt  }
0x68: {  	_ =	shalt  }
0x69: {  	_ =	shalt  }
0x6a: {  	_ =	shalt  }
0x6b: {  	_ =	shalt  }
0x6c: {  	_ =	shalt  }
0x6d: {  	_ =	shalt  }
0x6e: {  	_ =	shalt  }
0x6f: {  	_ =	shalt  }
0x70: {  	_ =	shalt  }
0x71: {  	_ =	shalt  }
0x72: {  	_ =	shalt  }
0x73: {  	_ =	shalt  }
0x74: {  	_ =	shalt  }
0x75: {  	_ =	shalt  }
0x76: {  	_ =	shalt  }
0x77: {  	_ =	shalt  }
0x78: {  	_ =	shalt  }
0x79: {  	_ =	shalt  }
0x7a: {  	_ =	shalt  }
0x7b: {  	_ =	shalt  }
0x7c: {  	_ =	shalt  }
0x7d: {  	_ =	shalt  }
0x7e: {  	_ =	shalt  }
0x7f: {  	_ =	shalt  }
0x80: {  	_ =	shalt  }
0x81: {  	_ =	shalt  }
0x82: {  	_ =	shalt  }
0x83: {  	_ =	shalt  }
0x84: {  	_ =	shalt  }
0x85: {  	_ =	shalt  }
0x86: {  	_ =	shalt  }
0x87: {  	_ =	shalt  }
.Lfunc_end0:
.L_simem_size_0:
called_computation.4_lowered:
.L_overlay_start_0:
0x88: {  	s2 =	sld [smem:$0x3FD9]  }
0x89: {  	s3 =	sld [smem:$0x3FFE];
	_ =	sdelay $0x1  }
0x8a: {  	s1 =	srdreg.scid  }
0x8b: {  	s0 =	sand.u32 $0x1, s1  }
0x8c: {  	s16 =	sshll.u32 s0, $0xA;
	s2 =	sadd.s32 s3, s2  }
0x8d: {  	s2 =	sadd.s32 s2, s16  }
0x8e: {  	[smem:$0x3F82] =	sst s2  }
0x8f: {  	_ = 	snop  }
0x90: {  	(tm) =	ssettm $0x1  }
0x91: {  	s17 =	sld [smem:$0x3FFB];
	_ =	sdelay $0x3  }
0x92: {  	_ =	strace s17  }
0x93: {  	s2 =	sld [smem:$0x3FFC];
	_ =	sdelay $0x3  }
0x94: {  	_ =	strace s2  }
0x95: {  	s2 =	sld [smem:$0x3FFD];
	_ =	sdelay $0x3  }
0x96: {  	_ =	strace s2  }
0x97: {  	_ =	strace $0x8FFFFFFF  }
0x98: {  	s18 =	sld [smem:$0x3FDB];
	_ =	sdelay $0x1  }
0x99: {  	s19 =	simm.s32 $_scs_section_size  }
0x9a: {  	s4 =	simm.s32 $_size__tile_overlayer_lowered;
	s5 =	simm.s32 $_tile_overlayer_lowered  }
0x9b: {  	s22 =	simm.s32 $0x1BFF;
	s21 =	sshll.u32 s5, $0x1;
	s2 =	sadd.s32 s19, s18  }
0x9c: {  	s6 =	simm.s32 $0x0;
	s20 =	sshll.u32 s4, $0x1;
	s4 =	sadd.s32 s21, s2  }
0x9d: {  	[timem:s6], [sflag:s22] =	dma.local [hbm:s4], s20  }
0x9e: {  	_ =	swait.ge [sflag:s22], s20  }
0x9f: {  	s3 =	ssub.s32 $0x0, s20;
	[sflag:s22] =	ssyncset.done $0x0  }
0xa0: {  	[sflag:s22] =	ssyncadd.s32 s3;
	_ =	sdelay $0x1  }
0xa1: {  	s23 =	simm.s32 $0x1B8B  }
0xa2: {  	_ =	swait.ge [sflag:s23], $0x1  }
0xa3: {  	[sflag:s23] =	ssyncset.done $0x0  }
0xa4: {  	s25 =	simm.s32 $0x1B8E;
	s24 =	sld [smem:$0x3FFE];
	[sflag:s23] =	ssyncadd.s32 $0xFFFFFFFF  }
0xa5: {  	s26 =	simm.s32 $execute0_lowered;
	[smem:$0x3FD2] =	sst s25  }
0xa6: {  	s4 =	sshll.u32 s26, $0x1;
	_ =	strace $0x80000052;
	[dreg:$0x1] =	wrdreg $0xFFFFFFFF  }
0xa7: {  	s28 =	simm.s32 $_size_execute0_lowered;
	s2 =	sadd.s32 s2, s4;
	[dreg:$0x0] =	wrdreg $0x0  }
0xa8: {  	s4 =	sshll.u32 s28, $0x1;
	[dreg:$0x2] =	wrdreg s2  }
0xa9: {  	[dreg:$0x3] =	wrdreg s4  }
0xaa: {  	[dreg:$0x4] =	wrdreg $0xC0  }
0xab: {  	_ =	task [dreg:s6], $0x5FFFF  }
0xac: {  	[dreg:$0x1] =	wrdreg $0xFFFFFFFF  }
0xad: {  	[dreg:$0x0] =	wrdreg $0x60  }
0xae: {  	[dreg:$0x2] =	wrdreg s24  }
0xaf: {  	[dreg:$0x3] =	wrdreg $0x34000  }
0xb0: {  	[dreg:$0x4] =	wrdreg $0x9  }
0xb1: {  	_ =	task.clear_ibuf [dreg:s6], $0x5FFFF;
	_ =	strace $0x90000052  }
0xb2: {  	s29 =	simm.s32 $0x9;
	_ =	strace $0x80000054  }
0xb3: {  	_ =	swait.ge [sflag:s29], $0x1  }
0xb4: {  	[sflag:s29] =	ssyncadd.s32 $0xFFFFFFFF  }
0xb5: {  	_ =	strace $0x90000054  }
0xb6: {  	_ =	sfence  }
0xb7: {  	s30 =	sld [smem:$0x0];
	_ =	sdelay $0x2  }
0xb8: {  	s31 =	sshll.u32 s1, $0xD;
	s1 =	sshrl.u32 s1, $0x2  }
0xb9: {  	s3 =	sand.u32 $0x4000, s31;
	s1 =	sadd.s32 s1, s30  }
0xba: {  	s0 =	sor.u32 s3, s0;
	s1 =	sshll.u32 s1, $0x11  }
0xbb: {  	s0 =	sor.u32 s1, s0  }
0xbc: {  	s0 =	sadd.s32 $0x8F2B, s0  }
0xbd: {  	[sflag:s0] =	ssyncadd.remote.s32 $0x1  }
0xbe: {  	_ =	sfence.sel $0xFFFF  }
0xbf: {  	[dreg:$0x0] =	wrdreg $0xFFFFFFFF;
	(pc) =	sbr.abs _section_cstart, $3  }
0xc0: {  	[dreg:$0x1] =	wrdreg $0xFFFFFFFF  }
0xc1: {  	_ =	task.clear_ibuf [dreg:s6], $0x2FFFF;
	_ =	strace $0x9FFFFFFF  }
0xc2: {  	(tm) =	ssettm $0x7FFFFFFF  }
0xc3: {  	_ =	shalt  }
tec
execute0_lowered:
.L_overlay_start_1:
0x0: {  	(tag) =	ssettag $0x1  }
0x1: {  	s5 =	rddreg [dreg:$0x0]  }
0x2: {  	s2 =	rddreg [dreg:$0x1]  }
0x3: {  	s0 =	rddreg [dreg:$0x2]  }
0x4: {  	s1 =	stileid.u32;
	s3 =	srdreg.scid  }
0x5: {  	s14 =	simm.s32 $0x0;
	s4 =	smul.u32 $0x14000, s1;
	s6 =	sand.u32 $0x1, s3  }
0x6: {  	s7 =	sshll.u32 s1, $0x1;
	s8 =	smul.u32 $0xA000, s1;
	s3 =	simm.s32 $0x0  }
0x7: {  	s30 =	sshll.u32 s1, $0x6;
	s7 =	sor.u32 s6, s7;
	s9 =	smul.u32 $0xA0000, s6  }
0x8: {  	[smem:$0x7FF] =	sst s3;
	s11 =	ssub.s32 $0x2, s6;
	s12 =	smul.u32 $0xA000, s6  }
0x9: {  	s7 =	smul.u32 $0x280, s7;
	_ =	strace $0x80000053;
	s10 =	sadd.s32 s4, s5  }
0xa: {  	s4 =	sadd.s32 $0x37800, s5;
	s29 =	sshrl.u32 s11, $0x1;
	s13 =	sadd.s32 s8, s2  }
0xb: {  	s28 =	sadd.s32 s8, s9;
	s11 =	ssub.s32 s11, s29;
	s31 =	sadd.s32 s12, s10  }
0xc: {  	s10 =	sshrl.u32 s13, $0x3;
	s12 =	simm.s32 $0x1400;
	s13 =	simm.s32 $0x80  }
0xd: {  	s7 =	sadd.s32 s7, s5;
	s9 =	sshrl.u32 s28, $0x3;
	s8 =	smax.u32 s11, $0x1  }
0xe: {  	s11 =	simm.s32 $0x1;
	s9 =	sadd.s32 s9, s5;
	s6 =	sadd.s32 $0x190200, s7  }
0xf: {  	s5 =	sor.u32 $0x1C01, s30;
	s7 =	sadd.s32 $0x1A0A00, s9;
	s9 =	sadd.s32 $0x50200, s31  }
.LBB2_1:
0x10: {  	[spmem:s10], [sflag:s5] =	dma.local [hbm:s4], $0x1400  }
0x11: {  	_ =	swait.ge [sflag:s11], $0x1400  }
0x12: {  	[sflag:s11] =	ssyncset.done $0x0  }
0x13: {  	[sflag:s11] =	ssyncadd.s32 $0xFFFFEC00  }
0x14: {  	[tilespmem:s3], [sflag:$0x1] =	stream.linear.gather [hbm4b:s6+s3], $0x1400, $0x38;
	[tilespmem:$0xD400] =	vst v63  }
0x15: {  	_ =	swait.ge [sflag:s11], $0x1400  }
0x16: {  	[sflag:s11] =	ssyncset.done $0x0  }
0x17: {  	[sflag:s11] =	ssyncadd.s32 $0xFFFFEC00  }
0x18: {  	[bflag:$0x0] =	sbarrier.arrive $0xFFFF  }
0x19: {  	[tilespmem:s12], [sflag:$0x1] =	stream.linear.gather [hbm4b:s9+s3], $0x2000, $0x38;
	[tilespmem:$0xD400] =	vst v63  }
0x1a: {  	_ =	swait.ge [sflag:s11], $0x2000  }
0x1b: {  	[sflag:s11] =	ssyncset.done $0x0  }
0x1c: {  	s15 =	simm.s32 $0x0;
	[sflag:s11] =	ssyncadd.s32 $0xFFFFE000  }
0x1d: {  	[spmem:s2] =	stream.indirect.scatter.add.f32 [tilespmem:s12], [sflag:$0x1], $0x40, s15, s13, $0xb8;
	[tilespmem:$0xD400] =	vst v63  }
0x1e: {  	_ =	swait.ge [sflag:s11], $0x2000  }
0x1f: {  	s16 =	smov.u32 s9;
	s15 =	simm.s32 $0x200;
	[sflag:s11] =	ssyncset.done $0x0  }
.LBB2_2:
0x20: {  	p0 =	sne.s32 s15, $0x4E00;
	[sflag:s11] =	ssyncadd.s32 $0xFFFFE000;
	s16 =	sadd.s32 $0x400, s16  }
0x21: {  	[tilespmem:s12], [sflag:$0x1] =	stream.linear.gather [hbm4b:s16+s3], $0x2000, $0x38;
	[tilespmem:$0xD400] =	vst v63  }
0x22: {  	s17 =	smov.u32 s15;
	s15 =	sadd.s32 $0x200, s15;
	_ =	swait.ge [sflag:s11], $0x2000  }
.Ltmp0:
0x23: {  	[sflag:s11] =	ssyncset.done $0x0;
	(pc) =	sbr.rel @p0 .LBB2_2-.Ltmp0, $4  }
0x24: {  	s17 =	sshra.s32 s17, $0x2;
	[sflag:s11] =	ssyncadd.s32 $0xFFFFE000  }
0x25: {  	[spmem:s2] =	stream.indirect.scatter.add.f32 [tilespmem:s12], [sflag:$0x1], $0x40, s17, s13, $0xb8;
	[tilespmem:$0xD400] =	vst v63  }
0x26: {  	_ =	swait.ge [sflag:s11], $0x2000  }
0x27: {  	[sflag:s11] =	ssyncset.done $0x0  }
0x28: {  	s14 =	sadd.s32 $0x1, s14  }
0x29: {  	[sflag:s11] =	ssyncadd.s32 $0xFFFFE000;
	p0 =	sne.s32 s14, s8  }
.Ltmp1:
0x2a: {  	[bflag:$0x0] =	sbarrier.arrive $0xFFFF;
	(pc) =	sbr.rel @p0 .LBB2_1-.Ltmp1, $4  }
0x2b: {  	[hbm:s7], [sflag:s5] =	dma.local [spmem:s10], $0x1400  }
0x2c: {  	_ =	swait.ge [sflag:s11], $0x1400  }
0x2d: {  	[sflag:s11] =	ssyncset.done $0x0  }
0x2e: {  	[sflag:s11] =	ssyncadd.s32 $0xFFFFEC00  }
0x2f: {  	_ =	sfence.sel $0x180000  }
0x30: {  	[bflag:$0x0] =	sbarrier.arrive $0xFFFF  }
0x31: {  	p0 =	sne.s32 s1, $0x0;
	_ =	strace $0x90000053  }
0x32: {  	s0 =	sadd.s32 @!p0 $0x100000, s0;
	[bflag:$0x2] =	sbarrier.arrive $0xFFFF  }
0x33: {  	[sflag:s0] =	ssyncadd.tile.s32 @!p0 $0x1;
	_ =	shalt  }
.Lfunc_end2:
_tile_overlayer_lowered:
.L_overlay_start_2:
0x34: {  	(tag) =	ssettag $0x2  }
0x35: {  	s0 =	rddreg [dreg:$0x0];
	s2 =	stileid.u32  }
0x36: {  	s1 =	rddreg [dreg:$0x1];
	p0 =	sne.s32 s2, $0x0  }
0x37: {  	s3 =	rddreg [dreg:$0x2];
	[bflag:$0x3] =	sbarrier.arrive $0xFFFF;
	s2 =	simm.s32 @!p0 $0x1C01  }
0x38: {  	[timem:s3], [sflag:s2] =	dma.local @!p0 [hbm:s0], s1  }
0x39: {  	s0 =	simm.s32 @!p0 $0x1  }
0x3a: {  	_ =	swait.ge @!p0 [sflag:s0], s1  }
0x3b: {  	s1 =	ssub.s32 @!p0 $0x0, s1;
	[sflag:s0] =	ssyncset.done @!p0 $0x0  }
0x3c: {  	[sflag:s0] =	ssyncadd.s32 @!p0 s1  }
0x3d: {  	[bflag:$0x3] =	sbarrier.arrive $0xFFFF  }
0x3e: {  	_ =	shalt  }

// kernel: kernel.32.cloned.1.call-start
scs
__scs_entry_jumppad:
0x0: {  	(pc) =	sbr.rel $0x88, $3  }
0x1: {  	(tag) =	ssettag $0x0;
	lr =	simm.s32 $0x1  }
0x2: {  	[smem:$0x3F5B] =	sst lr;
	_ =	strace $0xD0000000  }
0x3: {  	_ = 	snop  }
0x4: {  	_ = 	snop  }
0x5: {  	_ = 	snop  }
0x6: {  	_ = 	snop  }
0x7: {  	_ = 	snop  }
__scs_overlays_trampoline_lowered:
0x8: {  	[smem:$0x3F6A] =	sst s0  }
0x9: {  	[smem:$0x3F6B] =	sst s1  }
0xa: {  	[smem:$0x3F6C] =	sst s2  }
0xb: {  	[smem:$0x3F6D] =	sst s3  }
0xc: {  	[smem:$0x3F6E] =	sst s4  }
0xd: {  	[smem:$0x3F6F] =	sst s5  }
0xe: {  	[smem:$0x3F70] =	sst s6  }
0xf: {  	[smem:$0x3F71] =	sst s7  }
0x10: {  	[smem:$0x3F72] =	sst s8  }
0x11: {  	[smem:$0x3F73] =	sst s9;
	s0 =	simm.s32 @!p0 $0x0  }
0x12: {  	s1 =	sld [smem:$0x3F59];
	s0 =	simm.s32 @p0 $0x1  }
0x13: {  	[smem:$0x3F74] =	sst s0;
	s0 =	simm.s32 @!p1 $0x0  }
0x14: {  	s2 =	sld [smem:$0x3F58];
	s0 =	simm.s32 @p1 $0x1  }
0x15: {  	[smem:$0x3F75] =	sst s0;
	s0 =	simm.s32 @!p2 $0x0  }
0x16: {  	s3 =	sld [smem:$0x3FDB];
	s0 =	simm.s32 @p2 $0x1  }
0x17: {  	s4 =	simm.s32 $0x1BF5;
	[smem:$0x3F77] =	sst s0  }
0x18: {  	s0 =	sld [smem:$0x3F5A];
	_ =	swait.ge [sflag:s4], $0x0  }
0x19: {  	s7 =	sld [smem:$0x3F5B]  }
0x1a: {  	s8 =	sadd.s32 $0xFFFFE003, lr  }
0x1b: {  	s9 =	sadd.s32 $0xFFFFFEF7, lr;
	s5 =	simm.s32 $0xFFFFFFFF;
	p2 =	slt.u32 s8, $0xFFFFF086  }
0x1c: {  	p1 =	slt.u32 s9, $0xF7A;
	s5 =	simm.s32 @!p2 $0x0  }
0x1d: {  	s5 =	simm.s32 @p1 $0x1;
	p0 =	seq.s32 s7, s2  }
0x1e: {  	s7 =	smul.u32 @!p0 $0xF7A, s2;
	p2 =	seq.s32 @!p0 s5, $0x0  }
0x1f: {  	s9 =	smul.u32 $0xF7A, s1;
	s8 =	simm.s32 @!p0 $0x1BF5;
	p2 =	por !p2, p0  }
0x20: {  	[sflag:s8] =	ssyncset.s32 @!p0 $0xFFFFF086;
	s6 =	sadd.s32 @!p0 s3, s7;
	s7 =	simm.s32 @!p0 $0x108  }
0x21: {  	s3 =	sadd.s32 s3, s9;
	s6 =	sadd.s32 @!p0 $0x88, s6;
	s7 =	simm.s32 @p2 $0x1082  }
0x22: {  	[simem:s7], [sflag:s8] =	dma.local @!p0 [hbm:s6], $0xF7A  }
0x23: {  	s9 =	sor.u32 $0xD0000000, s2;
	s6 =	simm.s32 $0x108;
	_ =	swait.ge @!p0 [sflag:s8], $0x0  }
0x24: {  	s3 =	sadd.s32 $0x88, s3;
	s6 =	simm.s32 @!p1 $0x1082;
	[sflag:s4] =	ssyncset.s32 $0xFFFFF086  }
0x25: {  	[simem:s6], [sflag:s4] =	dma.local [hbm:s3], $0xF7A  }
0x26: {  	[smem:$0x3F5B] =	sst s1;
	(tag) =	ssettag s2;
	_ =	strace s9  }
0x27: {  	s1 =	sld [smem:$0x3F6B]  }
0x28: {  	s2 =	sld [smem:$0x3F6C]  }
0x29: {  	s4 =	sld [smem:$0x3F6E]  }
0x2a: {  	p0 =	seq.s32 s5, $0x0;
	s5 =	sld [smem:$0x3F6F]  }
0x2b: {  	s6 =	sld [smem:$0x3F70]  }
0x2c: {  	s7 =	sld [smem:$0x3F71]  }
0x2d: {  	s3 =	simm.s32 $0x108;
	s8 =	sld [smem:$0x3F72]  }
0x2e: {  	s3 =	simm.s32 @!p0 $0x1082;
	s9 =	sld [smem:$0x3F73]  }
0x2f: {  	lr =	sadd.s32 s0, s3;
	s0 =	sld [smem:$0x3F6A]  }
0x30: {  	s3 =	sld [smem:$0x3F6D]  }
0x31: {  	[smem:$0x3F76] =	sst s10  }
0x32: {  	s10 =	sld [smem:$0x3F74];
	_ =	sdelay $0x3  }
0x33: {  	p0 =	seq.s32 s10, $0x1;
	s10 =	sld [smem:$0x3F76];
	_ =	sdelay $0x3  }
0x34: {  	[smem:$0x3F76] =	sst s10  }
0x35: {  	s10 =	sld [smem:$0x3F75];
	_ =	sdelay $0x3  }
0x36: {  	p1 =	seq.s32 s10, $0x1;
	s10 =	sld [smem:$0x3F76];
	_ =	sdelay $0x3  }
0x37: {  	[smem:$0x3F76] =	sst s10  }
0x38: {  	s10 =	sld [smem:$0x3F77]  }
0x39: {  	_ = 	snop;
	(pc) =	sbr.ind lr, $3  }
0x3a: {  	_ = 	snop  }
0x3b: {  	_ = 	snop  }
0x3c: {  	p2 =	seq.s32 s10, $0x1;
	s10 =	sld [smem:$0x3F76]  }
0x3d: {  	_ =	shalt  }
0x3e: {  	_ =	shalt  }
0x3f: {  	_ =	shalt  }
0x40: {  	_ =	shalt  }
0x41: {  	_ =	shalt  }
0x42: {  	_ =	shalt  }
0x43: {  	_ =	shalt  }
0x44: {  	_ =	shalt  }
0x45: {  	_ =	shalt  }
0x46: {  	_ =	shalt  }
0x47: {  	_ =	shalt  }
0x48: {  	_ =	shalt  }
0x49: {  	_ =	shalt  }
0x4a: {  	_ =	shalt  }
0x4b: {  	_ =	shalt  }
0x4c: {  	_ =	shalt  }
0x4d: {  	_ =	shalt  }
0x4e: {  	_ =	shalt  }
0x4f: {  	_ =	shalt  }
0x50: {  	_ =	shalt  }
0x51: {  	_ =	shalt  }
0x52: {  	_ =	shalt  }
0x53: {  	_ =	shalt  }
0x54: {  	_ =	shalt  }
0x55: {  	_ =	shalt  }
0x56: {  	_ =	shalt  }
0x57: {  	_ =	shalt  }
0x58: {  	_ =	shalt  }
0x59: {  	_ =	shalt  }
0x5a: {  	_ =	shalt  }
0x5b: {  	_ =	shalt  }
0x5c: {  	_ =	shalt  }
0x5d: {  	_ =	shalt  }
0x5e: {  	_ =	shalt  }
0x5f: {  	_ =	shalt  }
0x60: {  	_ =	shalt  }
0x61: {  	_ =	shalt  }
0x62: {  	_ =	shalt  }
0x63: {  	_ =	shalt  }
0x64: {  	_ =	shalt  }
0x65: {  	_ =	shalt  }
0x66: {  	_ =	shalt  }
0x67: {  	_ =	shalt  }
0x68: {  	_ =	shalt  }
0x69: {  	_ =	shalt  }
0x6a: {  	_ =	shalt  }
0x6b: {  	_ =	shalt  }
0x6c: {  	_ =	shalt  }
0x6d: {  	_ =	shalt  }
0x6e: {  	_ =	shalt  }
0x6f: {  	_ =	shalt  }
0x70: {  	_ =	shalt  }
0x71: {  	_ =	shalt  }
0x72: {  	_ =	shalt  }
0x73: {  	_ =	shalt  }
0x74: {  	_ =	shalt  }
0x75: {  	_ =	shalt  }
0x76: {  	_ =	shalt  }
0x77: {  	_ =	shalt  }
0x78: {  	_ =	shalt  }
0x79: {  	_ =	shalt  }
0x7a: {  	_ =	shalt  }
0x7b: {  	_ =	shalt  }
0x7c: {  	_ =	shalt  }
0x7d: {  	_ =	shalt  }
0x7e: {  	_ =	shalt  }
0x7f: {  	_ =	shalt  }
0x80: {  	_ =	shalt  }
0x81: {  	_ =	shalt  }
0x82: {  	_ =	shalt  }
0x83: {  	_ =	shalt  }
0x84: {  	_ =	shalt  }
0x85: {  	_ =	shalt  }
0x86: {  	_ =	shalt  }
0x87: {  	_ =	shalt  }
.Lfunc_end0:
.L_simem_size_0:
called_computation.5_lowered:
.L_overlay_start_0:
0x88: {  	s2 =	sld [smem:$0x3FD9]  }
0x89: {  	s3 =	sld [smem:$0x3FFE];
	_ =	sdelay $0x1  }
0x8a: {  	s1 =	srdreg.scid  }
0x8b: {  	s0 =	sand.u32 $0x1, s1  }
0x8c: {  	s16 =	sshll.u32 s0, $0xA;
	s2 =	sadd.s32 s3, s2  }
0x8d: {  	s2 =	sadd.s32 s2, s16  }
0x8e: {  	[smem:$0x3F82] =	sst s2  }
0x8f: {  	_ = 	snop  }
0x90: {  	(tm) =	ssettm $0x1  }
0x91: {  	s17 =	sld [smem:$0x3FFB];
	_ =	sdelay $0x3  }
0x92: {  	_ =	strace s17  }
0x93: {  	s2 =	sld [smem:$0x3FFC];
	_ =	sdelay $0x3  }
0x94: {  	_ =	strace s2  }
0x95: {  	s2 =	sld [smem:$0x3FFD];
	_ =	sdelay $0x3  }
0x96: {  	_ =	strace s2  }
0x97: {  	_ =	strace $0x8FFFFFFF  }
0x98: {  	s18 =	sld [smem:$0x3FDB];
	_ =	sdelay $0x1  }
0x99: {  	s19 =	simm.s32 $_scs_section_size  }
0x9a: {  	s4 =	simm.s32 $_size__tile_overlayer_lowered;
	s5 =	simm.s32 $_tile_overlayer_lowered  }
0x9b: {  	s22 =	simm.s32 $0x1BFF;
	s21 =	sshll.u32 s5, $0x1;
	s2 =	sadd.s32 s19, s18  }
0x9c: {  	s6 =	simm.s32 $0x0;
	s20 =	sshll.u32 s4, $0x1;
	s4 =	sadd.s32 s21, s2  }
0x9d: {  	[timem:s6], [sflag:s22] =	dma.local [hbm:s4], s20  }
0x9e: {  	_ =	swait.ge [sflag:s22], s20  }
0x9f: {  	s3 =	ssub.s32 $0x0, s20;
	[sflag:s22] =	ssyncset.done $0x0  }
0xa0: {  	[sflag:s22] =	ssyncadd.s32 s3;
	_ =	sdelay $0x1  }
0xa1: {  	s23 =	simm.s32 $0x1B8B  }
0xa2: {  	_ =	swait.ge [sflag:s23], $0x1  }
0xa3: {  	[sflag:s23] =	ssyncset.done $0x0  }
0xa4: {  	s25 =	simm.s32 $0x1B8E;
	s24 =	sld [smem:$0x3FFE];
	[sflag:s23] =	ssyncadd.s32 $0xFFFFFFFF  }
0xa5: {  	s26 =	simm.s32 $execute0_lowered;
	[smem:$0x3FD2] =	sst s25  }
0xa6: {  	s4 =	sshll.u32 s26, $0x1;
	_ =	strace $0x80000055;
	[dreg:$0x1] =	wrdreg $0xFFFFFFFF  }
0xa7: {  	s28 =	simm.s32 $_size_execute0_lowered;
	s2 =	sadd.s32 s2, s4;
	[dreg:$0x0] =	wrdreg $0x0  }
0xa8: {  	s4 =	sshll.u32 s28, $0x1;
	[dreg:$0x2] =	wrdreg s2  }
0xa9: {  	[dreg:$0x3] =	wrdreg s4  }
0xaa: {  	[dreg:$0x4] =	wrdreg $0xC0  }
0xab: {  	_ =	task [dreg:s6], $0x5FFFF  }
0xac: {  	[dreg:$0x1] =	wrdreg $0xFFFFFFFF  }
0xad: {  	[dreg:$0x0] =	wrdreg $0x60  }
0xae: {  	[dreg:$0x2] =	wrdreg s24  }
0xaf: {  	[dreg:$0x3] =	wrdreg $0x9  }
0xb0: {  	_ =	task.clear_ibuf [dreg:s6], $0x4FFFF;
	_ =	strace $0x90000055  }
0xb1: {  	s29 =	simm.s32 $0x9;
	_ =	strace $0x80000057  }
0xb2: {  	_ =	swait.ge [sflag:s29], $0x1  }
0xb3: {  	[sflag:s29] =	ssyncadd.s32 $0xFFFFFFFF  }
0xb4: {  	_ =	strace $0x90000057  }
0xb5: {  	_ =	sfence  }
0xb6: {  	s30 =	sld [smem:$0x0];
	_ =	sdelay $0x2  }
0xb7: {  	s31 =	sshll.u32 s1, $0xD;
	s1 =	sshrl.u32 s1, $0x2  }
0xb8: {  	s3 =	sand.u32 $0x4000, s31;
	s1 =	sadd.s32 s1, s30  }
0xb9: {  	s0 =	sor.u32 s3, s0;
	s1 =	sshll.u32 s1, $0x11  }
0xba: {  	s0 =	sor.u32 s1, s0  }
0xbb: {  	s0 =	sadd.s32 $0x8F2B, s0  }
0xbc: {  	[sflag:s0] =	ssyncadd.remote.s32 $0x1  }
0xbd: {  	_ =	sfence.sel $0xFFFF  }
0xbe: {  	[dreg:$0x0] =	wrdreg $0xFFFFFFFF;
	(pc) =	sbr.abs _section_cstart, $3  }
0xbf: {  	[dreg:$0x1] =	wrdreg $0xFFFFFFFF  }
0xc0: {  	_ =	task.clear_ibuf [dreg:s6], $0x2FFFF;
	_ =	strace $0x9FFFFFFF  }
0xc1: {  	(tm) =	ssettm $0x7FFFFFFF  }
tec
execute0_lowered:
.L_overlay_start_1:
0x0: {  	(tag) =	ssettag $0x1  }
0x1: {  	s1 =	srdreg.scid  }
0x2: {  	s0 =	stileid.u32;
	s4 =	rddreg [dreg:$0x0];
	s2 =	simm.s32 $0x0  }
0x3: {  	s11 =	simm.s32 $0x0;
	s5 =	sand.u32 $0x1, s1;
	s1 =	rddreg [dreg:$0x1]  }
0x4: {  	s3 =	sshll.u32 s0, $0x1;
	[smem:$0x7FF] =	sst s2;
	s7 =	smul.u32 $0x14000, s0  }
0x5: {  	s3 =	sor.u32 s5, s3;
	_ =	strace $0x80000056;
	s10 =	smul.u32 $0xA000, s5  }
0x6: {  	s8 =	ssub.s32 $0x2, s5;
	s6 =	smul.u32 $0x280, s3;
	s3 =	sadd.s32 $0x1A0A00, s4  }
0x7: {  	s9 =	sshrl.u32 s8, $0x1;
	s30 =	sadd.s32 s7, s4;
	s7 =	simm.s32 $0x2  }
0x8: {  	s31 =	ssub.s32 s8, s9;
	s8 =	simm.s32 $0x80;
	s9 =	simm.s32 $0x1400  }
0x9: {  	s29 =	sadd.s32 s6, s4;
	s5 =	smax.u32 s31, $0x1;
	s6 =	sadd.s32 s10, s30  }
0xa: {  	s10 =	simm.s32 $0x1;
	s4 =	sadd.s32 $0x4B200, s29;
	s6 =	sadd.s32 $0x50200, s6  }
.LBB2_1:
0xb: {  	[tilespmem:s2], [sflag:$0x2] =	stream.linear.gather [hbm4b:s4+s2], $0x1400, $0x38;
	[tilespmem:$0x3400] =	vst v63  }
0xc: {  	_ =	swait.ge [sflag:s7], $0x1400  }
0xd: {  	[sflag:s7] =	ssyncset.done $0x0  }
0xe: {  	s12 =	simm.s32 $0x0;
	[sflag:s7] =	ssyncadd.s32 $0xFFFFEC00  }
0xf: {  	[tilespmem:s9], [sflag:$0x1] =	stream.indirect.gather [hbm4b:s3+s8], $0x40, s12, s8, $0xb8;
	[tilespmem:$0x3400] =	vst v63  }
0x10: {  	_ =	swait.ge [sflag:s10], $0x2000  }
0x11: {  	[sflag:s10] =	ssyncset.done $0x0  }
0x12: {  	[sflag:s10] =	ssyncadd.s32 $0xFFFFE000  }
0x13: {  	[hbm4b:s6+s2] =	stream.linear.scatter [tilespmem:s9], [sflag:$0x2], $0x2000, $0x38;
	[tilespmem:$0x3400] =	vst v63  }
0x14: {  	s13 =	simm.s32 $0x200;
	_ =	swait.ge [sflag:s7], $0x2000  }
0x15: {  	s14 =	simm.s32 $0x400;
	s12 =	sadd.s32 $0x400, s6;
	[sflag:s7] =	ssyncset.done $0x0  }
.LBB2_2:
0x16: {  	s15 =	sshra.s32 s13, $0x2  }
0x17: {  	[sflag:s7] =	ssyncadd.s32 $0xFFFFE000;
	s13 =	smov.u32 s14;
	s16 =	sadd.s32 $0x200, s14  }
0x18: {  	[tilespmem:s9], [sflag:$0x1] =	stream.indirect.gather [hbm4b:s3+s8], $0x40, s15, s8, $0xb8;
	[tilespmem:$0x3400] =	vst v63  }
0x19: {  	p0 =	sne.s32 s14, $0x4E00;
	_ =	swait.ge [sflag:s10], $0x2000  }
.Ltmp0:
0x1a: {  	[sflag:s10] =	ssyncset.done $0x0;
	(pc) =	sbr.rel @p0 .LBB2_2-.Ltmp0, $4  }
0x1b: {  	[sflag:s10] =	ssyncadd.s32 $0xFFFFE000  }
0x1c: {  	[hbm4b:s12+s2] =	stream.linear.scatter [tilespmem:s9], [sflag:$0x2], $0x2000, $0x38;
	[tilespmem:$0x3400] =	vst v63  }
0x1d: {  	_ =	swait.ge [sflag:s7], $0x2000  }
0x1e: {  	s14 =	smov.u32 s16;
	s12 =	sadd.s32 $0x400, s12;
	[sflag:s7] =	ssyncset.done $0x0  }
0x1f: {  	s13 =	sshra.s32 s13, $0x2;
	[sflag:s7] =	ssyncadd.s32 $0xFFFFE000  }
0x20: {  	[tilespmem:s9], [sflag:$0x1] =	stream.indirect.gather [hbm4b:s3+s8], $0x40, s13, s8, $0xb8;
	[tilespmem:$0x3400] =	vst v63  }
0x21: {  	s11 =	sadd.s32 $0x1, s11;
	_ =	swait.ge [sflag:s10], $0x2000  }
0x22: {  	p0 =	sne.s32 s11, s5;
	[sflag:s10] =	ssyncset.done $0x0  }
.Ltmp1:
0x23: {  	[sflag:s10] =	ssyncadd.s32 $0xFFFFE000;
	(pc) =	sbr.rel @p0 .LBB2_1-.Ltmp1, $4  }
0x24: {  	[hbm4b:s12+s2] =	stream.linear.scatter [tilespmem:s9], [sflag:$0x2], $0x2000, $0x38;
	[tilespmem:$0x3400] =	vst v63  }
0x25: {  	_ =	swait.ge [sflag:s7], $0x2000  }
0x26: {  	[sflag:s7] =	ssyncset.done $0x0  }
0x27: {  	[sflag:s7] =	ssyncadd.s32 $0xFFFFE000  }
0x28: {  	_ =	sfence.sel $0x180000  }
0x29: {  	[bflag:$0x0] =	sbarrier.arrive $0xFFFF  }
0x2a: {  	p0 =	sne.s32 s0, $0x0;
	_ =	strace $0x90000056  }
0x2b: {  	s0 =	sadd.s32 @!p0 $0x100000, s1;
	[bflag:$0x2] =	sbarrier.arrive $0xFFFF  }
0x2c: {  	[sflag:s0] =	ssyncadd.tile.s32 @!p0 $0x1;
	_ =	shalt  }
.Lfunc_end2:
_tile_overlayer_lowered:
.L_overlay_start_2:
0x2d: {  	(tag) =	ssettag $0x2  }
0x2e: {  	s0 =	rddreg [dreg:$0x0];
	s2 =	stileid.u32  }
0x2f: {  	s1 =	rddreg [dreg:$0x1];
	p0 =	sne.s32 s2, $0x0  }
0x30: {  	s3 =	rddreg [dreg:$0x2];
	[bflag:$0x3] =	sbarrier.arrive $0xFFFF;
	s2 =	simm.s32 @!p0 $0x1C02  }
0x31: {  	[timem:s3], [sflag:s2] =	dma.local @!p0 [hbm:s0], s1  }
0x32: {  	s0 =	simm.s32 @!p0 $0x2  }
0x33: {  	_ =	swait.ge @!p0 [sflag:s0], s1  }
0x34: {  	s1 =	ssub.s32 @!p0 $0x0, s1;
	[sflag:s0] =	ssyncset.done @!p0 $0x0  }
0x35: {  	[sflag:s0] =	ssyncadd.s32 @!p0 s1  }
0x36: {  	[bflag:$0x3] =	sbarrier.arrive $0xFFFF  }
0x37: {  	_ =	shalt  }

// kernel: kernel.35.cloned.1.call-start
scs
__scs_entry_jumppad:
0x0: {  	(pc) =	sbr.rel $0x88, $3  }
0x1: {  	(tag) =	ssettag $0x0;
	lr =	simm.s32 $0x1  }
0x2: {  	[smem:$0x3F5B] =	sst lr;
	_ =	strace $0xD0000000  }
0x3: {  	_ = 	snop  }
0x4: {  	_ = 	snop  }
0x5: {  	_ = 	snop  }
0x6: {  	_ = 	snop  }
0x7: {  	_ = 	snop  }
__scs_overlays_trampoline_lowered:
0x8: {  	[smem:$0x3F6A] =	sst s0  }
0x9: {  	[smem:$0x3F6B] =	sst s1  }
0xa: {  	[smem:$0x3F6C] =	sst s2  }
0xb: {  	[smem:$0x3F6D] =	sst s3  }
0xc: {  	[smem:$0x3F6E] =	sst s4  }
0xd: {  	[smem:$0x3F6F] =	sst s5  }
0xe: {  	[smem:$0x3F70] =	sst s6  }
0xf: {  	[smem:$0x3F71] =	sst s7  }
0x10: {  	[smem:$0x3F72] =	sst s8  }
0x11: {  	[smem:$0x3F73] =	sst s9;
	s0 =	simm.s32 @!p0 $0x0  }
0x12: {  	s1 =	sld [smem:$0x3F59];
	s0 =	simm.s32 @p0 $0x1  }
0x13: {  	[smem:$0x3F74] =	sst s0;
	s0 =	simm.s32 @!p1 $0x0  }
0x14: {  	s2 =	sld [smem:$0x3F58];
	s0 =	simm.s32 @p1 $0x1  }
0x15: {  	[smem:$0x3F75] =	sst s0;
	s0 =	simm.s32 @!p2 $0x0  }
0x16: {  	s3 =	sld [smem:$0x3FDB];
	s0 =	simm.s32 @p2 $0x1  }
0x17: {  	s4 =	simm.s32 $0x1BF5;
	[smem:$0x3F77] =	sst s0  }
0x18: {  	s0 =	sld [smem:$0x3F5A];
	_ =	swait.ge [sflag:s4], $0x0  }
0x19: {  	s7 =	sld [smem:$0x3F5B]  }
0x1a: {  	s8 =	sadd.s32 $0xFFFFE003, lr  }
0x1b: {  	s9 =	sadd.s32 $0xFFFFFEF7, lr;
	s5 =	simm.s32 $0xFFFFFFFF;
	p2 =	slt.u32 s8, $0xFFFFF086  }
0x1c: {  	p1 =	slt.u32 s9, $0xF7A;
	s5 =	simm.s32 @!p2 $0x0  }
0x1d: {  	s5 =	simm.s32 @p1 $0x1;
	p0 =	seq.s32 s7, s2  }
0x1e: {  	s7 =	smul.u32 @!p0 $0xF7A, s2;
	p2 =	seq.s32 @!p0 s5, $0x0  }
0x1f: {  	s9 =	smul.u32 $0xF7A, s1;
	s8 =	simm.s32 @!p0 $0x1BF5;
	p2 =	por !p2, p0  }
0x20: {  	[sflag:s8] =	ssyncset.s32 @!p0 $0xFFFFF086;
	s6 =	sadd.s32 @!p0 s3, s7;
	s7 =	simm.s32 @!p0 $0x108  }
0x21: {  	s3 =	sadd.s32 s3, s9;
	s6 =	sadd.s32 @!p0 $0x88, s6;
	s7 =	simm.s32 @p2 $0x1082  }
0x22: {  	[simem:s7], [sflag:s8] =	dma.local @!p0 [hbm:s6], $0xF7A  }
0x23: {  	s9 =	sor.u32 $0xD0000000, s2;
	s6 =	simm.s32 $0x108;
	_ =	swait.ge @!p0 [sflag:s8], $0x0  }
0x24: {  	s3 =	sadd.s32 $0x88, s3;
	s6 =	simm.s32 @!p1 $0x1082;
	[sflag:s4] =	ssyncset.s32 $0xFFFFF086  }
0x25: {  	[simem:s6], [sflag:s4] =	dma.local [hbm:s3], $0xF7A  }
0x26: {  	[smem:$0x3F5B] =	sst s1;
	(tag) =	ssettag s2;
	_ =	strace s9  }
0x27: {  	s1 =	sld [smem:$0x3F6B]  }
0x28: {  	s2 =	sld [smem:$0x3F6C]  }
0x29: {  	s4 =	sld [smem:$0x3F6E]  }
0x2a: {  	p0 =	seq.s32 s5, $0x0;
	s5 =	sld [smem:$0x3F6F]  }
0x2b: {  	s6 =	sld [smem:$0x3F70]  }
0x2c: {  	s7 =	sld [smem:$0x3F71]  }
0x2d: {  	s3 =	simm.s32 $0x108;
	s8 =	sld [smem:$0x3F72]  }
0x2e: {  	s3 =	simm.s32 @!p0 $0x1082;
	s9 =	sld [smem:$0x3F73]  }
0x2f: {  	lr =	sadd.s32 s0, s3;
	s0 =	sld [smem:$0x3F6A]  }
0x30: {  	s3 =	sld [smem:$0x3F6D]  }
0x31: {  	[smem:$0x3F76] =	sst s10  }
0x32: {  	s10 =	sld [smem:$0x3F74];
	_ =	sdelay $0x3  }
0x33: {  	p0 =	seq.s32 s10, $0x1;
	s10 =	sld [smem:$0x3F76];
	_ =	sdelay $0x3  }
0x34: {  	[smem:$0x3F76] =	sst s10  }
0x35: {  	s10 =	sld [smem:$0x3F75];
	_ =	sdelay $0x3  }
0x36: {  	p1 =	seq.s32 s10, $0x1;
	s10 =	sld [smem:$0x3F76];
	_ =	sdelay $0x3  }
0x37: {  	[smem:$0x3F76] =	sst s10  }
0x38: {  	s10 =	sld [smem:$0x3F77]  }
0x39: {  	_ = 	snop;
	(pc) =	sbr.ind lr, $3  }
0x3a: {  	_ = 	snop  }
0x3b: {  	_ = 	snop  }
0x3c: {  	p2 =	seq.s32 s10, $0x1;
	s10 =	sld [smem:$0x3F76]  }
0x3d: {  	_ =	shalt  }
0x3e: {  	_ =	shalt  }
0x3f: {  	_ =	shalt  }
0x40: {  	_ =	shalt  }
0x41: {  	_ =	shalt  }
0x42: {  	_ =	shalt  }
0x43: {  	_ =	shalt  }
0x44: {  	_ =	shalt  }
0x45: {  	_ =	shalt  }
0x46: {  	_ =	shalt  }
0x47: {  	_ =	shalt  }
0x48: {  	_ =	shalt  }
0x49: {  	_ =	shalt  }
0x4a: {  	_ =	shalt  }
0x4b: {  	_ =	shalt  }
0x4c: {  	_ =	shalt  }
0x4d: {  	_ =	shalt  }
0x4e: {  	_ =	shalt  }
0x4f: {  	_ =	shalt  }
0x50: {  	_ =	shalt  }
0x51: {  	_ =	shalt  }
0x52: {  	_ =	shalt  }
0x53: {  	_ =	shalt  }
0x54: {  	_ =	shalt  }
0x55: {  	_ =	shalt  }
0x56: {  	_ =	shalt  }
0x57: {  	_ =	shalt  }
0x58: {  	_ =	shalt  }
0x59: {  	_ =	shalt  }
0x5a: {  	_ =	shalt  }
0x5b: {  	_ =	shalt  }
0x5c: {  	_ =	shalt  }
0x5d: {  	_ =	shalt  }
0x5e: {  	_ =	shalt  }
0x5f: {  	_ =	shalt  }
0x60: {  	_ =	shalt  }
0x61: {  	_ =	shalt  }
0x62: {  	_ =	shalt  }
0x63: {  	_ =	shalt  }
0x64: {  	_ =	shalt  }
0x65: {  	_ =	shalt  }
0x66: {  	_ =	shalt  }
0x67: {  	_ =	shalt  }
0x68: {  	_ =	shalt  }
0x69: {  	_ =	shalt  }
0x6a: {  	_ =	shalt  }
0x6b: {  	_ =	shalt  }
0x6c: {  	_ =	shalt  }
0x6d: {  	_ =	shalt  }
0x6e: {  	_ =	shalt  }
0x6f: {  	_ =	shalt  }
0x70: {  	_ =	shalt  }
0x71: {  	_ =	shalt  }
0x72: {  	_ =	shalt  }
0x73: {  	_ =	shalt  }
0x74: {  	_ =	shalt  }
0x75: {  	_ =	shalt  }
0x76: {  	_ =	shalt  }
0x77: {  	_ =	shalt  }
0x78: {  	_ =	shalt  }
0x79: {  	_ =	shalt  }
0x7a: {  	_ =	shalt  }
0x7b: {  	_ =	shalt  }
0x7c: {  	_ =	shalt  }
0x7d: {  	_ =	shalt  }
0x7e: {  	_ =	shalt  }
0x7f: {  	_ =	shalt  }
0x80: {  	_ =	shalt  }
0x81: {  	_ =	shalt  }
0x82: {  	_ =	shalt  }
0x83: {  	_ =	shalt  }
0x84: {  	_ =	shalt  }
0x85: {  	_ =	shalt  }
0x86: {  	_ =	shalt  }
0x87: {  	_ =	shalt  }
.Lfunc_end0:
.L_simem_size_0:
called_computation.6_lowered:
.L_overlay_start_0:
0x88: {  	s2 =	sld [smem:$0x3FD9]  }
0x89: {  	s3 =	sld [smem:$0x3FFE];
	_ =	sdelay $0x1  }
0x8a: {  	s1 =	srdreg.scid  }
0x8b: {  	s0 =	sand.u32 $0x1, s1  }
0x8c: {  	s16 =	sshll.u32 s0, $0xA;
	s2 =	sadd.s32 s3, s2  }
0x8d: {  	s2 =	sadd.s32 s2, s16  }
0x8e: {  	[smem:$0x3F82] =	sst s2  }
0x8f: {  	_ = 	snop  }
0x90: {  	(tm) =	ssettm $0x1  }
0x91: {  	s17 =	sld [smem:$0x3FFB];
	_ =	sdelay $0x3  }
0x92: {  	_ =	strace s17  }
0x93: {  	s2 =	sld [smem:$0x3FFC];
	_ =	sdelay $0x3  }
0x94: {  	_ =	strace s2  }
0x95: {  	s2 =	sld [smem:$0x3FFD];
	_ =	sdelay $0x3  }
0x96: {  	_ =	strace s2  }
0x97: {  	_ =	strace $0x8FFFFFFF  }
0x98: {  	s18 =	sld [smem:$0x3FDB];
	_ =	sdelay $0x1  }
0x99: {  	s19 =	simm.s32 $_scs_section_size  }
0x9a: {  	s4 =	simm.s32 $_size__tile_overlayer_lowered;
	s5 =	simm.s32 $_tile_overlayer_lowered  }
0x9b: {  	s22 =	simm.s32 $0x1BFF;
	s21 =	sshll.u32 s5, $0x1;
	s2 =	sadd.s32 s19, s18  }
0x9c: {  	s6 =	simm.s32 $0x0;
	s20 =	sshll.u32 s4, $0x1;
	s4 =	sadd.s32 s21, s2  }
0x9d: {  	[timem:s6], [sflag:s22] =	dma.local [hbm:s4], s20  }
0x9e: {  	_ =	swait.ge [sflag:s22], s20  }
0x9f: {  	s3 =	ssub.s32 $0x0, s20;
	[sflag:s22] =	ssyncset.done $0x0  }
0xa0: {  	[sflag:s22] =	ssyncadd.s32 s3;
	_ =	sdelay $0x1  }
0xa1: {  	s23 =	simm.s32 $0x1B8B  }
0xa2: {  	_ =	swait.ge [sflag:s23], $0x1  }
0xa3: {  	[sflag:s23] =	ssyncset.done $0x0  }
0xa4: {  	s25 =	simm.s32 $0x1B8E;
	s24 =	sld [smem:$0x3FFE];
	[sflag:s23] =	ssyncadd.s32 $0xFFFFFFFF  }
0xa5: {  	s26 =	simm.s32 $execute0_lowered;
	[smem:$0x3FD2] =	sst s25  }
0xa6: {  	s4 =	sshll.u32 s26, $0x1;
	_ =	strace $0x80000058;
	[dreg:$0x1] =	wrdreg $0xFFFFFFFF  }
0xa7: {  	s28 =	simm.s32 $_size_execute0_lowered;
	s2 =	sadd.s32 s2, s4;
	[dreg:$0x0] =	wrdreg $0x0  }
0xa8: {  	s4 =	sshll.u32 s28, $0x1;
	[dreg:$0x2] =	wrdreg s2  }
0xa9: {  	[dreg:$0x3] =	wrdreg s4  }
0xaa: {  	[dreg:$0x4] =	wrdreg $0xC0  }
0xab: {  	_ =	task [dreg:s6], $0x5FFFF  }
0xac: {  	[dreg:$0x1] =	wrdreg $0xFFFFFFFF  }
0xad: {  	[dreg:$0x0] =	wrdreg $0x60  }
0xae: {  	[dreg:$0x2] =	wrdreg s24  }
0xaf: {  	[dreg:$0x3] =	wrdreg $0x34000  }
0xb0: {  	[dreg:$0x4] =	wrdreg $0x9  }
0xb1: {  	_ =	task.clear_ibuf [dreg:s6], $0x5FFFF;
	_ =	strace $0x90000058  }
0xb2: {  	s29 =	simm.s32 $0x9;
	_ =	strace $0x8000005A  }
0xb3: {  	_ =	swait.ge [sflag:s29], $0x1  }
0xb4: {  	[sflag:s29] =	ssyncadd.s32 $0xFFFFFFFF  }
0xb5: {  	_ =	strace $0x9000005A  }
0xb6: {  	_ =	sfence  }
0xb7: {  	s30 =	sld [smem:$0x0];
	_ =	sdelay $0x2  }
0xb8: {  	s31 =	sshll.u32 s1, $0xD;
	s1 =	sshrl.u32 s1, $0x2  }
0xb9: {  	s3 =	sand.u32 $0x4000, s31;
	s1 =	sadd.s32 s1, s30  }
0xba: {  	s0 =	sor.u32 s3, s0;
	s1 =	sshll.u32 s1, $0x11  }
0xbb: {  	s0 =	sor.u32 s1, s0  }
0xbc: {  	s0 =	sadd.s32 $0x8F2B, s0  }
0xbd: {  	[sflag:s0] =	ssyncadd.remote.s32 $0x1  }
0xbe: {  	_ =	sfence.sel $0xFFFF  }
0xbf: {  	[dreg:$0x0] =	wrdreg $0xFFFFFFFF;
	(pc) =	sbr.abs _section_cstart, $3  }
0xc0: {  	[dreg:$0x1] =	wrdreg $0xFFFFFFFF  }
0xc1: {  	_ =	task.clear_ibuf [dreg:s6], $0x2FFFF;
	_ =	strace $0x9FFFFFFF  }
0xc2: {  	(tm) =	ssettm $0x7FFFFFFF  }
0xc3: {  	_ =	shalt  }
tec
execute0_lowered:
.L_overlay_start_1:
0x0: {  	(tag) =	ssettag $0x1  }
0x1: {  	s5 =	rddreg [dreg:$0x0]  }
0x2: {  	s2 =	rddreg [dreg:$0x1]  }
0x3: {  	s0 =	rddreg [dreg:$0x2]  }
0x4: {  	s1 =	stileid.u32;
	s3 =	srdreg.scid  }
0x5: {  	s14 =	simm.s32 $0x0;
	s4 =	smul.u32 $0x14000, s1;
	s6 =	sand.u32 $0x1, s3  }
0x6: {  	s7 =	sshll.u32 s1, $0x1;
	s8 =	smul.u32 $0xA000, s1;
	s3 =	simm.s32 $0x0  }
0x7: {  	s30 =	sshll.u32 s1, $0x6;
	s7 =	sor.u32 s6, s7;
	s9 =	smul.u32 $0xA0000, s6  }
0x8: {  	[smem:$0x7FF] =	sst s3;
	s11 =	ssub.s32 $0x2, s6;
	s12 =	smul.u32 $0xA000, s6  }
0x9: {  	s7 =	smul.u32 $0x280, s7;
	_ =	strace $0x80000059;
	s10 =	sadd.s32 s4, s5  }
0xa: {  	s4 =	sadd.s32 $0x37800, s5;
	s29 =	sshrl.u32 s11, $0x1;
	s13 =	sadd.s32 s8, s2  }
0xb: {  	s28 =	sadd.s32 s8, s9;
	s11 =	ssub.s32 s11, s29;
	s31 =	sadd.s32 s12, s10  }
0xc: {  	s10 =	sshrl.u32 s13, $0x3;
	s12 =	simm.s32 $0x1400;
	s13 =	simm.s32 $0x80  }
0xd: {  	s7 =	sadd.s32 s7, s5;
	s9 =	sshrl.u32 s28, $0x3;
	s8 =	smax.u32 s11, $0x1  }
0xe: {  	s11 =	simm.s32 $0x1;
	s9 =	sadd.s32 s9, s5;
	s6 =	sadd.s32 $0x190200, s7  }
0xf: {  	s5 =	sor.u32 $0x1C01, s30;
	s7 =	sadd.s32 $0x195200, s9;
	s9 =	sadd.s32 $0x38C00, s31  }
.LBB2_1:
0x10: {  	[spmem:s10], [sflag:s5] =	dma.local [hbm:s4], $0x1400  }
0x11: {  	_ =	swait.ge [sflag:s11], $0x1400  }
0x12: {  	[sflag:s11] =	ssyncset.done $0x0  }
0x13: {  	[sflag:s11] =	ssyncadd.s32 $0xFFFFEC00  }
0x14: {  	[tilespmem:s3], [sflag:$0x1] =	stream.linear.gather [hbm4b:s6+s3], $0x1400, $0x38;
	[tilespmem:$0xD400] =	vst v63  }
0x15: {  	_ =	swait.ge [sflag:s11], $0x1400  }
0x16: {  	[sflag:s11] =	ssyncset.done $0x0  }
0x17: {  	[sflag:s11] =	ssyncadd.s32 $0xFFFFEC00  }
0x18: {  	[bflag:$0x0] =	sbarrier.arrive $0xFFFF  }
0x19: {  	[tilespmem:s12], [sflag:$0x1] =	stream.linear.gather [hbm4b:s9+s3], $0x2000, $0x38;
	[tilespmem:$0xD400] =	vst v63  }
0x1a: {  	_ =	swait.ge [sflag:s11], $0x2000  }
0x1b: {  	[sflag:s11] =	ssyncset.done $0x0  }
0x1c: {  	s15 =	simm.s32 $0x0;
	[sflag:s11] =	ssyncadd.s32 $0xFFFFE000  }
0x1d: {  	[spmem:s2] =	stream.indirect.scatter.add.f32 [tilespmem:s12], [sflag:$0x1], $0x40, s15, s13, $0xb8;
	[tilespmem:$0xD400] =	vst v63  }
0x1e: {  	_ =	swait.ge [sflag:s11], $0x2000  }
0x1f: {  	s16 =	smov.u32 s9;
	s15 =	simm.s32 $0x200;
	[sflag:s11] =	ssyncset.done $0x0  }
.LBB2_2:
0x20: {  	p0 =	sne.s32 s15, $0x4E00;
	[sflag:s11] =	ssyncadd.s32 $0xFFFFE000;
	s16 =	sadd.s32 $0x400, s16  }
0x21: {  	[tilespmem:s12], [sflag:$0x1] =	stream.linear.gather [hbm4b:s16+s3], $0x2000, $0x38;
	[tilespmem:$0xD400] =	vst v63  }
0x22: {  	s17 =	smov.u32 s15;
	s15 =	sadd.s32 $0x200, s15;
	_ =	swait.ge [sflag:s11], $0x2000  }
.Ltmp0:
0x23: {  	[sflag:s11] =	ssyncset.done $0x0;
	(pc) =	sbr.rel @p0 .LBB2_2-.Ltmp0, $4  }
0x24: {  	s17 =	sshra.s32 s17, $0x2;
	[sflag:s11] =	ssyncadd.s32 $0xFFFFE000  }
0x25: {  	[spmem:s2] =	stream.indirect.scatter.add.f32 [tilespmem:s12], [sflag:$0x1], $0x40, s17, s13, $0xb8;
	[tilespmem:$0xD400] =	vst v63  }
0x26: {  	_ =	swait.ge [sflag:s11], $0x2000  }
0x27: {  	[sflag:s11] =	ssyncset.done $0x0  }
0x28: {  	s14 =	sadd.s32 $0x1, s14  }
0x29: {  	[sflag:s11] =	ssyncadd.s32 $0xFFFFE000;
	p0 =	sne.s32 s14, s8  }
.Ltmp1:
0x2a: {  	[bflag:$0x0] =	sbarrier.arrive $0xFFFF;
	(pc) =	sbr.rel @p0 .LBB2_1-.Ltmp1, $4  }
0x2b: {  	[hbm:s7], [sflag:s5] =	dma.local [spmem:s10], $0x1400  }
0x2c: {  	_ =	swait.ge [sflag:s11], $0x1400  }
0x2d: {  	[sflag:s11] =	ssyncset.done $0x0  }
0x2e: {  	[sflag:s11] =	ssyncadd.s32 $0xFFFFEC00  }
0x2f: {  	_ =	sfence.sel $0x180000  }
0x30: {  	[bflag:$0x0] =	sbarrier.arrive $0xFFFF  }
0x31: {  	p0 =	sne.s32 s1, $0x0;
	_ =	strace $0x90000059  }
0x32: {  	s0 =	sadd.s32 @!p0 $0x100000, s0;
	[bflag:$0x2] =	sbarrier.arrive $0xFFFF  }
0x33: {  	[sflag:s0] =	ssyncadd.tile.s32 @!p0 $0x1;
	_ =	shalt  }
.Lfunc_end2:
_tile_overlayer_lowered:
.L_overlay_start_2:
0x34: {  	(tag) =	ssettag $0x2  }
0x35: {  	s0 =	rddreg [dreg:$0x0];
	s2 =	stileid.u32  }
0x36: {  	s1 =	rddreg [dreg:$0x1];
	p0 =	sne.s32 s2, $0x0  }
0x37: {  	s3 =	rddreg [dreg:$0x2];
	[bflag:$0x3] =	sbarrier.arrive $0xFFFF;
	s2 =	simm.s32 @!p0 $0x1C01  }
0x38: {  	[timem:s3], [sflag:s2] =	dma.local @!p0 [hbm:s0], s1  }
0x39: {  	s0 =	simm.s32 @!p0 $0x1  }
0x3a: {  	_ =	swait.ge @!p0 [sflag:s0], s1  }
0x3b: {  	s1 =	ssub.s32 @!p0 $0x0, s1;
	[sflag:s0] =	ssyncset.done @!p0 $0x0  }
0x3c: {  	[sflag:s0] =	ssyncadd.s32 @!p0 s1  }
0x3d: {  	[bflag:$0x3] =	sbarrier.arrive $0xFFFF  }
0x3e: {  	_ =	shalt  }

</sc_bundles>
